<compile_context>
chip_gen: v7x
topology: tpu7x:2x2x1
jax: 0.10.2.dev20260603
libtpu: 0.0.44.dev20260713+nightly
codegen_flags: <defaults>
</compile_context>

<pallas_src>
import jax
import jax.numpy as jnp
from jax.experimental import pallas as pl

NUM_CLIENTS = 100000
NUM_ITEMS = 1000000
NUM_NODES = NUM_CLIENTS + NUM_ITEMS


def _copy_body(x_ref, o_ref):
    o_ref[...] = jnp.maximum(x_ref[...], x_ref[...])


def kernel(client_ids, item_ids, node_emb, W_agg, W_self):
    B, L = item_ids.shape
    D = node_emb.shape[1]
    item_flat = item_ids.reshape(-1)
    ce = node_emb[client_ids]
    cfull = jnp.repeat(ce, L, axis=0)
    msg = jax.ops.segment_sum(cfull, item_flat, num_segments=NUM_ITEMS)
    deg = jax.ops.segment_sum(jnp.ones((B * L,), jnp.float32), item_flat,
                              num_segments=NUM_ITEMS)
    agg = msg[item_flat] / jnp.maximum(deg[item_flat], 1.0)[:, None]
    emb_d = node_emb[item_flat + NUM_CLIENTS]
    h = jax.nn.relu(agg @ W_agg + emb_d @ W_self)

    out = pl.pallas_call(
        _copy_body,
        grid=(64,),
        in_specs=[pl.BlockSpec((B * L // 64, D), lambda i: (i, 0))],
        out_specs=pl.BlockSpec((B * L // 64, D), lambda i: (i, 0)),
        out_shape=jax.ShapeDtypeStruct((B * L, D), jnp.float32),
    )(h)
    return out.reshape(B, L, D)

# --- scband reference (transcript-rebuilt; emitter-appended) ---
"""Pipeline reference for scband-static-gnntrainable-client-item-encoder-54116587929920 (READ-ONLY COPY).

The authoritative reference and input builder live on the scoring server;
editing this copy changes nothing except your own understanding.
"""

import jax, jax.numpy as jnp
import numpy as np

NUM_CLIENTS = 100000
NUM_ITEMS = 1000000
EMBED_DIM = 16
BATCH = 4096
SEQ_LEN = 200
NUM_NODES = NUM_CLIENTS + NUM_ITEMS


def setup_inputs(seed: int = 0) -> dict:
    key = jax.random.key(seed)
    k1, k2, k3, k4, k5 = jax.random.split(key, 5)
    client_ids = jax.random.randint(k1, (BATCH,), 0, NUM_CLIENTS, dtype=jnp.int32)
    item_ids = jax.random.randint(k2, (BATCH, SEQ_LEN), 0, NUM_ITEMS, dtype=jnp.int32)
    # learned parameters of the GnnLinkPredictor: a node embedding table over the
    # full static client-item graph plus one message-passing layer's weights
    node_emb = jax.random.normal(k3, (NUM_NODES, EMBED_DIM), dtype=jnp.float32) * 0.02
    W_agg = jax.random.normal(k4, (EMBED_DIM, EMBED_DIM), dtype=jnp.float32) * 0.1
    W_self = jax.random.normal(k5, (EMBED_DIM, EMBED_DIM), dtype=jnp.float32) * 0.1
    return {
        "client_ids": client_ids,
        "item_ids": item_ids,
        "node_emb": node_emb,
        "W_agg": W_agg,
        "W_self": W_self,
    }


def reference(client_ids, item_ids, node_emb, W_agg, W_self):
    B, L = item_ids.shape
    # --- data_adapter: ColesBatchToSubgraphConverter ---
    # Build the bipartite subgraph induced by the batch: client nodes keep
    # their global ids; item nodes are offset by NUM_CLIENTS.
    src = jnp.repeat(client_ids, L)                       # [B*L] client node ids
    dst = (item_ids.reshape(-1) + NUM_CLIENTS)            # [B*L] item node ids
    subgraph_item_ids = dst                               # gather targets

    # --- gnn_link_predictor: one mean-aggregation message-passing layer ---
    ones = jnp.ones((src.shape[0],), dtype=jnp.float32)
    # messages flow in both directions on the bipartite graph
    msg_to_items = jax.ops.segment_sum(node_emb[src], dst, num_segments=NUM_NODES)
    msg_to_clients = jax.ops.segment_sum(node_emb[dst], src, num_segments=NUM_NODES)
    deg_items = jax.ops.segment_sum(ones, dst, num_segments=NUM_NODES)
    deg_clients = jax.ops.segment_sum(ones, src, num_segments=NUM_NODES)
    agg = msg_to_items + msg_to_clients
    deg = jnp.maximum(deg_items + deg_clients, 1.0)[:, None]
    agg = agg / deg
    h = jax.nn.relu(agg @ W_agg + node_emb @ W_self)      # [NUM_NODES, D]

    # --- final gather: subgraph_node_embeddings[subgraph_item_ids] ---
    item_embeddings = h[subgraph_item_ids].reshape(B, L, EMBED_DIM)
    return item_embeddings

if __name__ == "__main__":
    import jax
    _d = setup_inputs()
    print(jax.jit(kernel)(*tuple(_d.values())))

</pallas_src>

<mosaic_0001>
module attributes {stable_mosaic.version = 14 : i64} {
  func.func @_copy_body(%arg0: i32, %arg1: memref<12800x16xf32, #tpu.memory_space<vmem>>, %arg2: memref<12800x16xf32, #tpu.memory_space<vmem>>) attributes {dimension_semantics = [#tpu.dimension_semantics<arbitrary>], iteration_bounds = array<i64: 64>, scalar_prefetch = 0 : i64, scratch_operands = 0 : i64, tpu.core_type = #tpu.core_type<tc>, window_params = [{transform_indices = @transform_0, window_bounds = array<i64: 12800, 16>}, {transform_indices = @transform_1, window_bounds = array<i64: 12800, 16>}]} {
    %get3A = arith.constant 0 : index
    %get3A_0 = arith.constant 0 : index
    %get3A_1 = vector.load %arg1[%get3A, %get3A_0] : memref<12800x16xf32, #tpu.memory_space<vmem>>, vector<12800x16xf32>
    %get3A_2 = arith.constant 0 : index
    %get3A_3 = arith.constant 0 : index
    %get3A_4 = vector.load %arg1[%get3A_2, %get3A_3] : memref<12800x16xf32, #tpu.memory_space<vmem>>, vector<12800x16xf32>
    %max3A = arith.maximumf %get3A_1, %get3A_4 : vector<12800x16xf32>
    %swap3A = arith.constant 0 : index
    %swap3A_5 = arith.constant 0 : index
    %swap3A_6 = vector.load %arg2[%swap3A, %swap3A_5] : memref<12800x16xf32, #tpu.memory_space<vmem>>, vector<12800x16xf32>
    tpu.vector_store %arg2[%swap3A, %swap3A_5], %max3A {strides = array<i32>} : memref<12800x16xf32, #tpu.memory_space<vmem>>, vector<12800x16xf32>,
    return
  }
  func.func @transform_0(%arg0: i32) -> (i32, i32) {
    %c0_i32 = arith.constant 0 : i32
    %c0_i32_0 = arith.constant 0 : i32
    return %arg0, %c0_i32 : i32, i32
  }
  func.func @transform_1(%arg0: i32) -> (i32, i32) {
    %c0_i32 = arith.constant 0 : i32
    %c0_i32_0 = arith.constant 0 : i32
    return %arg0, %c0_i32 : i32, i32
  }
}

</mosaic_0001>

<sc_bundles>
// kernel: gather_offload_async_start.1
scs
__scs_entry_jumppad:
0x0: {  	(pc) =	sbr.rel $0x88, $3  }
0x1: {  	(tag) =	ssettag $0x0;
	lr =	simm.s32 $0x1  }
0x2: {  	[smem:$0x3F9C] =	sst lr;
	_ =	strace $0xD0000000  }
0x3: {  	_ = 	snop  }
0x4: {  	_ = 	snop  }
0x5: {  	_ = 	snop  }
0x6: {  	_ = 	snop  }
0x7: {  	_ = 	snop  }
__scs_overlays_trampoline_lowered:
0x8: {  	[smem:$0x3FAB] =	sst s0  }
0x9: {  	[smem:$0x3FAC] =	sst s1  }
0xa: {  	[smem:$0x3FAD] =	sst s2  }
0xb: {  	[smem:$0x3FAE] =	sst s3  }
0xc: {  	[smem:$0x3FAF] =	sst s4  }
0xd: {  	[smem:$0x3FB0] =	sst s5  }
0xe: {  	[smem:$0x3FB1] =	sst s6  }
0xf: {  	[smem:$0x3FB2] =	sst s7  }
0x10: {  	[smem:$0x3FB3] =	sst s8  }
0x11: {  	[smem:$0x3FB4] =	sst s9;
	s0 =	simm.s32 @!p0 $0x0  }
0x12: {  	s1 =	sld [smem:$0x3F9A];
	s0 =	simm.s32 @p0 $0x1  }
0x13: {  	[smem:$0x3FB5] =	sst s0;
	s0 =	simm.s32 @!p1 $0x0  }
0x14: {  	s2 =	sld [smem:$0x3F99];
	s0 =	simm.s32 @p1 $0x1  }
0x15: {  	[smem:$0x3FB6] =	sst s0;
	s0 =	simm.s32 @!p2 $0x0  }
0x16: {  	s3 =	sld [smem:$0x3FDB];
	s0 =	simm.s32 @p2 $0x1  }
0x17: {  	s4 =	simm.s32 $0x1BF5;
	[smem:$0x3FB8] =	sst s0  }
0x18: {  	s0 =	sld [smem:$0x3F9B];
	_ =	swait.ge [sflag:s4], $0x0  }
0x19: {  	s7 =	sld [smem:$0x3F9C]  }
0x1a: {  	s8 =	sadd.s32 $0xFFFFE003, lr  }
0x1b: {  	s9 =	sadd.s32 $0xFFFFFEF7, lr;
	s5 =	simm.s32 $0xFFFFFFFF;
	p2 =	slt.u32 s8, $0xFFFFF086  }
0x1c: {  	p1 =	slt.u32 s9, $0xF7A;
	s5 =	simm.s32 @!p2 $0x0  }
0x1d: {  	s5 =	simm.s32 @p1 $0x1;
	p0 =	seq.s32 s7, s2  }
0x1e: {  	s7 =	smul.u32 @!p0 $0xF7A, s2;
	p2 =	seq.s32 @!p0 s5, $0x0  }
0x1f: {  	s9 =	smul.u32 $0xF7A, s1;
	s8 =	simm.s32 @!p0 $0x1BF5;
	p2 =	por !p2, p0  }
0x20: {  	[sflag:s8] =	ssyncset.s32 @!p0 $0xFFFFF086;
	s6 =	sadd.s32 @!p0 s3, s7;
	s7 =	simm.s32 @!p0 $0x108  }
0x21: {  	s3 =	sadd.s32 s3, s9;
	s6 =	sadd.s32 @!p0 $0x88, s6;
	s7 =	simm.s32 @p2 $0x1082  }
0x22: {  	[simem:s7], [sflag:s8] =	dma.local @!p0 [hbm:s6], $0xF7A  }
0x23: {  	s9 =	sor.u32 $0xD0000000, s2;
	s6 =	simm.s32 $0x108;
	_ =	swait.ge @!p0 [sflag:s8], $0x0  }
0x24: {  	s3 =	sadd.s32 $0x88, s3;
	s6 =	simm.s32 @!p1 $0x1082;
	[sflag:s4] =	ssyncset.s32 $0xFFFFF086  }
0x25: {  	[simem:s6], [sflag:s4] =	dma.local [hbm:s3], $0xF7A  }
0x26: {  	[smem:$0x3F9C] =	sst s1;
	(tag) =	ssettag s2;
	_ =	strace s9  }
0x27: {  	s1 =	sld [smem:$0x3FAC]  }
0x28: {  	s2 =	sld [smem:$0x3FAD]  }
0x29: {  	s4 =	sld [smem:$0x3FAF]  }
0x2a: {  	p0 =	seq.s32 s5, $0x0;
	s5 =	sld [smem:$0x3FB0]  }
0x2b: {  	s6 =	sld [smem:$0x3FB1]  }
0x2c: {  	s7 =	sld [smem:$0x3FB2]  }
0x2d: {  	s3 =	simm.s32 $0x108;
	s8 =	sld [smem:$0x3FB3]  }
0x2e: {  	s3 =	simm.s32 @!p0 $0x1082;
	s9 =	sld [smem:$0x3FB4]  }
0x2f: {  	lr =	sadd.s32 s0, s3;
	s0 =	sld [smem:$0x3FAB]  }
0x30: {  	s3 =	sld [smem:$0x3FAE]  }
0x31: {  	[smem:$0x3FB7] =	sst s10  }
0x32: {  	s10 =	sld [smem:$0x3FB5];
	_ =	sdelay $0x3  }
0x33: {  	p0 =	seq.s32 s10, $0x1;
	s10 =	sld [smem:$0x3FB7];
	_ =	sdelay $0x3  }
0x34: {  	[smem:$0x3FB7] =	sst s10  }
0x35: {  	s10 =	sld [smem:$0x3FB6];
	_ =	sdelay $0x3  }
0x36: {  	p1 =	seq.s32 s10, $0x1;
	s10 =	sld [smem:$0x3FB7];
	_ =	sdelay $0x3  }
0x37: {  	[smem:$0x3FB7] =	sst s10  }
0x38: {  	s10 =	sld [smem:$0x3FB8]  }
0x39: {  	_ = 	snop;
	(pc) =	sbr.ind lr, $3  }
0x3a: {  	_ = 	snop  }
0x3b: {  	_ = 	snop  }
0x3c: {  	p2 =	seq.s32 s10, $0x1;
	s10 =	sld [smem:$0x3FB7]  }
0x3d: {  	_ =	shalt  }
0x3e: {  	_ =	shalt  }
0x3f: {  	_ =	shalt  }
0x40: {  	_ =	shalt  }
0x41: {  	_ =	shalt  }
0x42: {  	_ =	shalt  }
0x43: {  	_ =	shalt  }
0x44: {  	_ =	shalt  }
0x45: {  	_ =	shalt  }
0x46: {  	_ =	shalt  }
0x47: {  	_ =	shalt  }
0x48: {  	_ =	shalt  }
0x49: {  	_ =	shalt  }
0x4a: {  	_ =	shalt  }
0x4b: {  	_ =	shalt  }
0x4c: {  	_ =	shalt  }
0x4d: {  	_ =	shalt  }
0x4e: {  	_ =	shalt  }
0x4f: {  	_ =	shalt  }
0x50: {  	_ =	shalt  }
0x51: {  	_ =	shalt  }
0x52: {  	_ =	shalt  }
0x53: {  	_ =	shalt  }
0x54: {  	_ =	shalt  }
0x55: {  	_ =	shalt  }
0x56: {  	_ =	shalt  }
0x57: {  	_ =	shalt  }
0x58: {  	_ =	shalt  }
0x59: {  	_ =	shalt  }
0x5a: {  	_ =	shalt  }
0x5b: {  	_ =	shalt  }
0x5c: {  	_ =	shalt  }
0x5d: {  	_ =	shalt  }
0x5e: {  	_ =	shalt  }
0x5f: {  	_ =	shalt  }
0x60: {  	_ =	shalt  }
0x61: {  	_ =	shalt  }
0x62: {  	_ =	shalt  }
0x63: {  	_ =	shalt  }
0x64: {  	_ =	shalt  }
0x65: {  	_ =	shalt  }
0x66: {  	_ =	shalt  }
0x67: {  	_ =	shalt  }
0x68: {  	_ =	shalt  }
0x69: {  	_ =	shalt  }
0x6a: {  	_ =	shalt  }
0x6b: {  	_ =	shalt  }
0x6c: {  	_ =	shalt  }
0x6d: {  	_ =	shalt  }
0x6e: {  	_ =	shalt  }
0x6f: {  	_ =	shalt  }
0x70: {  	_ =	shalt  }
0x71: {  	_ =	shalt  }
0x72: {  	_ =	shalt  }
0x73: {  	_ =	shalt  }
0x74: {  	_ =	shalt  }
0x75: {  	_ =	shalt  }
0x76: {  	_ =	shalt  }
0x77: {  	_ =	shalt  }
0x78: {  	_ =	shalt  }
0x79: {  	_ =	shalt  }
0x7a: {  	_ =	shalt  }
0x7b: {  	_ =	shalt  }
0x7c: {  	_ =	shalt  }
0x7d: {  	_ =	shalt  }
0x7e: {  	_ =	shalt  }
0x7f: {  	_ =	shalt  }
0x80: {  	_ =	shalt  }
0x81: {  	_ =	shalt  }
0x82: {  	_ =	shalt  }
0x83: {  	_ =	shalt  }
0x84: {  	_ =	shalt  }
0x85: {  	_ =	shalt  }
0x86: {  	_ =	shalt  }
0x87: {  	_ =	shalt  }
.Lfunc_end0:
.L_simem_size_0:
called_computation.6_lowered:
.L_overlay_start_0:
0x88: {  	s2 =	sld [smem:$0x3FD9]  }
0x89: {  	s3 =	sld [smem:$0x3FFE];
	_ =	sdelay $0x1  }
0x8a: {  	s1 =	srdreg.scid  }
0x8b: {  	s0 =	sand.u32 $0x1, s1  }
0x8c: {  	s17 =	sshll.u32 s0, $0xA;
	s2 =	sadd.s32 s3, s2  }
0x8d: {  	s2 =	sadd.s32 s2, s17  }
0x8e: {  	[smem:$0x3FC3] =	sst s2  }
0x8f: {  	_ = 	snop  }
0x90: {  	(tm) =	ssettm $0x1  }
0x91: {  	s18 =	sld [smem:$0x3FFB];
	_ =	sdelay $0x3  }
0x92: {  	_ =	strace s18  }
0x93: {  	s2 =	sld [smem:$0x3FFC];
	_ =	sdelay $0x3  }
0x94: {  	_ =	strace s2  }
0x95: {  	s2 =	sld [smem:$0x3FFD];
	_ =	sdelay $0x3  }
0x96: {  	_ =	strace s2  }
0x97: {  	_ =	strace $0x8FFFFFFF  }
0x98: {  	s19 =	sld [smem:$0x3FDB];
	_ =	sdelay $0x1  }
0x99: {  	s20 =	simm.s32 $_scs_section_size  }
0x9a: {  	s4 =	simm.s32 $_size__tile_overlayer_lowered;
	s5 =	simm.s32 $_tile_overlayer_lowered  }
0x9b: {  	s6 =	simm.s32 $0x1BFF;
	s21 =	sshll.u32 s5, $0x1;
	s3 =	sadd.s32 s20, s19  }
0x9c: {  	s22 =	simm.s32 $0x0;
	s4 =	sshll.u32 s4, $0x1;
	s5 =	sadd.s32 s21, s3  }
0x9d: {  	[timem:s22], [sflag:s6] =	dma.local [hbm:s5], s4  }
0x9e: {  	_ =	swait.ge [sflag:s6], s4  }
0x9f: {  	s4 =	ssub.s32 $0x0, s4;
	[sflag:s6] =	ssyncset.done $0x0  }
0xa0: {  	[sflag:s6] =	ssyncadd.s32 s4;
	_ =	sdelay $0x1  }
0xa1: {  	s23 =	simm.s32 $0x1B8B  }
0xa2: {  	_ =	swait.ge [sflag:s23], $0x1  }
0xa3: {  	[sflag:s23] =	ssyncset.done $0x0  }
0xa4: {  	[sflag:s23] =	ssyncadd.s32 $0xFFFFFFFF  }
0xa5: {  	s4 =	sld [smem:$0x0]  }
0xa6: {  	s5 =	sand.u32 $0xFFFFFFFE, s1  }
0xa7: {  	p0 =	sne.s32 s1, s5  }
0xa8: {  	s5 =	sshll.u32 @p0 s5, $0xE  }
0xa9: {  	s5 =	sadd.s32 @p0 $0x11B8D, s5;
	s6 =	sshll.u32 @p0 s4, $0x11  }
0xaa: {  	s5 =	sor.u32 @p0 s6, s5  }
0xab: {  	[sflag:s5] =	ssyncadd.remote.s32 @p0 $0x1;
	_ =	sdelay $0x1  }
0xac: {  	s5 =	simm.s32 @p0 $0x1B8D  }
0xad: {  	_ =	swait.eq @p0 [sflag:s5], $0x1  }
0xae: {  	[sflag:s5] =	ssyncadd.s32 @p0 $0xFFFFFFFF  }
0xaf: {  	s6 =	sshll.u32 @!p0 s1, $0xE  }
0xb0: {  	s6 =	sor.u32 @!p0 $0x4000, s6;
	s5 =	simm.s32 @!p0 $0x1B8D  }
0xb1: {  	s4 =	sshll.u32 @!p0 s4, $0x11;
	s6 =	sadd.s32 @!p0 $0x11B8D, s6;
	_ =	swait.eq @!p0 [sflag:s5], $0x1  }
0xb2: {  	s4 =	sor.u32 @!p0 s4, s6;
	[sflag:s5] =	ssyncadd.s32 @!p0 $0xFFFFFFFF  }
0xb3: {  	s25 =	simm.s32 $0x1B8E;
	s24 =	sld [smem:$0x3FFE];
	[sflag:s4] =	ssyncadd.remote.s32 @!p0 $0x1  }
0xb4: {  	s26 =	simm.s32 $execute0_lowered;
	[smem:$0x3FD2] =	sst s25  }
0xb5: {  	s5 =	sshll.u32 s26, $0x1;
	_ =	strace $0x80000055;
	[dreg:$0x1] =	wrdreg $0xFFFFFFFF  }
0xb6: {  	s28 =	simm.s32 $_size_execute0_lowered;
	s3 =	sadd.s32 s3, s5;
	[dreg:$0x0] =	wrdreg $0x0  }
0xb7: {  	s5 =	sshll.u32 s28, $0x1;
	[dreg:$0x2] =	wrdreg s3  }
0xb8: {  	[dreg:$0x3] =	wrdreg s5  }
0xb9: {  	[dreg:$0x4] =	wrdreg $0xC0  }
0xba: {  	_ =	task [dreg:s22], $0x5FFFF  }
0xbb: {  	[dreg:$0x1] =	wrdreg $0xFFFFFFFF  }
0xbc: {  	[dreg:$0x0] =	wrdreg $0x60  }
0xbd: {  	[dreg:$0x2] =	wrdreg s24  }
0xbe: {  	[dreg:$0x3] =	wrdreg $0xA  }
0xbf: {  	_ =	task.clear_ibuf [dreg:s22], $0x4FFFF;
	_ =	strace $0x90000055  }
0xc0: {  	s29 =	simm.s32 $0xA;
	_ =	strace $0x80000057  }
0xc1: {  	_ =	swait.ge [sflag:s29], $0x1  }
0xc2: {  	[sflag:s29] =	ssyncadd.s32 $0xFFFFFFFF  }
0xc3: {  	_ =	strace $0x90000057  }
0xc4: {  	_ =	sfence  }
0xc5: {  	s30 =	sld [smem:$0x0];
	_ =	sdelay $0x2  }
0xc6: {  	s31 =	sshll.u32 s1, $0xD;
	s1 =	sshrl.u32 s1, $0x2  }
0xc7: {  	s4 =	sand.u32 $0x4000, s31;
	s1 =	sadd.s32 s1, s30  }
0xc8: {  	s0 =	sor.u32 s4, s0;
	s1 =	sshll.u32 s1, $0x11  }
0xc9: {  	s0 =	sor.u32 s1, s0  }
0xca: {  	s0 =	sadd.s32 $0x8F2B, s0  }
0xcb: {  	[sflag:s0] =	ssyncadd.remote.s32 $0x1  }
0xcc: {  	_ =	sfence.sel $0xFFFF  }
0xcd: {  	[dreg:$0x0] =	wrdreg $0xFFFFFFFF;
	(pc) =	sbr.abs _section_cstart, $3  }
0xce: {  	[dreg:$0x1] =	wrdreg $0xFFFFFFFF  }
0xcf: {  	_ =	task.clear_ibuf [dreg:s22], $0x2FFFF;
	_ =	strace $0x9FFFFFFF  }
0xd0: {  	(tm) =	ssettm $0x7FFFFFFF  }
0xd1: {  	_ =	shalt  }
tec
execute0_lowered:
.L_overlay_start_1:
0x0: {  	(tag) =	ssettag $0x1  }
0x1: {  	s0 =	stileid.u32;
	s1 =	srdreg.scid  }
0x2: {  	s1 =	sand.u32 $0x1, s1;
	s2 =	sshll.u32 s0, $0x1  }
0x3: {  	s1 =	sor.u32 s2, s1  }
0x4: {  	s2 =	smul.u32 $0xC80, s1;
	_ =	sdelay $0x1  }
0x5: {  	s7 =	ssub.s32 $0xC8000, s2  }
0x6: {  	s9 =	rddreg [dreg:$0x0];
	s6 =	simm.s32 $0x2;
	s3 =	smulhi.u32 $0xA3D71, s7  }
0x7: {  	s11 =	simm.s32 $0x3;
	s14 =	simm.s32 $0x0;
	s13 =	simm.s32 $0x0  }
0x8: {  	s4 =	sadd.s32 $0x1BE00, s9;
	s5 =	sadd.s32 $0x1C44400, s9;
	s8 =	sshrl.u32 s3, $0x4  }
0x9: {  	s1 =	rddreg [dreg:$0x1];
	_ =	strace $0x80000056;
	s10 =	smul.u32 $0x19000, s8  }
.Ltmp0:
0xa: {  	s12 =	smov.u32 s2;
	s3 =	simm.s32 $0x1;
	(pc) =	sbr.rel .LBB2_1-.Ltmp0, $4  }
0xb: {  	[sflag:s3] =	ssyncpa.u1 $0x0;
	p0 =	sne.s32 s7, s10;
	s10 =	simm.s32 $0x1  }
0xc: {  	[sflag:s6] =	ssyncpa.u1 $0x0;
	s7 =	sadd.s32 $0x2CC400, s9;
	s10 =	simm.s32 @!p0 $0x0  }
0xd: {  	[sflag:s11] =	ssyncpa.u1 $0x0;
	s9 =	sadd.s32 $0x394400, s9;
	s8 =	sadd.s32 s10, s8  }
0xe: {  	vm0 =	vmmov $0xffff;
	v0 =	vlaneseq.u32;
	s11 =	simm.s32 $0x0;
	p0 =	por $0x0, $0x0;
	s10 =	sadd.s32 $0x1, s8  }
.LBB2_4:
0xf: {  	_ =	sdelay $0x1  }
0x10: {  	(ifvalue) =	ssetifvalue $0x7FFFFFFF  }
0x11: {  	s17 =	sshll.u32 s14, $0x3;
	(ifvalue) =	ssetifvalue $0x7FFFFFFF  }
0x12: {  	[tilespmem:s23], [sflag:$0x1] =	stream.indirect_vreg.gather [hbm4b:s4+s11], $0x1, v1, vm0, $0x4038;
	[tilespmem:$0x1A900] =	vst v63  }
0x13: {  	s30 =	sand.u32 $0x78, s14;
	s17 =	sand.u32 $0xFFFFFC00, s17  }
0x14: {  	_ =	swait.ge [sflag:s3], $0xC800;
	s14 =	sor.u32 s30, s17  }
0x15: {  	[sflag:s3] =	ssyncset.done $0x0;
	s14 =	sshrl.u32 s14, $0x3  }
0x16: {  	[sflag:s3] =	ssyncadd.s32 $0xFFFF3800;
	s31 =	sadd.s32 s7, s14  }
0x17: {  	[hbm:s31] =	stream.linear.scatter [tilespmem:s16], [sflag:$0x3], $0x6400, $0x38;
	[tilespmem:$0x1A900] =	vst v63  }
0x18: {  	s15 =	sadd.s32 $0x7D00, s15;
	s14 =	sadd.s32 s14, s9  }
0x19: {  	[hbm:s14] =	stream.linear.scatter [tilespmem:s15], [sflag:$0x3], $0x6400, $0x38;
	[tilespmem:$0x1A900] =	vst v63  }
.LBB2_5:
0x1a: {  	s16 =	sadd.s32 $0x19000, s12  }
0x1b: {  	p2 =	sgt.s32 s16, $0xC7FFF  }
0x1c: {  	s16 =	smov.u32 @p2 s2;
	p2 =	sne.s32 s13, s10  }
.Ltmp1:
0x1d: {  	p1 =	slt.u32 s13, $0x2;
	(pc) =	sbr.rel @!p2 .LBB2_6-.Ltmp1, $4  }
0x1e: {  	s15 =	simm.s32 @!p1 $0x3  }
0x1f: {  	s17 =	sadd.s32 $0x1, s13;
	_ =	swait.ge @!p1 [sflag:s15], $0xC800  }
0x20: {  	s14 =	smov.u32 s12;
	p0 =	por !p0, !p0;
	[sflag:s15] =	ssyncset.done @!p1 $0x0  }
0x21: {  	s13 =	smov.u32 s17;
	s12 =	smov.u32 s16;
	[sflag:s15] =	ssyncadd.s32 @!p1 $0xFFFF3800  }
.LBB2_1:
0x22: {  	p1 =	sge.u32 s13, s8  }
0x23: {  	s15 =	sxor.u32 @!p1 $0xFFFFFFFF, s13  }
0x24: {  	s15 =	sand.u32 @!p1 $0x1, s15  }
0x25: {  	s15 =	smul.u32 @!p1 $0x3200, s15  }
0x26: {  	s31 =	sadd.s32 $0xFFFFFFFF, s13;
	s16 =	sshrl.u32 @!p1 s12, $0x3  }
0x27: {  	s17 =	sand.u32 @!p1 $0x7, s12;
	s16 =	sadd.s32 @!p1 s5, s16;
	s15 =	sshrl.u32 @!p1 s15, $0x2  }
0x28: {  	[tilespmem:s15], [sflag:$0x2] =	stream.linear.gather @!p1 [hbm4b:s16+s17], $0xC80, $0x38;
	[tilespmem:$0x1A900] =	vst v63  }
0x29: {  	p1 =	sge.u32 s31, s8  }
.Ltmp2:
0x2a: {  	_ = 	snop;
	(pc) =	sbr.rel @p1 .LBB2_5-.Ltmp2, $1  }
0x2b: {  	_ =	sdelay $0x3  }
0x2c: {  	s15 =	simm.s32 $0x1  }
0x2d: {  	s15 =	simm.s32 @!p0 $0x0  }
0x2e: {  	_ =	swait.ge [sflag:s6], $0xC80;
	s15 =	smul.u32 $0x3200, s15  }
0x2f: {  	[sflag:s6] =	ssyncset.done $0x0  }
0x30: {  	[sflag:s6] =	ssyncadd.s32 $0xFFFFF380;
	s19 =	sshrl.u32 s15, $0x2  }
0x31: {  	v1 =	vld.msk [tilespmem:s19+$0x0 ss:$0x1], $0xffff;
	_ =	sdelay $0x2  }
0x32: {  	s20 =	ssub.s32 $0xC8000, s14  }
0x33: {  	p1 =	slt.s32 s20, $0xC80  }
0x34: {  	s20 =	simm.s32 @!p1 $0xC80;
	vm1 =	vgt.s32 v1, $0x0  }
0x35: {  	p1 =	sgt.s32 s20, $0x0;
	s15 =	smov.u32 s20;
	v1 =	vnsel vm1, $0x0, v1  }
0x36: {  	s15 =	simm.s32 @!p1 $0x0;
	v1 =	vmin.u32 v1, $0xF423F  }
0x37: {  	s15 =	smin.u32 s15, $0x10;
	v2 =	vshll.u32 v1, $0x3  }
0x38: {  	s16 =	sand.u32 $0x1, s13;
	v3 =	vmov s15;
	v1 =	vand.u32 $0x7F, v1;
	v2 =	vand.u32 $0x7FFC00, v2  }
0x39: {  	s26 =	smul.u32 $0x32000, s16;
	vm1 =	vgt.u32 v3, v0;
	v1 =	vor.u32 v1, v2  }
0x3a: {  	v2 =	vnsel vm1, $0x7FFFFFFF, v1  }
0x3b: {  	s18 =	simm.s32 $0x0;
	s15 =	sshrl.u32 s26, $0x2  }
0x3c: {  	s17 =	simm.s32 $0x0;
	s18 =	sand.u32 $0x7C00, s18;
	s16 =	sadd.s32 $0x1900, s15;
	v3 =	vor.u32 $0x80, v1  }
0x3d: {  	s21 =	sand.u32 $0x70, s17;
	(ifvalue) =	ssetifvalue $0x7FFFFFFF;
	s18 =	sadd.s32 s18, s16;
	v3 =	vnsel vm1, $0x7FFFFFFF, v3  }
0x3e: {  	(ifvalue) =	ssetifvalue $0x7FFFFFFF;
	s21 =	sadd.s32 s21, s18  }
0x3f: {  	v4 =	vor.u32 $0x100, v1;
	[tilespmem:s21], [sflag:$0x1] =	stream.indirect_vreg.gather [hbm4b:s4+s11], $0x1, v2, vm0, $0x4038;
	[tilespmem:$0x1A900] =	vst v63  }
0x40: {  	v2 =	vnsel vm1, $0x7FFFFFFF, v4;
	(ifvalue) =	ssetifvalue $0x7FFFFFFF  }
0x41: {  	s18 =	sadd.s32 $0x80, s21;
	(ifvalue) =	ssetifvalue $0x7FFFFFFF  }
0x42: {  	v52 =	vor.u32 $0x180, v1;
	[tilespmem:s18], [sflag:$0x1] =	stream.indirect_vreg.gather [hbm4b:s4+s11], $0x1, v3, vm0, $0x4038;
	[tilespmem:$0x1A900] =	vst v63  }
0x43: {  	v3 =	vnsel vm1, $0x7FFFFFFF, v52;
	(ifvalue) =	ssetifvalue $0x7FFFFFFF  }
0x44: {  	s28 =	sadd.s32 $0x100, s21;
	(ifvalue) =	ssetifvalue $0x7FFFFFFF  }
0x45: {  	v53 =	vor.u32 $0x200, v1;
	[tilespmem:s28], [sflag:$0x1] =	stream.indirect_vreg.gather [hbm4b:s4+s11], $0x1, v2, vm0, $0x4038;
	[tilespmem:$0x1A900] =	vst v63  }
0x46: {  	v2 =	vnsel vm1, $0x7FFFFFFF, v53;
	(ifvalue) =	ssetifvalue $0x7FFFFFFF  }
0x47: {  	s29 =	sadd.s32 $0x180, s21;
	(ifvalue) =	ssetifvalue $0x7FFFFFFF  }
0x48: {  	v54 =	vor.u32 $0x280, v1;
	[tilespmem:s29], [sflag:$0x1] =	stream.indirect_vreg.gather [hbm4b:s4+s11], $0x1, v3, vm0, $0x4038;
	[tilespmem:$0x1A900] =	vst v63  }
0x49: {  	v3 =	vnsel vm1, $0x7FFFFFFF, v54;
	(ifvalue) =	ssetifvalue $0x7FFFFFFF  }
0x4a: {  	s30 =	sadd.s32 $0x200, s21;
	(ifvalue) =	ssetifvalue $0x7FFFFFFF  }
0x4b: {  	v55 =	vor.u32 $0x300, v1;
	[tilespmem:s30], [sflag:$0x1] =	stream.indirect_vreg.gather [hbm4b:s4+s11], $0x1, v2, vm0, $0x4038;
	[tilespmem:$0x1A900] =	vst v63  }
0x4c: {  	v2 =	vnsel vm1, $0x7FFFFFFF, v55;
	(ifvalue) =	ssetifvalue $0x7FFFFFFF  }
0x4d: {  	s31 =	sand.u32 $0x7, s17;
	s22 =	sadd.s32 $0x280, s21;
	(ifvalue) =	ssetifvalue $0x7FFFFFFF  }
0x4e: {  	v56 =	vor.u32 $0x380, v1;
	[tilespmem:s22], [sflag:$0x1] =	stream.indirect_vreg.gather [hbm4b:s4+s11], $0x1, v3, vm0, $0x4038;
	[tilespmem:$0x1A900] =	vst v63  }
0x4f: {  	s18 =	sshll.u32 s31, $0x4;
	v3 =	vnsel vm1, $0x7FFFFFFF, v56;
	(ifvalue) =	ssetifvalue $0x7FFFFFFF  }
0x50: {  	s23 =	sadd.s32 $0x300, s21;
	s18 =	sadd.s32 $0x0, s18;
	(ifvalue) =	ssetifvalue $0x7FFFFFFF  }
0x51: {  	v57 =	vadd.s32 $0x7A1400, v1;
	[tilespmem:s23], [sflag:$0x1] =	stream.indirect_vreg.gather [hbm4b:s4+s11], $0x1, v2, vm0, $0x4038;
	[tilespmem:$0x1A900] =	vst v63  }
0x52: {  	s18 =	sor.u32 $0x380, s18;
	v2 =	vnsel vm1, $0x7FFFFFFF, v57;
	(ifvalue) =	ssetifvalue $0x7FFFFFFF  }
0x53: {  	s18 =	sadd.s32 s18, s16;
	(ifvalue) =	ssetifvalue $0x7FFFFFFF  }
0x54: {  	v58 =	vadd.s32 $0x7A1480, v1;
	[tilespmem:s18], [sflag:$0x1] =	stream.indirect_vreg.gather [hbm4b:s4+s11], $0x1, v3, vm0, $0x4038;
	[tilespmem:$0x1A900] =	vst v63  }
0x55: {  	v3 =	vnsel vm1, $0x7FFFFFFF, v58;
	(ifvalue) =	ssetifvalue $0x7FFFFFFF  }
0x56: {  	s24 =	sadd.s32 $0x6400, s21;
	(ifvalue) =	ssetifvalue $0x7FFFFFFF  }
0x57: {  	v59 =	vadd.s32 $0x7A1500, v1;
	[tilespmem:s24], [sflag:$0x1] =	stream.indirect_vreg.gather [hbm4b:s4+s11], $0x1, v2, vm0, $0x4038;
	[tilespmem:$0x1A900] =	vst v63  }
0x58: {  	v2 =	vnsel vm1, $0x7FFFFFFF, v59;
	(ifvalue) =	ssetifvalue $0x7FFFFFFF  }
0x59: {  	s25 =	sadd.s32 $0x6480, s21;
	(ifvalue) =	ssetifvalue $0x7FFFFFFF  }
0x5a: {  	v60 =	vadd.s32 $0x7A1580, v1;
	[tilespmem:s25], [sflag:$0x1] =	stream.indirect_vreg.gather [hbm4b:s4+s11], $0x1, v3, vm0, $0x4038;
	[tilespmem:$0x1A900] =	vst v63  }
0x5b: {  	v3 =	vnsel vm1, $0x7FFFFFFF, v60;
	(ifvalue) =	ssetifvalue $0x7FFFFFFF  }
0x5c: {  	s26 =	sadd.s32 $0x6500, s21;
	(ifvalue) =	ssetifvalue $0x7FFFFFFF  }
0x5d: {  	v61 =	vadd.s32 $0x7A1600, v1;
	[tilespmem:s26], [sflag:$0x1] =	stream.indirect_vreg.gather [hbm4b:s4+s11], $0x1, v2, vm0, $0x4038;
	[tilespmem:$0x1A900] =	vst v63  }
0x5e: {  	v2 =	vnsel vm1, $0x7FFFFFFF, v61;
	(ifvalue) =	ssetifvalue $0x7FFFFFFF  }
0x5f: {  	s28 =	sadd.s32 $0x6580, s21;
	(ifvalue) =	ssetifvalue $0x7FFFFFFF  }
0x60: {  	v62 =	vadd.s32 $0x7A1680, v1;
	[tilespmem:s28], [sflag:$0x1] =	stream.indirect_vreg.gather [hbm4b:s4+s11], $0x1, v3, vm0, $0x4038;
	[tilespmem:$0x1A900] =	vst v63  }
0x61: {  	v3 =	vnsel vm1, $0x7FFFFFFF, v62;
	(ifvalue) =	ssetifvalue $0x7FFFFFFF  }
0x62: {  	s29 =	sadd.s32 $0x6600, s21;
	(ifvalue) =	ssetifvalue $0x7FFFFFFF  }
0x63: {  	v63 =	vadd.s32 $0x7A1700, v1;
	[tilespmem:s29], [sflag:$0x1] =	stream.indirect_vreg.gather [hbm4b:s4+s11], $0x1, v2, vm0, $0x4038;
	[tilespmem:$0x1A900] =	vst v63  }
0x64: {  	s20 =	sadd.s32 $0xFFFFFFF0, s20;
	s19 =	sadd.s32 $0x10, s19;
	v2 =	vnsel vm1, $0x7FFFFFFF, v63;
	(ifvalue) =	ssetifvalue $0x7FFFFFFF  }
0x65: {  	s31 =	sadd.s32 $0x6700, s21;
	s30 =	sadd.s32 $0x6680, s21;
	(ifvalue) =	ssetifvalue $0x7FFFFFFF  }
0x66: {  	[tilespmem:s30], [sflag:$0x1] =	stream.indirect_vreg.gather [hbm4b:s4+s11], $0x1, v3, vm0, $0x4038;
	[tilespmem:$0x1A900] =	vst v63  }
0x67: {  	v1 =	vadd.s32 $0x7A1780, v1;
	s22 =	simm.s32 $0x0;
	s23 =	sadd.s32 $0x6780, s21;
	(ifvalue) =	ssetifvalue $0x7FFFFFFF  }
0x68: {  	v1 =	vnsel vm1, $0x7FFFFFFF, v1;
	s21 =	simm.s32 $0xFFFF9C80;
	s18 =	simm.s32 $0x10;
	(ifvalue) =	ssetifvalue $0x7FFFFFFF  }
0x69: {  	[tilespmem:s31], [sflag:$0x1] =	stream.indirect_vreg.gather [hbm4b:s4+s11], $0x1, v2, vm0, $0x4038;
	[tilespmem:$0x1A900] =	vst v63  }
.LBB2_3:
0x6a: {  	(ifvalue) =	ssetifvalue $0x7FFFFFFF  }
0x6b: {  	s17 =	sadd.s32 $0x80, s17;
	s22 =	sadd.s32 $0x1, s22;
	s24 =	smov.u32 s18  }
0x6c: {  	p1 =	sne.s32 s18, $0xC70;
	s18 =	sadd.s32 $0x10, s18;
	(ifvalue) =	ssetifvalue $0x7FFFFFFF  }
0x6d: {  	[tilespmem:s23], [sflag:$0x1] =	stream.indirect_vreg.gather [hbm4b:s4+s11], $0x1, v1, vm0, $0x4038;
	[tilespmem:$0x1A900] =	vst v63  }
0x6e: {  	v1 =	vld.msk [tilespmem:s19+$0x0 ss:$0x1], $0xffff;
	_ =	sdelay $0x4  }
0x6f: {  	p2 =	sgt.s32 s20, $0x0;
	s23 =	smov.u32 s20;
	vm1 =	vgt.s32 v1, $0x0  }
0x70: {  	s23 =	simm.s32 @!p2 $0x0;
	v1 =	vnsel vm1, $0x0, v1  }
0x71: {  	s23 =	smin.u32 s23, $0x10;
	v1 =	vmin.u32 v1, $0xF423F  }
0x72: {  	v2 =	vmov s23;
	v3 =	vshll.u32 v1, $0x3  }
0x73: {  	vm1 =	vgt.u32 v2, v0;
	v1 =	vand.u32 $0x7F, v1;
	v2 =	vand.u32 $0x7FFC00, v3  }
0x74: {  	v1 =	vor.u32 v1, v2  }
0x75: {  	s23 =	sadd.s32 $0x6400, s21;
	v2 =	vnsel vm1, $0x7FFFFFFF, v1  }
0x76: {  	s23 =	sand.u32 $0x7C00, s23;
	v3 =	vor.u32 $0x80, v1;
	v4 =	vor.u32 $0x100, v1;
	v5 =	vor.u32 $0x180, v1  }
0x77: {  	s24 =	sand.u32 $0x70, s24;
	s23 =	sadd.s32 s23, s16;
	v6 =	vor.u32 $0x200, v1;
	v3 =	vnsel vm1, $0x7FFFFFFF, v3;
	v4 =	vnsel vm1, $0x7FFFFFFF, v4;
	(ifvalue) =	ssetifvalue $0x7FFFFFFF  }
0x78: {  	s23 =	sadd.s32 s24, s23;
	v7 =	vor.u32 $0x280, v1;
	v8 =	vor.u32 $0x300, v1;
	v5 =	vnsel vm1, $0x7FFFFFFF, v5;
	(ifvalue) =	ssetifvalue $0x7FFFFFFF  }
0x79: {  	v9 =	vor.u32 $0x380, v1;
	v6 =	vnsel vm1, $0x7FFFFFFF, v6;
	v7 =	vnsel vm1, $0x7FFFFFFF, v7  }
0x7a: {  	v10 =	vadd.s32 $0x7A1400, v1;
	v11 =	vadd.s32 $0x7A1500, v1;
	v8 =	vnsel vm1, $0x7FFFFFFF, v8  }
0x7b: {  	[tilespmem:s23], [sflag:$0x1] =	stream.indirect_vreg.gather [hbm4b:s4+s11], $0x1, v2, vm0, $0x4038;
	v2 =	vnsel vm1, $0x7FFFFFFF, v9;
	v9 =	vnsel vm1, $0x7FFFFFFF, v10;
	v10 =	vadd.s32 $0x7A1480, v1;
	[tilespmem:$0x1A900] =	vst v63  }
0x7c: {  	v12 =	vadd.s32 $0x7A1580, v1;
	(ifvalue) =	ssetifvalue $0x7FFFFFFF;
	v10 =	vnsel vm1, $0x7FFFFFFF, v10  }
0x7d: {  	s24 =	sadd.s32 $0x80, s23;
	v13 =	vadd.s32 $0x7A1680, v1;
	v11 =	vnsel vm1, $0x7FFFFFFF, v11;
	(ifvalue) =	ssetifvalue $0x7FFFFFFF  }
0x7e: {  	[tilespmem:s24], [sflag:$0x1] =	stream.indirect_vreg.gather [hbm4b:s4+s11], $0x1, v3, vm0, $0x4038;
	v3 =	vnsel vm1, $0x7FFFFFFF, v12;
	v12 =	vadd.s32 $0x7A1600, v1;
	[tilespmem:$0x1A900] =	vst v63  }
0x7f: {  	v14 =	vadd.s32 $0x7A1700, v1;
	v13 =	vnsel vm1, $0x7FFFFFFF, v13;
	(ifvalue) =	ssetifvalue $0x7FFFFFFF;
	v12 =	vnsel vm1, $0x7FFFFFFF, v12  }
0x80: {  	v14 =	vnsel vm1, $0x7FFFFFFF, v14;
	s24 =	sadd.s32 $0x100, s23;
	v1 =	vadd.s32 $0x7A1780, v1;
	(ifvalue) =	ssetifvalue $0x7FFFFFFF  }
0x81: {  	v1 =	vnsel vm1, $0x7FFFFFFF, v1;
	[tilespmem:s24], [sflag:$0x1] =	stream.indirect_vreg.gather [hbm4b:s4+s11], $0x1, v4, vm0, $0x4038;
	[tilespmem:$0x1A900] =	vst v63  }
0x82: {  	(ifvalue) =	ssetifvalue $0x7FFFFFFF  }
0x83: {  	s24 =	sadd.s32 $0x180, s23;
	(ifvalue) =	ssetifvalue $0x7FFFFFFF  }
0x84: {  	[tilespmem:s24], [sflag:$0x1] =	stream.indirect_vreg.gather [hbm4b:s4+s11], $0x1, v5, vm0, $0x4038;
	[tilespmem:$0x1A900] =	vst v63  }
0x85: {  	(ifvalue) =	ssetifvalue $0x7FFFFFFF  }
0x86: {  	s24 =	sadd.s32 $0x200, s23;
	(ifvalue) =	ssetifvalue $0x7FFFFFFF  }
0x87: {  	[tilespmem:s24], [sflag:$0x1] =	stream.indirect_vreg.gather [hbm4b:s4+s11], $0x1, v6, vm0, $0x4038;
	[tilespmem:$0x1A900] =	vst v63  }
0x88: {  	(ifvalue) =	ssetifvalue $0x7FFFFFFF  }
0x89: {  	s25 =	sadd.s32 $0x280, s23;
	s24 =	sand.u32 $0x7, s22;
	(ifvalue) =	ssetifvalue $0x7FFFFFFF  }
0x8a: {  	[tilespmem:s25], [sflag:$0x1] =	stream.indirect_vreg.gather [hbm4b:s4+s11], $0x1, v7, vm0, $0x4038;
	[tilespmem:$0x1A900] =	vst v63  }
0x8b: {  	s24 =	sshll.u32 s24, $0x4;
	(ifvalue) =	ssetifvalue $0x7FFFFFFF  }
0x8c: {  	s24 =	sadd.s32 s24, s17;
	s25 =	sadd.s32 $0x300, s23;
	(ifvalue) =	ssetifvalue $0x7FFFFFFF  }
0x8d: {  	[tilespmem:s25], [sflag:$0x1] =	stream.indirect_vreg.gather [hbm4b:s4+s11], $0x1, v8, vm0, $0x4038;
	[tilespmem:$0x1A900] =	vst v63  }
0x8e: {  	s24 =	sor.u32 $0x380, s24;
	(ifvalue) =	ssetifvalue $0x7FFFFFFF  }
0x8f: {  	s24 =	sadd.s32 s24, s16;
	(ifvalue) =	ssetifvalue $0x7FFFFFFF  }
0x90: {  	[tilespmem:s24], [sflag:$0x1] =	stream.indirect_vreg.gather [hbm4b:s4+s11], $0x1, v2, vm0, $0x4038;
	[tilespmem:$0x1A900] =	vst v63  }
0x91: {  	(ifvalue) =	ssetifvalue $0x7FFFFFFF  }
0x92: {  	s24 =	sadd.s32 $0x6400, s23;
	(ifvalue) =	ssetifvalue $0x7FFFFFFF  }
0x93: {  	[tilespmem:s24], [sflag:$0x1] =	stream.indirect_vreg.gather [hbm4b:s4+s11], $0x1, v9, vm0, $0x4038;
	[tilespmem:$0x1A900] =	vst v63  }
0x94: {  	(ifvalue) =	ssetifvalue $0x7FFFFFFF  }
0x95: {  	s24 =	sadd.s32 $0x6480, s23;
	(ifvalue) =	ssetifvalue $0x7FFFFFFF  }
0x96: {  	[tilespmem:s24], [sflag:$0x1] =	stream.indirect_vreg.gather [hbm4b:s4+s11], $0x1, v10, vm0, $0x4038;
	[tilespmem:$0x1A900] =	vst v63  }
0x97: {  	(ifvalue) =	ssetifvalue $0x7FFFFFFF  }
0x98: {  	s24 =	sadd.s32 $0x6500, s23;
	(ifvalue) =	ssetifvalue $0x7FFFFFFF  }
0x99: {  	[tilespmem:s24], [sflag:$0x1] =	stream.indirect_vreg.gather [hbm4b:s4+s11], $0x1, v11, vm0, $0x4038;
	[tilespmem:$0x1A900] =	vst v63  }
0x9a: {  	(ifvalue) =	ssetifvalue $0x7FFFFFFF  }
0x9b: {  	s25 =	sadd.s32 $0x6600, s23;
	s24 =	sadd.s32 $0x6580, s23;
	(ifvalue) =	ssetifvalue $0x7FFFFFFF  }
0x9c: {  	[tilespmem:s24], [sflag:$0x1] =	stream.indirect_vreg.gather [hbm4b:s4+s11], $0x1, v3, vm0, $0x4038;
	[tilespmem:$0x1A900] =	vst v63  }
0x9d: {  	(ifvalue) =	ssetifvalue $0x7FFFFFFF  }
0x9e: {  	s24 =	sadd.s32 $0x6680, s23;
	(ifvalue) =	ssetifvalue $0x7FFFFFFF  }
0x9f: {  	[tilespmem:s25], [sflag:$0x1] =	stream.indirect_vreg.gather [hbm4b:s4+s11], $0x1, v12, vm0, $0x4038;
	[tilespmem:$0x1A900] =	vst v63  }
0xa0: {  	(ifvalue) =	ssetifvalue $0x7FFFFFFF  }
.Ltmp3:
0xa1: {  	s25 =	sadd.s32 $0x6700, s23;
	(ifvalue) =	ssetifvalue $0x7FFFFFFF;
	(pc) =	sbr.rel @p1 .LBB2_3-.Ltmp3, $4  }
0xa2: {  	[tilespmem:s24], [sflag:$0x1] =	stream.indirect_vreg.gather [hbm4b:s4+s11], $0x1, v13, vm0, $0x4038;
	[tilespmem:$0x1A900] =	vst v63  }
0xa3: {  	s20 =	sadd.s32 $0xFFFFFFF0, s20;
	s19 =	sadd.s32 $0x10, s19;
	(ifvalue) =	ssetifvalue $0x7FFFFFFF  }
0xa4: {  	s21 =	sadd.s32 $0x80, s21;
	s23 =	sadd.s32 $0x6780, s23;
	(ifvalue) =	ssetifvalue $0x7FFFFFFF  }
0xa5: {  	[tilespmem:s25], [sflag:$0x1] =	stream.indirect_vreg.gather [hbm4b:s4+s11], $0x1, v14, vm0, $0x4038;
	[tilespmem:$0x1A900] =	vst v63  }
.Ltmp4:
0xa6: {  	_ = 	snop;
	(pc) =	sbr.rel .LBB2_4-.Ltmp4, $1  }
0xa7: {  	_ =	sdelay $0x3  }
.LBB2_6:
0xa8: {  	_ =	sfence.sel $0x180000  }
0xa9: {  	s2 =	simm.s32 $0x2;
	[bflag:$0x0] =	sbarrier.arrive $0xFFFF  }
0xaa: {  	s30 =	simm.s32 $0x3;
	[sflag:s2] =	ssyncpa.u1 $0x1  }
0xab: {  	s31 =	simm.s32 $0x1;
	[sflag:s30] =	ssyncpa.u1 $0x1  }
0xac: {  	[sflag:s31] =	ssyncpa.u1 $0x1  }
0xad: {  	p0 =	sne.s32 s0, $0x0;
	_ =	strace $0x90000056  }
0xae: {  	s0 =	sadd.s32 @!p0 $0x100000, s1;
	[bflag:$0x2] =	sbarrier.arrive $0xFFFF  }
0xaf: {  	[sflag:s0] =	ssyncadd.tile.s32 @!p0 $0x1;
	_ =	shalt  }
.Lfunc_end2:
_tile_overlayer_lowered:
.L_overlay_start_2:
0xb0: {  	(tag) =	ssettag $0x2  }
0xb1: {  	s0 =	rddreg [dreg:$0x0];
	s2 =	stileid.u32  }
0xb2: {  	s1 =	rddreg [dreg:$0x1];
	p0 =	sne.s32 s2, $0x0  }
0xb3: {  	s3 =	rddreg [dreg:$0x2];
	[bflag:$0x3] =	sbarrier.arrive $0xFFFF;
	s2 =	simm.s32 @!p0 $0x1C01  }
0xb4: {  	[timem:s3], [sflag:s2] =	dma.local @!p0 [hbm:s0], s1  }
0xb5: {  	s0 =	simm.s32 @!p0 $0x1  }
0xb6: {  	_ =	swait.ge @!p0 [sflag:s0], s1  }
0xb7: {  	s1 =	ssub.s32 @!p0 $0x0, s1;
	[sflag:s0] =	ssyncset.done @!p0 $0x0  }
0xb8: {  	[sflag:s0] =	ssyncadd.s32 @!p0 s1  }
0xb9: {  	[bflag:$0x3] =	sbarrier.arrive $0xFFFF  }
0xba: {  	_ =	shalt  }

// kernel: gather_offload_async_start.2
scs
__scs_entry_jumppad:
0x0: {  	(pc) =	sbr.rel $0x88, $3  }
0x1: {  	(tag) =	ssettag $0x0;
	lr =	simm.s32 $0x1  }
0x2: {  	[smem:$0x3F9C] =	sst lr;
	_ =	strace $0xD0000000  }
0x3: {  	_ = 	snop  }
0x4: {  	_ = 	snop  }
0x5: {  	_ = 	snop  }
0x6: {  	_ = 	snop  }
0x7: {  	_ = 	snop  }
__scs_overlays_trampoline_lowered:
0x8: {  	[smem:$0x3FAB] =	sst s0  }
0x9: {  	[smem:$0x3FAC] =	sst s1  }
0xa: {  	[smem:$0x3FAD] =	sst s2  }
0xb: {  	[smem:$0x3FAE] =	sst s3  }
0xc: {  	[smem:$0x3FAF] =	sst s4  }
0xd: {  	[smem:$0x3FB0] =	sst s5  }
0xe: {  	[smem:$0x3FB1] =	sst s6  }
0xf: {  	[smem:$0x3FB2] =	sst s7  }
0x10: {  	[smem:$0x3FB3] =	sst s8  }
0x11: {  	[smem:$0x3FB4] =	sst s9;
	s0 =	simm.s32 @!p0 $0x0  }
0x12: {  	s1 =	sld [smem:$0x3F9A];
	s0 =	simm.s32 @p0 $0x1  }
0x13: {  	[smem:$0x3FB5] =	sst s0;
	s0 =	simm.s32 @!p1 $0x0  }
0x14: {  	s2 =	sld [smem:$0x3F99];
	s0 =	simm.s32 @p1 $0x1  }
0x15: {  	[smem:$0x3FB6] =	sst s0;
	s0 =	simm.s32 @!p2 $0x0  }
0x16: {  	s3 =	sld [smem:$0x3FDB];
	s0 =	simm.s32 @p2 $0x1  }
0x17: {  	s4 =	simm.s32 $0x1BF5;
	[smem:$0x3FB8] =	sst s0  }
0x18: {  	s0 =	sld [smem:$0x3F9B];
	_ =	swait.ge [sflag:s4], $0x0  }
0x19: {  	s7 =	sld [smem:$0x3F9C]  }
0x1a: {  	s8 =	sadd.s32 $0xFFFFE003, lr  }
0x1b: {  	s9 =	sadd.s32 $0xFFFFFEF7, lr;
	s5 =	simm.s32 $0xFFFFFFFF;
	p2 =	slt.u32 s8, $0xFFFFF086  }
0x1c: {  	p1 =	slt.u32 s9, $0xF7A;
	s5 =	simm.s32 @!p2 $0x0  }
0x1d: {  	s5 =	simm.s32 @p1 $0x1;
	p0 =	seq.s32 s7, s2  }
0x1e: {  	s7 =	smul.u32 @!p0 $0xF7A, s2;
	p2 =	seq.s32 @!p0 s5, $0x0  }
0x1f: {  	s9 =	smul.u32 $0xF7A, s1;
	s8 =	simm.s32 @!p0 $0x1BF5;
	p2 =	por !p2, p0  }
0x20: {  	[sflag:s8] =	ssyncset.s32 @!p0 $0xFFFFF086;
	s6 =	sadd.s32 @!p0 s3, s7;
	s7 =	simm.s32 @!p0 $0x108  }
0x21: {  	s3 =	sadd.s32 s3, s9;
	s6 =	sadd.s32 @!p0 $0x88, s6;
	s7 =	simm.s32 @p2 $0x1082  }
0x22: {  	[simem:s7], [sflag:s8] =	dma.local @!p0 [hbm:s6], $0xF7A  }
0x23: {  	s9 =	sor.u32 $0xD0000000, s2;
	s6 =	simm.s32 $0x108;
	_ =	swait.ge @!p0 [sflag:s8], $0x0  }
0x24: {  	s3 =	sadd.s32 $0x88, s3;
	s6 =	simm.s32 @!p1 $0x1082;
	[sflag:s4] =	ssyncset.s32 $0xFFFFF086  }
0x25: {  	[simem:s6], [sflag:s4] =	dma.local [hbm:s3], $0xF7A  }
0x26: {  	[smem:$0x3F9C] =	sst s1;
	(tag) =	ssettag s2;
	_ =	strace s9  }
0x27: {  	s1 =	sld [smem:$0x3FAC]  }
0x28: {  	s2 =	sld [smem:$0x3FAD]  }
0x29: {  	s4 =	sld [smem:$0x3FAF]  }
0x2a: {  	p0 =	seq.s32 s5, $0x0;
	s5 =	sld [smem:$0x3FB0]  }
0x2b: {  	s6 =	sld [smem:$0x3FB1]  }
0x2c: {  	s7 =	sld [smem:$0x3FB2]  }
0x2d: {  	s3 =	simm.s32 $0x108;
	s8 =	sld [smem:$0x3FB3]  }
0x2e: {  	s3 =	simm.s32 @!p0 $0x1082;
	s9 =	sld [smem:$0x3FB4]  }
0x2f: {  	lr =	sadd.s32 s0, s3;
	s0 =	sld [smem:$0x3FAB]  }
0x30: {  	s3 =	sld [smem:$0x3FAE]  }
0x31: {  	[smem:$0x3FB7] =	sst s10  }
0x32: {  	s10 =	sld [smem:$0x3FB5];
	_ =	sdelay $0x3  }
0x33: {  	p0 =	seq.s32 s10, $0x1;
	s10 =	sld [smem:$0x3FB7];
	_ =	sdelay $0x3  }
0x34: {  	[smem:$0x3FB7] =	sst s10  }
0x35: {  	s10 =	sld [smem:$0x3FB6];
	_ =	sdelay $0x3  }
0x36: {  	p1 =	seq.s32 s10, $0x1;
	s10 =	sld [smem:$0x3FB7];
	_ =	sdelay $0x3  }
0x37: {  	[smem:$0x3FB7] =	sst s10  }
0x38: {  	s10 =	sld [smem:$0x3FB8]  }
0x39: {  	_ = 	snop;
	(pc) =	sbr.ind lr, $3  }
0x3a: {  	_ = 	snop  }
0x3b: {  	_ = 	snop  }
0x3c: {  	p2 =	seq.s32 s10, $0x1;
	s10 =	sld [smem:$0x3FB7]  }
0x3d: {  	_ =	shalt  }
0x3e: {  	_ =	shalt  }
0x3f: {  	_ =	shalt  }
0x40: {  	_ =	shalt  }
0x41: {  	_ =	shalt  }
0x42: {  	_ =	shalt  }
0x43: {  	_ =	shalt  }
0x44: {  	_ =	shalt  }
0x45: {  	_ =	shalt  }
0x46: {  	_ =	shalt  }
0x47: {  	_ =	shalt  }
0x48: {  	_ =	shalt  }
0x49: {  	_ =	shalt  }
0x4a: {  	_ =	shalt  }
0x4b: {  	_ =	shalt  }
0x4c: {  	_ =	shalt  }
0x4d: {  	_ =	shalt  }
0x4e: {  	_ =	shalt  }
0x4f: {  	_ =	shalt  }
0x50: {  	_ =	shalt  }
0x51: {  	_ =	shalt  }
0x52: {  	_ =	shalt  }
0x53: {  	_ =	shalt  }
0x54: {  	_ =	shalt  }
0x55: {  	_ =	shalt  }
0x56: {  	_ =	shalt  }
0x57: {  	_ =	shalt  }
0x58: {  	_ =	shalt  }
0x59: {  	_ =	shalt  }
0x5a: {  	_ =	shalt  }
0x5b: {  	_ =	shalt  }
0x5c: {  	_ =	shalt  }
0x5d: {  	_ =	shalt  }
0x5e: {  	_ =	shalt  }
0x5f: {  	_ =	shalt  }
0x60: {  	_ =	shalt  }
0x61: {  	_ =	shalt  }
0x62: {  	_ =	shalt  }
0x63: {  	_ =	shalt  }
0x64: {  	_ =	shalt  }
0x65: {  	_ =	shalt  }
0x66: {  	_ =	shalt  }
0x67: {  	_ =	shalt  }
0x68: {  	_ =	shalt  }
0x69: {  	_ =	shalt  }
0x6a: {  	_ =	shalt  }
0x6b: {  	_ =	shalt  }
0x6c: {  	_ =	shalt  }
0x6d: {  	_ =	shalt  }
0x6e: {  	_ =	shalt  }
0x6f: {  	_ =	shalt  }
0x70: {  	_ =	shalt  }
0x71: {  	_ =	shalt  }
0x72: {  	_ =	shalt  }
0x73: {  	_ =	shalt  }
0x74: {  	_ =	shalt  }
0x75: {  	_ =	shalt  }
0x76: {  	_ =	shalt  }
0x77: {  	_ =	shalt  }
0x78: {  	_ =	shalt  }
0x79: {  	_ =	shalt  }
0x7a: {  	_ =	shalt  }
0x7b: {  	_ =	shalt  }
0x7c: {  	_ =	shalt  }
0x7d: {  	_ =	shalt  }
0x7e: {  	_ =	shalt  }
0x7f: {  	_ =	shalt  }
0x80: {  	_ =	shalt  }
0x81: {  	_ =	shalt  }
0x82: {  	_ =	shalt  }
0x83: {  	_ =	shalt  }
0x84: {  	_ =	shalt  }
0x85: {  	_ =	shalt  }
0x86: {  	_ =	shalt  }
0x87: {  	_ =	shalt  }
.Lfunc_end0:
.L_simem_size_0:
called_computation.7_lowered:
.L_overlay_start_0:
0x88: {  	s2 =	sld [smem:$0x3FD9]  }
0x89: {  	s3 =	sld [smem:$0x3FFE];
	_ =	sdelay $0x1  }
0x8a: {  	s1 =	srdreg.scid  }
0x8b: {  	s0 =	sand.u32 $0x1, s1  }
0x8c: {  	s17 =	sshll.u32 s0, $0xA;
	s2 =	sadd.s32 s3, s2  }
0x8d: {  	s2 =	sadd.s32 s2, s17  }
0x8e: {  	[smem:$0x3FC3] =	sst s2  }
0x8f: {  	_ = 	snop  }
0x90: {  	s18 =	sld [smem:$0x3FD0];
	(tm) =	ssettm $0x1  }
0x91: {  	s19 =	sld [smem:$0x3FFB];
	_ =	sdelay $0x3  }
0x92: {  	_ =	strace s19  }
0x93: {  	s2 =	sld [smem:$0x3FFC];
	_ =	sdelay $0x3  }
0x94: {  	_ =	strace s2  }
0x95: {  	s2 =	sld [smem:$0x3FFD];
	_ =	sdelay $0x3  }
0x96: {  	_ =	strace s2  }
0x97: {  	_ =	strace $0x8FFFFFFF  }
0x98: {  	s20 =	sld [smem:$0x3FDB];
	_ =	sdelay $0x1  }
0x99: {  	s4 =	simm.s32 $_scs_section_size  }
0x9a: {  	s5 =	simm.s32 $_size__tile_overlayer_lowered;
	s6 =	simm.s32 $_tile_overlayer_lowered  }
0x9b: {  	s7 =	simm.s32 $0x1BFF;
	s21 =	sshll.u32 s6, $0x1;
	s4 =	sadd.s32 s4, s20  }
0x9c: {  	s22 =	simm.s32 $0x0;
	s5 =	sshll.u32 s5, $0x1;
	s6 =	sadd.s32 s21, s4  }
0x9d: {  	[timem:s22], [sflag:s7] =	dma.local [hbm:s6], s5  }
0x9e: {  	_ =	swait.ge [sflag:s7], s5  }
0x9f: {  	s5 =	ssub.s32 $0x0, s5;
	[sflag:s7] =	ssyncset.done $0x0  }
0xa0: {  	[sflag:s7] =	ssyncadd.s32 s5;
	_ =	sdelay $0x1  }
0xa1: {  	s23 =	simm.s32 $0x1B8B  }
0xa2: {  	_ =	swait.ge [sflag:s23], $0x1  }
0xa3: {  	[sflag:s23] =	ssyncset.done $0x0  }
0xa4: {  	[sflag:s23] =	ssyncadd.s32 $0xFFFFFFFF  }
0xa5: {  	s5 =	sld [smem:$0x0]  }
0xa6: {  	s6 =	sand.u32 $0xFFFFFFFE, s1  }
0xa7: {  	p0 =	sne.s32 s1, s6  }
0xa8: {  	s6 =	sshll.u32 @p0 s6, $0xE  }
0xa9: {  	s6 =	sadd.s32 @p0 $0x11B8D, s6;
	s7 =	sshll.u32 @p0 s5, $0x11  }
0xaa: {  	s6 =	sor.u32 @p0 s7, s6  }
0xab: {  	[sflag:s6] =	ssyncadd.remote.s32 @p0 $0x1;
	_ =	sdelay $0x1  }
0xac: {  	s6 =	simm.s32 @p0 $0x1B8D  }
0xad: {  	_ =	swait.eq @p0 [sflag:s6], $0x1  }
0xae: {  	[sflag:s6] =	ssyncadd.s32 @p0 $0xFFFFFFFF  }
0xaf: {  	s7 =	sshll.u32 @!p0 s1, $0xE  }
0xb0: {  	s7 =	sor.u32 @!p0 $0x4000, s7;
	s6 =	simm.s32 @!p0 $0x1B8D  }
0xb1: {  	s5 =	sshll.u32 @!p0 s5, $0x11;
	s7 =	sadd.s32 @!p0 $0x11B8D, s7;
	_ =	swait.eq @!p0 [sflag:s6], $0x1  }
0xb2: {  	s5 =	sor.u32 @!p0 s5, s7;
	[sflag:s6] =	ssyncadd.s32 @!p0 $0xFFFFFFFF  }
0xb3: {  	s25 =	simm.s32 $0x1B8E;
	s24 =	sld [smem:$0x3FFE];
	[sflag:s5] =	ssyncadd.remote.s32 @!p0 $0x1  }
0xb4: {  	s26 =	simm.s32 $execute0_lowered;
	[smem:$0x3FD2] =	sst s25  }
0xb5: {  	s6 =	sshll.u32 s26, $0x1;
	_ =	strace $0x80000052;
	[dreg:$0x1] =	wrdreg $0xFFFFFFFF  }
0xb6: {  	s28 =	simm.s32 $_size_execute0_lowered;
	s4 =	sadd.s32 s4, s6;
	[dreg:$0x0] =	wrdreg $0x0  }
0xb7: {  	s6 =	sshll.u32 s28, $0x1;
	[dreg:$0x2] =	wrdreg s4  }
0xb8: {  	[dreg:$0x3] =	wrdreg s6  }
0xb9: {  	[dreg:$0x4] =	wrdreg $0xC0  }
0xba: {  	_ =	task [dreg:s22], $0x5FFFF  }
0xbb: {  	[dreg:$0x1] =	wrdreg $0xFFFFFFFF  }
0xbc: {  	[dreg:$0x0] =	wrdreg $0x60  }
0xbd: {  	[dreg:$0x2] =	wrdreg s18  }
0xbe: {  	[dreg:$0x3] =	wrdreg s24  }
0xbf: {  	[dreg:$0x4] =	wrdreg $0x9  }
0xc0: {  	_ =	task.clear_ibuf [dreg:s22], $0x5FFFF;
	_ =	strace $0x90000052  }
0xc1: {  	s29 =	simm.s32 $0x9;
	_ =	strace $0x80000054  }
0xc2: {  	_ =	swait.ge [sflag:s29], $0x1  }
0xc3: {  	[sflag:s29] =	ssyncadd.s32 $0xFFFFFFFF  }
0xc4: {  	_ =	strace $0x90000054  }
0xc5: {  	_ =	sfence  }
0xc6: {  	s30 =	sld [smem:$0x0];
	_ =	sdelay $0x2  }
0xc7: {  	s31 =	sshll.u32 s1, $0xD;
	s1 =	sshrl.u32 s1, $0x2  }
0xc8: {  	s4 =	sand.u32 $0x4000, s31;
	s1 =	sadd.s32 s1, s30  }
0xc9: {  	s0 =	sor.u32 s4, s0;
	s1 =	sshll.u32 s1, $0x11  }
0xca: {  	s0 =	sor.u32 s1, s0  }
0xcb: {  	s0 =	sadd.s32 $0x8F2B, s0  }
0xcc: {  	[sflag:s0] =	ssyncadd.remote.s32 $0x1  }
0xcd: {  	_ =	sfence.sel $0xFFFF  }
0xce: {  	[dreg:$0x0] =	wrdreg $0xFFFFFFFF;
	(pc) =	sbr.abs _section_cstart, $3  }
0xcf: {  	[dreg:$0x1] =	wrdreg $0xFFFFFFFF  }
0xd0: {  	_ =	task.clear_ibuf [dreg:s22], $0x2FFFF;
	_ =	strace $0x9FFFFFFF  }
0xd1: {  	(tm) =	ssettm $0x7FFFFFFF  }
tec
execute0_lowered:
.L_overlay_start_1:
0x0: {  	(tag) =	ssettag $0x1  }
0x1: {  	s2 =	rddreg [dreg:$0x0]  }
0x2: {  	s8 =	rddreg [dreg:$0x1]  }
0x3: {  	s1 =	stileid.u32;
	s3 =	srdreg.scid  }
0x4: {  	s0 =	rddreg [dreg:$0x2];
	_ =	strace $0x80000053;
	s5 =	simm.s32 $0x1  }
0x5: {  	s9 =	simm.s32 $0x1;
	s3 =	sand.u32 $0x1, s3;
	s4 =	sshll.u32 s1, $0x1  }
0x6: {  	s10 =	simm.s32 $0x3;
	s13 =	simm.s32 $0x0;
	s6 =	sor.u32 s4, s3  }
0x7: {  	s12 =	simm.s32 $0x0;
	[sflag:s5] =	ssyncpa.u1 $0x0;
	s4 =	smul.u32 $0x5000, s6  }
0x8: {  	s3 =	sadd.s32 $0x1C44400, s8;
	p0 =	slt.u32 s6, $0x9;
	s6 =	simm.s32 $0xA0000  }
.Ltmp0:
0x9: {  	s6 =	simm.s32 @!p0 $0x0;
	s7 =	ssub.s32 $0xC8000, s4;
	(pc) =	sbr.rel .LBB2_1-.Ltmp0, $4  }
0xa: {  	s9 =	simm.s32 @!p0 $0x0;
	p0 =	sne.s32 s7, s6;
	s7 =	simm.s32 $0x1  }
0xb: {  	s8 =	sadd.s32 $0x2E00, s8;
	s6 =	simm.s32 $0x2;
	s7 =	simm.s32 @!p0 $0x0  }
0xc: {  	s11 =	smov.u32 s4;
	[sflag:s6] =	ssyncpa.u1 $0x0;
	s7 =	sadd.s32 s9, s7  }
0xd: {  	vm0 =	vmmov $0xffff;
	[sflag:s10] =	ssyncpa.u1 $0x0;
	s10 =	simm.s32 $0x0;
	s9 =	sadd.s32 $0x1, s7  }
.LBB2_4:
0xe: {  	v2 =	vnsel vm1, $0x0, v2  }
0xf: {  	vm1 =	vgt.s32 v0, $0x0;
	v2 =	vmin.u32 v2, $0xF423F  }
0x10: {  	v0 =	vnsel vm1, $0x0, v0  }
0x11: {  	v0 =	vmin.u32 v0, $0xF423F  }
0x12: {  	[tilespmem:s18], [sflag:$0x1] =	stream.indirect_vreg.gather [hbm4b:s2+s10], $0x1, v1, vm0, $0x4038;
	[tilespmem:$0x14000] =	vst v63  }
0x13: {  	(ifvalue) =	ssetifvalue $0x7FFFFFFF  }
0x14: {  	[tilespmem:s15], [sflag:$0x1] =	stream.indirect_vreg.gather [hbm4b:s2+s10], $0x1, v2, vm0, $0x4038;
	[tilespmem:$0x14000] =	vst v63  }
0x15: {  	s29 =	sadd.s32 $0x10, s15;
	(ifvalue) =	ssetifvalue $0x7FFFFFFF  }
0x16: {  	[tilespmem:s29], [sflag:$0x1] =	stream.indirect_vreg.gather [hbm4b:s2+s10], $0x1, v0, vm0, $0x4038;
	[tilespmem:$0x14000] =	vst v63  }
0x17: {  	_ =	swait.ge [sflag:s5], $0x5000  }
0x18: {  	s30 =	sshrl.u32 s13, $0x3;
	[sflag:s5] =	ssyncset.done $0x0  }
0x19: {  	s31 =	sand.u32 $0x7, s13;
	s15 =	sadd.s32 s8, s30;
	[sflag:s5] =	ssyncadd.s32 $0xFFFFB000  }
0x1a: {  	[hbm4b:s15+s31] =	stream.linear.scatter [tilespmem:s14], [sflag:$0x3], $0x5000, $0x38;
	[tilespmem:$0x14000] =	vst v63  }
.LBB2_5:
0x1b: {  	s15 =	sadd.s32 $0xA0000, s11  }
0x1c: {  	p1 =	sgt.s32 s15, $0xC7FFF  }
0x1d: {  	s15 =	smov.u32 @p1 s4;
	p1 =	sne.s32 s12, s9  }
.Ltmp1:
0x1e: {  	p0 =	slt.u32 s12, $0x2;
	(pc) =	sbr.rel @!p1 .LBB2_6-.Ltmp1, $4  }
0x1f: {  	s14 =	simm.s32 @!p0 $0x3  }
0x20: {  	_ =	swait.ge @!p0 [sflag:s14], $0x5000  }
0x21: {  	s16 =	sadd.s32 $0x1, s12;
	s13 =	smov.u32 s11;
	[sflag:s14] =	ssyncset.done @!p0 $0x0  }
0x22: {  	s12 =	smov.u32 s16;
	s11 =	smov.u32 s15;
	[sflag:s14] =	ssyncadd.s32 @!p0 $0xFFFFB000  }
.LBB2_1:
0x23: {  	p0 =	sge.u32 s12, s7  }
0x24: {  	s14 =	sxor.u32 @!p0 $0x1, s12  }
0x25: {  	s14 =	smul.u32 @!p0 $0x14000, s14  }
0x26: {  	s31 =	sadd.s32 $0xFFFFFFFF, s12;
	s15 =	sshrl.u32 @!p0 s11, $0x3  }
0x27: {  	s16 =	sand.u32 @!p0 $0x7, s11;
	s15 =	sadd.s32 @!p0 s3, s15;
	s14 =	sshra.s32 @!p0 s14, $0x2  }
0x28: {  	[tilespmem:s14], [sflag:$0x2] =	stream.linear.gather @!p0 [hbm4b:s15+s16], $0x5000, $0x38;
	[tilespmem:$0x14000] =	vst v63  }
0x29: {  	p0 =	sge.u32 s31, s7  }
.Ltmp2:
0x2a: {  	_ = 	snop;
	(pc) =	sbr.rel @p0 .LBB2_5-.Ltmp2, $1  }
0x2b: {  	_ =	sdelay $0x3  }
0x2c: {  	s14 =	sand.u32 $0x1, s12  }
0x2d: {  	_ =	swait.ge [sflag:s6], $0x5000;
	p0 =	seq.s32 s14, $0x1;
	s14 =	simm.s32 $0x5000  }
0x2e: {  	[sflag:s6] =	ssyncset.done $0x0;
	s14 =	simm.s32 @!p0 $0x0  }
0x2f: {  	[sflag:s6] =	ssyncadd.s32 $0xFFFFB000;
	(ifvalue) =	ssetifvalue $0x7FFFFFFF;
	v0 =	vld.msk [tilespmem:s14+$0x0 ss:$0x1], $0xffff;
	_ =	sdelay $0x4  }
0x30: {  	s15 =	sadd.s32 $0x10, s14;
	vm1 =	vgt.s32 v0, $0x0  }
0x31: {  	v2 =	vld.msk [tilespmem:s15+$0x0 ss:$0x1], $0xffff;
	v1 =	vnsel vm1, $0x0, v0  }
0x32: {  	v1 =	vmin.u32 v1, $0xF423F;
	_ =	sdelay $0x2  }
0x33: {  	s17 =	simm.s32 $0x20;
	s14 =	sor.u32 $0xA000, s14;
	s16 =	sadd.s32 $0x10, s15  }
0x34: {  	s15 =	sadd.s32 $0x10, s14;
	s18 =	smov.u32 s14;
	v0 =	vld.msk [tilespmem:s16+$0x0 ss:$0x1], $0xffff;
	vm1 =	vgt.s32 v2, $0x0;
	(ifvalue) =	ssetifvalue $0x7FFFFFFF  }
.LBB2_3:
0x35: {  	[tilespmem:s18], [sflag:$0x1] =	stream.indirect_vreg.gather [hbm4b:s2+s10], $0x1, v1, vm0, $0x4038;
	[tilespmem:$0x14000] =	vst v63  }
0x36: {  	s17 =	sadd.s32 $0x10, s17  }
0x37: {  	v2 =	vnsel vm1, $0x0, v2;
	p0 =	slt.u32 s17, $0x4FF0  }
.Ltmp3:
0x38: {  	s18 =	smov.u32 s15;
	v1 =	vmin.u32 v2, $0xF423F;
	(pc) =	sbr.rel @p0 .LBB2_3-.Ltmp3, $3  }
0x39: {  	_ =	sdelay $0x1  }
0x3a: {  	s16 =	sadd.s32 $0x10, s16  }
0x3b: {  	vm1 =	vgt.s32 v0, $0x0;
	s15 =	sadd.s32 $0x10, s15;
	v2 =	vmov v0;
	(ifvalue) =	ssetifvalue $0x7FFFFFFF;
	v0 =	vld.msk [tilespmem:s16+$0x0 ss:$0x1], $0xffff  }
.Ltmp4:
0x3c: {  	_ = 	snop;
	(pc) =	sbr.rel .LBB2_4-.Ltmp4, $1  }
0x3d: {  	_ =	sdelay $0x3  }
.LBB2_6:
0x3e: {  	_ =	sfence.sel $0x180000  }
0x3f: {  	s2 =	simm.s32 $0x2;
	[bflag:$0x0] =	sbarrier.arrive $0xFFFF  }
0x40: {  	s30 =	simm.s32 $0x3;
	[sflag:s2] =	ssyncpa.u1 $0x1  }
0x41: {  	s31 =	simm.s32 $0x1;
	[sflag:s30] =	ssyncpa.u1 $0x1  }
0x42: {  	[sflag:s31] =	ssyncpa.u1 $0x1  }
0x43: {  	p0 =	sne.s32 s1, $0x0;
	_ =	strace $0x90000053  }
0x44: {  	s0 =	sadd.s32 @!p0 $0x100000, s0;
	[bflag:$0x2] =	sbarrier.arrive $0xFFFF  }
0x45: {  	[sflag:s0] =	ssyncadd.tile.s32 @!p0 $0x1;
	_ =	shalt  }
.Lfunc_end2:
_tile_overlayer_lowered:
.L_overlay_start_2:
0x46: {  	(tag) =	ssettag $0x2  }
0x47: {  	s0 =	rddreg [dreg:$0x0];
	s2 =	stileid.u32  }
0x48: {  	s1 =	rddreg [dreg:$0x1];
	p0 =	sne.s32 s2, $0x0  }
0x49: {  	s3 =	rddreg [dreg:$0x2];
	[bflag:$0x3] =	sbarrier.arrive $0xFFFF;
	s2 =	simm.s32 @!p0 $0x1C01  }
0x4a: {  	[timem:s3], [sflag:s2] =	dma.local @!p0 [hbm:s0], s1  }
0x4b: {  	s0 =	simm.s32 @!p0 $0x1  }
0x4c: {  	_ =	swait.ge @!p0 [sflag:s0], s1  }
0x4d: {  	s1 =	ssub.s32 @!p0 $0x0, s1;
	[sflag:s0] =	ssyncset.done @!p0 $0x0  }
0x4e: {  	[sflag:s0] =	ssyncadd.s32 @!p0 s1  }
0x4f: {  	[bflag:$0x3] =	sbarrier.arrive $0xFFFF  }
0x50: {  	_ =	shalt  }

// kernel: gather_offload_async_start
scs
__scs_entry_jumppad:
0x0: {  	(pc) =	sbr.rel $0x88, $3  }
0x1: {  	(tag) =	ssettag $0x0;
	lr =	simm.s32 $0x1  }
0x2: {  	[smem:$0x3F9C] =	sst lr;
	_ =	strace $0xD0000000  }
0x3: {  	_ = 	snop  }
0x4: {  	_ = 	snop  }
0x5: {  	_ = 	snop  }
0x6: {  	_ = 	snop  }
0x7: {  	_ = 	snop  }
__scs_overlays_trampoline_lowered:
0x8: {  	[smem:$0x3FAB] =	sst s0  }
0x9: {  	[smem:$0x3FAC] =	sst s1  }
0xa: {  	[smem:$0x3FAD] =	sst s2  }
0xb: {  	[smem:$0x3FAE] =	sst s3  }
0xc: {  	[smem:$0x3FAF] =	sst s4  }
0xd: {  	[smem:$0x3FB0] =	sst s5  }
0xe: {  	[smem:$0x3FB1] =	sst s6  }
0xf: {  	[smem:$0x3FB2] =	sst s7  }
0x10: {  	[smem:$0x3FB3] =	sst s8  }
0x11: {  	[smem:$0x3FB4] =	sst s9;
	s0 =	simm.s32 @!p0 $0x0  }
0x12: {  	s1 =	sld [smem:$0x3F9A];
	s0 =	simm.s32 @p0 $0x1  }
0x13: {  	[smem:$0x3FB5] =	sst s0;
	s0 =	simm.s32 @!p1 $0x0  }
0x14: {  	s2 =	sld [smem:$0x3F99];
	s0 =	simm.s32 @p1 $0x1  }
0x15: {  	[smem:$0x3FB6] =	sst s0;
	s0 =	simm.s32 @!p2 $0x0  }
0x16: {  	s3 =	sld [smem:$0x3FDB];
	s0 =	simm.s32 @p2 $0x1  }
0x17: {  	s4 =	simm.s32 $0x1BF5;
	[smem:$0x3FB8] =	sst s0  }
0x18: {  	s0 =	sld [smem:$0x3F9B];
	_ =	swait.ge [sflag:s4], $0x0  }
0x19: {  	s7 =	sld [smem:$0x3F9C]  }
0x1a: {  	s8 =	sadd.s32 $0xFFFFE003, lr  }
0x1b: {  	s9 =	sadd.s32 $0xFFFFFEF7, lr;
	s5 =	simm.s32 $0xFFFFFFFF;
	p2 =	slt.u32 s8, $0xFFFFF086  }
0x1c: {  	p1 =	slt.u32 s9, $0xF7A;
	s5 =	simm.s32 @!p2 $0x0  }
0x1d: {  	s5 =	simm.s32 @p1 $0x1;
	p0 =	seq.s32 s7, s2  }
0x1e: {  	s7 =	smul.u32 @!p0 $0xF7A, s2;
	p2 =	seq.s32 @!p0 s5, $0x0  }
0x1f: {  	s9 =	smul.u32 $0xF7A, s1;
	s8 =	simm.s32 @!p0 $0x1BF5;
	p2 =	por !p2, p0  }
0x20: {  	[sflag:s8] =	ssyncset.s32 @!p0 $0xFFFFF086;
	s6 =	sadd.s32 @!p0 s3, s7;
	s7 =	simm.s32 @!p0 $0x108  }
0x21: {  	s3 =	sadd.s32 s3, s9;
	s6 =	sadd.s32 @!p0 $0x88, s6;
	s7 =	simm.s32 @p2 $0x1082  }
0x22: {  	[simem:s7], [sflag:s8] =	dma.local @!p0 [hbm:s6], $0xF7A  }
0x23: {  	s9 =	sor.u32 $0xD0000000, s2;
	s6 =	simm.s32 $0x108;
	_ =	swait.ge @!p0 [sflag:s8], $0x0  }
0x24: {  	s3 =	sadd.s32 $0x88, s3;
	s6 =	simm.s32 @!p1 $0x1082;
	[sflag:s4] =	ssyncset.s32 $0xFFFFF086  }
0x25: {  	[simem:s6], [sflag:s4] =	dma.local [hbm:s3], $0xF7A  }
0x26: {  	[smem:$0x3F9C] =	sst s1;
	(tag) =	ssettag s2;
	_ =	strace s9  }
0x27: {  	s1 =	sld [smem:$0x3FAC]  }
0x28: {  	s2 =	sld [smem:$0x3FAD]  }
0x29: {  	s4 =	sld [smem:$0x3FAF]  }
0x2a: {  	p0 =	seq.s32 s5, $0x0;
	s5 =	sld [smem:$0x3FB0]  }
0x2b: {  	s6 =	sld [smem:$0x3FB1]  }
0x2c: {  	s7 =	sld [smem:$0x3FB2]  }
0x2d: {  	s3 =	simm.s32 $0x108;
	s8 =	sld [smem:$0x3FB3]  }
0x2e: {  	s3 =	simm.s32 @!p0 $0x1082;
	s9 =	sld [smem:$0x3FB4]  }
0x2f: {  	lr =	sadd.s32 s0, s3;
	s0 =	sld [smem:$0x3FAB]  }
0x30: {  	s3 =	sld [smem:$0x3FAE]  }
0x31: {  	[smem:$0x3FB7] =	sst s10  }
0x32: {  	s10 =	sld [smem:$0x3FB5];
	_ =	sdelay $0x3  }
0x33: {  	p0 =	seq.s32 s10, $0x1;
	s10 =	sld [smem:$0x3FB7];
	_ =	sdelay $0x3  }
0x34: {  	[smem:$0x3FB7] =	sst s10  }
0x35: {  	s10 =	sld [smem:$0x3FB6];
	_ =	sdelay $0x3  }
0x36: {  	p1 =	seq.s32 s10, $0x1;
	s10 =	sld [smem:$0x3FB7];
	_ =	sdelay $0x3  }
0x37: {  	[smem:$0x3FB7] =	sst s10  }
0x38: {  	s10 =	sld [smem:$0x3FB8]  }
0x39: {  	_ = 	snop;
	(pc) =	sbr.ind lr, $3  }
0x3a: {  	_ = 	snop  }
0x3b: {  	_ = 	snop  }
0x3c: {  	p2 =	seq.s32 s10, $0x1;
	s10 =	sld [smem:$0x3FB7]  }
0x3d: {  	_ =	shalt  }
0x3e: {  	_ =	shalt  }
0x3f: {  	_ =	shalt  }
0x40: {  	_ =	shalt  }
0x41: {  	_ =	shalt  }
0x42: {  	_ =	shalt  }
0x43: {  	_ =	shalt  }
0x44: {  	_ =	shalt  }
0x45: {  	_ =	shalt  }
0x46: {  	_ =	shalt  }
0x47: {  	_ =	shalt  }
0x48: {  	_ =	shalt  }
0x49: {  	_ =	shalt  }
0x4a: {  	_ =	shalt  }
0x4b: {  	_ =	shalt  }
0x4c: {  	_ =	shalt  }
0x4d: {  	_ =	shalt  }
0x4e: {  	_ =	shalt  }
0x4f: {  	_ =	shalt  }
0x50: {  	_ =	shalt  }
0x51: {  	_ =	shalt  }
0x52: {  	_ =	shalt  }
0x53: {  	_ =	shalt  }
0x54: {  	_ =	shalt  }
0x55: {  	_ =	shalt  }
0x56: {  	_ =	shalt  }
0x57: {  	_ =	shalt  }
0x58: {  	_ =	shalt  }
0x59: {  	_ =	shalt  }
0x5a: {  	_ =	shalt  }
0x5b: {  	_ =	shalt  }
0x5c: {  	_ =	shalt  }
0x5d: {  	_ =	shalt  }
0x5e: {  	_ =	shalt  }
0x5f: {  	_ =	shalt  }
0x60: {  	_ =	shalt  }
0x61: {  	_ =	shalt  }
0x62: {  	_ =	shalt  }
0x63: {  	_ =	shalt  }
0x64: {  	_ =	shalt  }
0x65: {  	_ =	shalt  }
0x66: {  	_ =	shalt  }
0x67: {  	_ =	shalt  }
0x68: {  	_ =	shalt  }
0x69: {  	_ =	shalt  }
0x6a: {  	_ =	shalt  }
0x6b: {  	_ =	shalt  }
0x6c: {  	_ =	shalt  }
0x6d: {  	_ =	shalt  }
0x6e: {  	_ =	shalt  }
0x6f: {  	_ =	shalt  }
0x70: {  	_ =	shalt  }
0x71: {  	_ =	shalt  }
0x72: {  	_ =	shalt  }
0x73: {  	_ =	shalt  }
0x74: {  	_ =	shalt  }
0x75: {  	_ =	shalt  }
0x76: {  	_ =	shalt  }
0x77: {  	_ =	shalt  }
0x78: {  	_ =	shalt  }
0x79: {  	_ =	shalt  }
0x7a: {  	_ =	shalt  }
0x7b: {  	_ =	shalt  }
0x7c: {  	_ =	shalt  }
0x7d: {  	_ =	shalt  }
0x7e: {  	_ =	shalt  }
0x7f: {  	_ =	shalt  }
0x80: {  	_ =	shalt  }
0x81: {  	_ =	shalt  }
0x82: {  	_ =	shalt  }
0x83: {  	_ =	shalt  }
0x84: {  	_ =	shalt  }
0x85: {  	_ =	shalt  }
0x86: {  	_ =	shalt  }
0x87: {  	_ =	shalt  }
.Lfunc_end0:
.L_simem_size_0:
called_computation.5_lowered:
.L_overlay_start_0:
0x88: {  	s2 =	sld [smem:$0x3FD9]  }
0x89: {  	s3 =	sld [smem:$0x3FFE];
	_ =	sdelay $0x1  }
0x8a: {  	s1 =	srdreg.scid  }
0x8b: {  	s0 =	sand.u32 $0x1, s1  }
0x8c: {  	s17 =	sshll.u32 s0, $0xA;
	s2 =	sadd.s32 s3, s2  }
0x8d: {  	s2 =	sadd.s32 s2, s17  }
0x8e: {  	[smem:$0x3FC3] =	sst s2  }
0x8f: {  	_ = 	snop  }
0x90: {  	s2 =	sld [smem:$0x3FC7];
	(tm) =	ssettm $0x1  }
0x91: {  	s18 =	sld [smem:$0x3FFB];
	_ =	sdelay $0x3  }
0x92: {  	_ =	strace s18  }
0x93: {  	s3 =	sld [smem:$0x3FFC];
	_ =	sdelay $0x3  }
0x94: {  	_ =	strace s3  }
0x95: {  	s3 =	sld [smem:$0x3FFD];
	_ =	sdelay $0x3  }
0x96: {  	_ =	strace s3  }
0x97: {  	_ =	strace $0x8FFFFFFF  }
0x98: {  	s19 =	sld [smem:$0x3FDB];
	_ =	sdelay $0x1  }
0x99: {  	s4 =	simm.s32 $_scs_section_size  }
0x9a: {  	s5 =	simm.s32 $_size__tile_overlayer_lowered;
	s6 =	simm.s32 $_tile_overlayer_lowered  }
0x9b: {  	s22 =	simm.s32 $0x1BFF;
	s21 =	sshll.u32 s6, $0x1;
	s3 =	sadd.s32 s4, s19  }
0x9c: {  	s7 =	simm.s32 $0x0;
	s20 =	sshll.u32 s5, $0x1;
	s5 =	sadd.s32 s21, s3  }
0x9d: {  	[timem:s7], [sflag:s22] =	dma.local [hbm:s5], s20  }
0x9e: {  	_ =	swait.ge [sflag:s22], s20  }
0x9f: {  	s4 =	ssub.s32 $0x0, s20;
	[sflag:s22] =	ssyncset.done $0x0  }
0xa0: {  	[sflag:s22] =	ssyncadd.s32 s4;
	_ =	sdelay $0x1  }
0xa1: {  	s23 =	simm.s32 $0x1B8B  }
0xa2: {  	_ =	swait.ge [sflag:s23], $0x1  }
0xa3: {  	[sflag:s23] =	ssyncset.done $0x0  }
0xa4: {  	s25 =	simm.s32 $0x1B8E;
	s24 =	sld [smem:$0x3FFE];
	[sflag:s23] =	ssyncadd.s32 $0xFFFFFFFF  }
0xa5: {  	s26 =	simm.s32 $execute0_lowered;
	[smem:$0x3FD2] =	sst s25  }
0xa6: {  	s5 =	sshll.u32 s26, $0x1;
	_ =	strace $0x80000046;
	[dreg:$0x1] =	wrdreg $0xFFFFFFFF  }
0xa7: {  	s28 =	simm.s32 $_size_execute0_lowered;
	s3 =	sadd.s32 s3, s5;
	[dreg:$0x0] =	wrdreg $0x0  }
0xa8: {  	s5 =	sshll.u32 s28, $0x1;
	[dreg:$0x2] =	wrdreg s3  }
0xa9: {  	[dreg:$0x3] =	wrdreg s5  }
0xaa: {  	[dreg:$0x4] =	wrdreg $0xC0  }
0xab: {  	_ =	task [dreg:s7], $0x5FFFF  }
0xac: {  	[dreg:$0x1] =	wrdreg $0xFFFFFFFF  }
0xad: {  	[dreg:$0x0] =	wrdreg $0x60  }
0xae: {  	[dreg:$0x2] =	wrdreg s2  }
0xaf: {  	[dreg:$0x3] =	wrdreg s24  }
0xb0: {  	[dreg:$0x4] =	wrdreg $0x9  }
0xb1: {  	_ =	task.clear_ibuf [dreg:s7], $0x5FFFF;
	_ =	strace $0x90000046  }
0xb2: {  	s29 =	simm.s32 $0x9;
	_ =	strace $0x80000048  }
0xb3: {  	_ =	swait.ge [sflag:s29], $0x1  }
0xb4: {  	[sflag:s29] =	ssyncadd.s32 $0xFFFFFFFF  }
0xb5: {  	_ =	strace $0x90000048  }
0xb6: {  	_ =	sfence  }
0xb7: {  	s30 =	sld [smem:$0x0];
	_ =	sdelay $0x2  }
0xb8: {  	s31 =	sshll.u32 s1, $0xD;
	s1 =	sshrl.u32 s1, $0x2  }
0xb9: {  	s3 =	sand.u32 $0x4000, s31;
	s1 =	sadd.s32 s1, s30  }
0xba: {  	s0 =	sor.u32 s3, s0;
	s1 =	sshll.u32 s1, $0x11  }
0xbb: {  	s0 =	sor.u32 s1, s0  }
0xbc: {  	s0 =	sadd.s32 $0x8F2B, s0  }
0xbd: {  	[sflag:s0] =	ssyncadd.remote.s32 $0x1  }
0xbe: {  	_ =	sfence.sel $0xFFFF  }
0xbf: {  	[dreg:$0x0] =	wrdreg $0xFFFFFFFF;
	(pc) =	sbr.abs _section_cstart, $3  }
0xc0: {  	[dreg:$0x1] =	wrdreg $0xFFFFFFFF  }
0xc1: {  	_ =	task.clear_ibuf [dreg:s7], $0x2FFFF;
	_ =	strace $0x9FFFFFFF  }
0xc2: {  	(tm) =	ssettm $0x7FFFFFFF  }
0xc3: {  	_ =	shalt  }
tec
execute0_lowered:
.L_overlay_start_1:
0x0: {  	(tag) =	ssettag $0x1  }
0x1: {  	s1 =	srdreg.scid;
	s2 =	rddreg [dreg:$0x0]  }
0x2: {  	s0 =	stileid.u32;
	s9 =	rddreg [dreg:$0x1]  }
0x3: {  	s5 =	simm.s32 $0x1;
	s6 =	simm.s32 $0x2;
	s1 =	sshll.u32 s1, $0x7  }
0x4: {  	s11 =	simm.s32 $0x3;
	s3 =	sshll.u32 s0, $0x8;
	s1 =	sand.u32 $0x80, s1  }
0x5: {  	s13 =	simm.s32 $0x0;
	s12 =	simm.s32 $0x0;
	s3 =	sor.u32 s3, s1  }
0x6: {  	s1 =	rddreg [dreg:$0x2];
	_ =	strace $0x80000047;
	s4 =	sshrl.u32 s3, $0x3  }
0x7: {  	s7 =	ssub.s32 $0x1000, s3;
	[sflag:s5] =	ssyncpa.u1 $0x0;
	s8 =	sadd.s32 s4, s9  }
.Ltmp0:
0x8: {  	s4 =	sadd.s32 $0x3000, s9;
	s10 =	sand.u32 $0xF80, s7;
	(pc) =	sbr.rel .LBB2_1-.Ltmp0, $4  }
0x9: {  	[sflag:s6] =	ssyncpa.u1 $0x0;
	p0 =	sne.s32 s10, $0x0;
	s10 =	simm.s32 $0x1  }
0xa: {  	s7 =	sshrl.u32 s7, $0xC;
	s9 =	sadd.s32 $0x4000, s9;
	s10 =	simm.s32 @!p0 $0x0  }
0xb: {  	[sflag:s11] =	ssyncpa.u1 $0x0;
	s8 =	sadd.s32 $0x2E00, s8;
	s7 =	sadd.s32 s10, s7  }
0xc: {  	vm0 =	vmmov $0xffff;
	s11 =	simm.s32 $0x0;
	p0 =	por $0x0, $0x0;
	s10 =	sadd.s32 $0x1, s7  }
.LBB2_4:
0xd: {  	_ =	sdelay $0x3  }
0xe: {  	[tilespmem:s21], [sflag:$0x1] =	stream.indirect_vreg.gather [hbm4b:s2+s11], $0x1, v0, vm0, $0x4038;
	[tilespmem:$0x1100] =	vst v63  }
0xf: {  	s16 =	sadd.s32 s18, s16  }
0x10: {  	v0 =	vld.msk [tilespmem:s16+$0x0 ss:$0x1], $0xffff;
	_ =	sdelay $0x4  }
0x11: {  	vm1 =	vgt.s32 v0, $0x0  }
0x12: {  	v0 =	vnsel vm1, $0x0, v0  }
0x13: {  	v0 =	vmin.u32 v0, $0x10C8DF  }
0x14: {  	v1 =	vshll.u32 v0, $0x3  }
0x15: {  	v0 =	vand.u32 $0x7F, v0;
	v1 =	vand.u32 $0xFFFC00, v1  }
0x16: {  	v0 =	vor.u32 v0, v1;
	_ =	sdelay $0x2  }
0x17: {  	(ifvalue) =	ssetifvalue $0x7FFFFFFF;
	v1 =	vor.u32 $0x80, v0  }
0x18: {  	s16 =	sadd.s32 s18, s17;
	(ifvalue) =	ssetifvalue $0x7FFFFFFF  }
0x19: {  	[tilespmem:s16], [sflag:$0x1] =	stream.indirect_vreg.gather [hbm4b:s2+s11], $0x1, v0, vm0, $0x4038;
	[tilespmem:$0x1100] =	vst v63  }
0x1a: {  	v2 =	vor.u32 $0x100, v0;
	(ifvalue) =	ssetifvalue $0x7FFFFFFF  }
0x1b: {  	s17 =	sadd.s32 $0x80, s16;
	(ifvalue) =	ssetifvalue $0x7FFFFFFF  }
0x1c: {  	[tilespmem:s17], [sflag:$0x1] =	stream.indirect_vreg.gather [hbm4b:s2+s11], $0x1, v1, vm0, $0x4038;
	[tilespmem:$0x1100] =	vst v63  }
0x1d: {  	v52 =	vor.u32 $0x180, v0;
	(ifvalue) =	ssetifvalue $0x7FFFFFFF  }
0x1e: {  	s29 =	sadd.s32 $0x100, s16;
	(ifvalue) =	ssetifvalue $0x7FFFFFFF  }
0x1f: {  	[tilespmem:s29], [sflag:$0x1] =	stream.indirect_vreg.gather [hbm4b:s2+s11], $0x1, v2, vm0, $0x4038;
	[tilespmem:$0x1100] =	vst v63  }
0x20: {  	v53 =	vor.u32 $0x200, v0;
	(ifvalue) =	ssetifvalue $0x7FFFFFFF  }
0x21: {  	s30 =	sadd.s32 $0x180, s16;
	(ifvalue) =	ssetifvalue $0x7FFFFFFF  }
0x22: {  	[tilespmem:s30], [sflag:$0x1] =	stream.indirect_vreg.gather [hbm4b:s2+s11], $0x1, v52, vm0, $0x4038;
	[tilespmem:$0x1100] =	vst v63  }
0x23: {  	v54 =	vor.u32 $0x280, v0;
	(ifvalue) =	ssetifvalue $0x7FFFFFFF  }
0x24: {  	s31 =	sadd.s32 $0x200, s16;
	(ifvalue) =	ssetifvalue $0x7FFFFFFF  }
0x25: {  	[tilespmem:s31], [sflag:$0x1] =	stream.indirect_vreg.gather [hbm4b:s2+s11], $0x1, v53, vm0, $0x4038;
	[tilespmem:$0x1100] =	vst v63  }
0x26: {  	v55 =	vor.u32 $0x300, v0;
	(ifvalue) =	ssetifvalue $0x7FFFFFFF  }
0x27: {  	s18 =	sadd.s32 $0x280, s16;
	(ifvalue) =	ssetifvalue $0x7FFFFFFF  }
0x28: {  	[tilespmem:s18], [sflag:$0x1] =	stream.indirect_vreg.gather [hbm4b:s2+s11], $0x1, v54, vm0, $0x4038;
	[tilespmem:$0x1100] =	vst v63  }
0x29: {  	v56 =	vor.u32 $0x380, v0;
	(ifvalue) =	ssetifvalue $0x7FFFFFFF  }
0x2a: {  	s19 =	sadd.s32 $0x300, s16;
	(ifvalue) =	ssetifvalue $0x7FFFFFFF  }
0x2b: {  	[tilespmem:s19], [sflag:$0x1] =	stream.indirect_vreg.gather [hbm4b:s2+s11], $0x1, v55, vm0, $0x4038;
	[tilespmem:$0x1100] =	vst v63  }
0x2c: {  	v57 =	vadd.s32 $0x864800, v0;
	(ifvalue) =	ssetifvalue $0x7FFFFFFF  }
0x2d: {  	s20 =	sadd.s32 $0x380, s16;
	(ifvalue) =	ssetifvalue $0x7FFFFFFF  }
0x2e: {  	[tilespmem:s20], [sflag:$0x1] =	stream.indirect_vreg.gather [hbm4b:s2+s11], $0x1, v56, vm0, $0x4038;
	[tilespmem:$0x1100] =	vst v63  }
0x2f: {  	v58 =	vadd.s32 $0x864880, v0;
	(ifvalue) =	ssetifvalue $0x7FFFFFFF  }
0x30: {  	s21 =	sadd.s32 $0x400, s16;
	(ifvalue) =	ssetifvalue $0x7FFFFFFF  }
0x31: {  	[tilespmem:s21], [sflag:$0x1] =	stream.indirect_vreg.gather [hbm4b:s2+s11], $0x1, v57, vm0, $0x4038;
	[tilespmem:$0x1100] =	vst v63  }
0x32: {  	v59 =	vadd.s32 $0x864900, v0;
	(ifvalue) =	ssetifvalue $0x7FFFFFFF  }
0x33: {  	s22 =	sadd.s32 $0x480, s16;
	(ifvalue) =	ssetifvalue $0x7FFFFFFF  }
0x34: {  	[tilespmem:s22], [sflag:$0x1] =	stream.indirect_vreg.gather [hbm4b:s2+s11], $0x1, v58, vm0, $0x4038;
	[tilespmem:$0x1100] =	vst v63  }
0x35: {  	v60 =	vadd.s32 $0x864980, v0;
	(ifvalue) =	ssetifvalue $0x7FFFFFFF  }
0x36: {  	s23 =	sadd.s32 $0x500, s16;
	(ifvalue) =	ssetifvalue $0x7FFFFFFF  }
0x37: {  	[tilespmem:s23], [sflag:$0x1] =	stream.indirect_vreg.gather [hbm4b:s2+s11], $0x1, v59, vm0, $0x4038;
	[tilespmem:$0x1100] =	vst v63  }
0x38: {  	v61 =	vadd.s32 $0x864A00, v0;
	(ifvalue) =	ssetifvalue $0x7FFFFFFF  }
0x39: {  	s24 =	sadd.s32 $0x580, s16;
	(ifvalue) =	ssetifvalue $0x7FFFFFFF  }
0x3a: {  	[tilespmem:s24], [sflag:$0x1] =	stream.indirect_vreg.gather [hbm4b:s2+s11], $0x1, v60, vm0, $0x4038;
	[tilespmem:$0x1100] =	vst v63  }
0x3b: {  	v62 =	vadd.s32 $0x864A80, v0;
	(ifvalue) =	ssetifvalue $0x7FFFFFFF  }
0x3c: {  	s25 =	sadd.s32 $0x600, s16;
	(ifvalue) =	ssetifvalue $0x7FFFFFFF  }
0x3d: {  	[tilespmem:s25], [sflag:$0x1] =	stream.indirect_vreg.gather [hbm4b:s2+s11], $0x1, v61, vm0, $0x4038;
	[tilespmem:$0x1100] =	vst v63  }
0x3e: {  	v63 =	vadd.s32 $0x864B00, v0;
	(ifvalue) =	ssetifvalue $0x7FFFFFFF  }
0x3f: {  	s26 =	sadd.s32 $0x680, s16;
	(ifvalue) =	ssetifvalue $0x7FFFFFFF  }
0x40: {  	[tilespmem:s26], [sflag:$0x1] =	stream.indirect_vreg.gather [hbm4b:s2+s11], $0x1, v62, vm0, $0x4038;
	[tilespmem:$0x1100] =	vst v63  }
0x41: {  	v0 =	vadd.s32 $0x864B80, v0;
	(ifvalue) =	ssetifvalue $0x7FFFFFFF  }
0x42: {  	s28 =	sadd.s32 $0x700, s16;
	(ifvalue) =	ssetifvalue $0x7FFFFFFF  }
0x43: {  	[tilespmem:s28], [sflag:$0x1] =	stream.indirect_vreg.gather [hbm4b:s2+s11], $0x1, v63, vm0, $0x4038;
	[tilespmem:$0x1100] =	vst v63  }
0x44: {  	(ifvalue) =	ssetifvalue $0x7FFFFFFF  }
0x45: {  	s16 =	sadd.s32 $0x780, s16;
	s29 =	sshll.u32 s13, $0x3;
	(ifvalue) =	ssetifvalue $0x7FFFFFFF  }
0x46: {  	[tilespmem:s16], [sflag:$0x1] =	stream.indirect_vreg.gather [hbm4b:s2+s11], $0x1, v0, vm0, $0x4038;
	[tilespmem:$0x1100] =	vst v63  }
0x47: {  	s30 =	sand.u32 $0x78, s13;
	s16 =	sand.u32 $0x7FFFFC00, s29  }
0x48: {  	_ =	swait.ge [sflag:s5], $0x800;
	s13 =	sor.u32 s30, s16  }
0x49: {  	[sflag:s5] =	ssyncset.done $0x0;
	s13 =	sshrl.u32 s13, $0x3  }
0x4a: {  	[sflag:s5] =	ssyncadd.s32 $0xFFFFF800;
	s31 =	sadd.s32 s4, s13  }
0x4b: {  	[hbm:s31] =	stream.linear.scatter [tilespmem:s15], [sflag:$0x3], $0x400, $0x38;
	[tilespmem:$0x1100] =	vst v63  }
0x4c: {  	s14 =	sadd.s32 $0x500, s14;
	s13 =	sadd.s32 s13, s9  }
0x4d: {  	[hbm:s13] =	stream.linear.scatter [tilespmem:s14], [sflag:$0x3], $0x400, $0x38;
	[tilespmem:$0x1100] =	vst v63  }
.LBB2_5:
0x4e: {  	p2 =	sne.s32 s12, s10  }
.Ltmp1:
0x4f: {  	p1 =	slt.u32 s12, $0x2;
	(pc) =	sbr.rel @!p2 .LBB2_6-.Ltmp1, $4  }
0x50: {  	s13 =	simm.s32 @!p1 $0x3  }
0x51: {  	_ =	swait.ge @!p1 [sflag:s13], $0x800  }
0x52: {  	s14 =	sadd.s32 $0x1, s12;
	p0 =	por !p0, !p0;
	[sflag:s13] =	ssyncset.done @!p1 $0x0  }
0x53: {  	s12 =	smov.u32 s14;
	[sflag:s13] =	ssyncadd.s32 @!p1 $0xFFFFF800;
	s13 =	smov.u32 s3  }
.LBB2_1:
0x54: {  	p1 =	sge.u32 s12, s7  }
0x55: {  	s14 =	sxor.u32 @!p1 $0xFFFFFFFF, s12  }
0x56: {  	s14 =	sshll.u32 @!p1 s14, $0x7  }
0x57: {  	s31 =	sadd.s32 $0xFFFFFFFF, s12;
	s15 =	simm.s32 @!p1 $0x0;
	s14 =	sand.u32 @!p1 $0x80, s14  }
0x58: {  	[tilespmem:s14], [sflag:$0x2] =	stream.linear.gather @!p1 [hbm4b:s8+s15], $0x80, $0x38;
	[tilespmem:$0x1100] =	vst v63  }
0x59: {  	p1 =	sge.u32 s31, s7  }
.Ltmp2:
0x5a: {  	_ = 	snop;
	(pc) =	sbr.rel @p1 .LBB2_5-.Ltmp2, $1  }
0x5b: {  	_ =	sdelay $0x3  }
0x5c: {  	s14 =	simm.s32 $0x1  }
0x5d: {  	_ =	swait.ge [sflag:s6], $0x80;
	s14 =	simm.s32 @!p0 $0x0  }
0x5e: {  	[sflag:s6] =	ssyncset.done $0x0;
	s16 =	sshll.u32 s14, $0x7  }
0x5f: {  	[sflag:s6] =	ssyncadd.s32 $0xFFFFFF80;
	s15 =	sadd.s32 $0x0, s16  }
0x60: {  	v0 =	vld.msk [tilespmem:s15+$0x0 ss:$0x1], $0xffff;
	_ =	sdelay $0x4  }
0x61: {  	vm1 =	vgt.s32 v0, $0x0  }
0x62: {  	v0 =	vnsel vm1, $0x0, v0  }
0x63: {  	v0 =	vmin.u32 v0, $0x10C8DF  }
0x64: {  	v1 =	vshll.u32 v0, $0x3  }
0x65: {  	v0 =	vand.u32 $0x7F, v0;
	v1 =	vand.u32 $0xFFFC00, v1  }
0x66: {  	v0 =	vor.u32 v0, v1;
	_ =	sdelay $0x1  }
0x67: {  	s14 =	sshll.u32 s14, $0xB  }
0x68: {  	s17 =	sor.u32 $0x100, s14;
	(ifvalue) =	ssetifvalue $0x7FFFFFFF;
	v1 =	vor.u32 $0x80, v0  }
0x69: {  	s19 =	sadd.s32 $0x0, s17;
	(ifvalue) =	ssetifvalue $0x7FFFFFFF  }
0x6a: {  	[tilespmem:s19], [sflag:$0x1] =	stream.indirect_vreg.gather [hbm4b:s2+s11], $0x1, v0, vm0, $0x4038;
	[tilespmem:$0x1100] =	vst v63  }
0x6b: {  	v2 =	vor.u32 $0x100, v0;
	(ifvalue) =	ssetifvalue $0x7FFFFFFF  }
0x6c: {  	s30 =	sadd.s32 $0x80, s19;
	(ifvalue) =	ssetifvalue $0x7FFFFFFF  }
0x6d: {  	[tilespmem:s30], [sflag:$0x1] =	stream.indirect_vreg.gather [hbm4b:s2+s11], $0x1, v1, vm0, $0x4038;
	[tilespmem:$0x1100] =	vst v63  }
0x6e: {  	v1 =	vor.u32 $0x180, v0;
	(ifvalue) =	ssetifvalue $0x7FFFFFFF  }
0x6f: {  	s31 =	sadd.s32 $0x100, s19;
	(ifvalue) =	ssetifvalue $0x7FFFFFFF  }
0x70: {  	[tilespmem:s31], [sflag:$0x1] =	stream.indirect_vreg.gather [hbm4b:s2+s11], $0x1, v2, vm0, $0x4038;
	[tilespmem:$0x1100] =	vst v63  }
0x71: {  	v2 =	vor.u32 $0x200, v0;
	(ifvalue) =	ssetifvalue $0x7FFFFFFF  }
0x72: {  	s15 =	sadd.s32 $0x180, s19;
	(ifvalue) =	ssetifvalue $0x7FFFFFFF  }
0x73: {  	[tilespmem:s15], [sflag:$0x1] =	stream.indirect_vreg.gather [hbm4b:s2+s11], $0x1, v1, vm0, $0x4038;
	[tilespmem:$0x1100] =	vst v63  }
0x74: {  	(ifvalue) =	ssetifvalue $0x7FFFFFFF;
	v1 =	vor.u32 $0x280, v0  }
0x75: {  	s18 =	sadd.s32 $0x200, s19;
	(ifvalue) =	ssetifvalue $0x7FFFFFFF  }
0x76: {  	[tilespmem:s18], [sflag:$0x1] =	stream.indirect_vreg.gather [hbm4b:s2+s11], $0x1, v2, vm0, $0x4038;
	[tilespmem:$0x1100] =	vst v63  }
0x77: {  	(ifvalue) =	ssetifvalue $0x7FFFFFFF;
	v2 =	vor.u32 $0x300, v0  }
0x78: {  	s20 =	sadd.s32 $0x280, s19;
	(ifvalue) =	ssetifvalue $0x7FFFFFFF  }
0x79: {  	[tilespmem:s20], [sflag:$0x1] =	stream.indirect_vreg.gather [hbm4b:s2+s11], $0x1, v1, vm0, $0x4038;
	[tilespmem:$0x1100] =	vst v63  }
0x7a: {  	(ifvalue) =	ssetifvalue $0x7FFFFFFF;
	v1 =	vor.u32 $0x380, v0  }
0x7b: {  	s21 =	sadd.s32 $0x300, s19;
	(ifvalue) =	ssetifvalue $0x7FFFFFFF  }
0x7c: {  	[tilespmem:s21], [sflag:$0x1] =	stream.indirect_vreg.gather [hbm4b:s2+s11], $0x1, v2, vm0, $0x4038;
	[tilespmem:$0x1100] =	vst v63  }
0x7d: {  	(ifvalue) =	ssetifvalue $0x7FFFFFFF;
	v2 =	vadd.s32 $0x864800, v0  }
0x7e: {  	s22 =	sadd.s32 $0x380, s19;
	(ifvalue) =	ssetifvalue $0x7FFFFFFF  }
0x7f: {  	[tilespmem:s22], [sflag:$0x1] =	stream.indirect_vreg.gather [hbm4b:s2+s11], $0x1, v1, vm0, $0x4038;
	[tilespmem:$0x1100] =	vst v63  }
0x80: {  	(ifvalue) =	ssetifvalue $0x7FFFFFFF;
	v1 =	vadd.s32 $0x864880, v0  }
0x81: {  	s23 =	sadd.s32 $0x400, s19;
	(ifvalue) =	ssetifvalue $0x7FFFFFFF  }
0x82: {  	[tilespmem:s23], [sflag:$0x1] =	stream.indirect_vreg.gather [hbm4b:s2+s11], $0x1, v2, vm0, $0x4038;
	[tilespmem:$0x1100] =	vst v63  }
0x83: {  	(ifvalue) =	ssetifvalue $0x7FFFFFFF;
	v2 =	vadd.s32 $0x864900, v0  }
0x84: {  	s24 =	sadd.s32 $0x480, s19;
	(ifvalue) =	ssetifvalue $0x7FFFFFFF  }
0x85: {  	[tilespmem:s24], [sflag:$0x1] =	stream.indirect_vreg.gather [hbm4b:s2+s11], $0x1, v1, vm0, $0x4038;
	[tilespmem:$0x1100] =	vst v63  }
0x86: {  	(ifvalue) =	ssetifvalue $0x7FFFFFFF;
	v1 =	vadd.s32 $0x864980, v0  }
0x87: {  	s25 =	sadd.s32 $0x500, s19;
	(ifvalue) =	ssetifvalue $0x7FFFFFFF  }
0x88: {  	[tilespmem:s25], [sflag:$0x1] =	stream.indirect_vreg.gather [hbm4b:s2+s11], $0x1, v2, vm0, $0x4038;
	[tilespmem:$0x1100] =	vst v63  }
0x89: {  	(ifvalue) =	ssetifvalue $0x7FFFFFFF;
	v2 =	vadd.s32 $0x864A00, v0  }
0x8a: {  	s26 =	sadd.s32 $0x580, s19;
	(ifvalue) =	ssetifvalue $0x7FFFFFFF  }
0x8b: {  	[tilespmem:s26], [sflag:$0x1] =	stream.indirect_vreg.gather [hbm4b:s2+s11], $0x1, v1, vm0, $0x4038;
	[tilespmem:$0x1100] =	vst v63  }
0x8c: {  	(ifvalue) =	ssetifvalue $0x7FFFFFFF;
	v1 =	vadd.s32 $0x864A80, v0  }
0x8d: {  	s28 =	sadd.s32 $0x600, s19;
	(ifvalue) =	ssetifvalue $0x7FFFFFFF  }
0x8e: {  	[tilespmem:s28], [sflag:$0x1] =	stream.indirect_vreg.gather [hbm4b:s2+s11], $0x1, v2, vm0, $0x4038;
	[tilespmem:$0x1100] =	vst v63  }
0x8f: {  	(ifvalue) =	ssetifvalue $0x7FFFFFFF;
	v2 =	vadd.s32 $0x864B00, v0  }
0x90: {  	s29 =	sadd.s32 $0x680, s19;
	(ifvalue) =	ssetifvalue $0x7FFFFFFF  }
0x91: {  	[tilespmem:s29], [sflag:$0x1] =	stream.indirect_vreg.gather [hbm4b:s2+s11], $0x1, v1, vm0, $0x4038;
	[tilespmem:$0x1100] =	vst v63  }
0x92: {  	s30 =	sshll.u32 s12, $0xB;
	v0 =	vadd.s32 $0x864B80, v0;
	(ifvalue) =	ssetifvalue $0x7FFFFFFF  }
0x93: {  	s14 =	sand.u32 $0x800, s30;
	s31 =	sadd.s32 $0x700, s19;
	(ifvalue) =	ssetifvalue $0x7FFFFFFF  }
0x94: {  	[tilespmem:s31], [sflag:$0x1] =	stream.indirect_vreg.gather [hbm4b:s2+s11], $0x1, v2, vm0, $0x4038;
	[tilespmem:$0x1100] =	vst v63  }
0x95: {  	s15 =	sor.u32 $0x100, s14;
	s18 =	simm.s32 $0x10;
	(ifvalue) =	ssetifvalue $0x7FFFFFFF  }
0x96: {  	s20 =	simm.s32 $0x80;
	s21 =	sadd.s32 $0x780, s19;
	(ifvalue) =	ssetifvalue $0x7FFFFFFF  }
.LBB2_3:
0x97: {  	[tilespmem:s21], [sflag:$0x1] =	stream.indirect_vreg.gather [hbm4b:s2+s11], $0x1, v0, vm0, $0x4038;
	[tilespmem:$0x1100] =	vst v63  }
0x98: {  	s19 =	smov.u32 s20  }
0x99: {  	s22 =	sadd.s32 s18, s16;
	s21 =	sshra.s32 s19, $0x2;
	s19 =	sadd.s32 $0x40, s20  }
0x9a: {  	p1 =	sne.s32 s20, $0x1C0;
	v0 =	vld.msk [tilespmem:s22+$0x0 ss:$0x1], $0xffff  }
0x9b: {  	(ifvalue) =	ssetifvalue $0x7FFFFFFF;
	_ =	sdelay $0x4  }
0x9c: {  	vm1 =	vgt.s32 v0, $0x0  }
0x9d: {  	v0 =	vnsel vm1, $0x0, v0  }
0x9e: {  	v0 =	vmin.u32 v0, $0x10C8DF  }
0x9f: {  	v1 =	vshll.u32 v0, $0x3  }
0xa0: {  	v0 =	vand.u32 $0x7F, v0;
	v1 =	vand.u32 $0xFFFC00, v1  }
0xa1: {  	v0 =	vor.u32 v0, v1;
	_ =	sdelay $0x2  }
0xa2: {  	v1 =	vor.u32 $0x80, v0  }
0xa3: {  	s20 =	sadd.s32 s18, s17;
	s18 =	smov.u32 s21;
	(ifvalue) =	ssetifvalue $0x7FFFFFFF  }
0xa4: {  	[tilespmem:s20], [sflag:$0x1] =	stream.indirect_vreg.gather [hbm4b:s2+s11], $0x1, v0, vm0, $0x4038;
	[tilespmem:$0x1100] =	vst v63  }
0xa5: {  	v2 =	vor.u32 $0x100, v0;
	(ifvalue) =	ssetifvalue $0x7FFFFFFF  }
0xa6: {  	s21 =	sadd.s32 $0x80, s20;
	(ifvalue) =	ssetifvalue $0x7FFFFFFF  }
0xa7: {  	[tilespmem:s21], [sflag:$0x1] =	stream.indirect_vreg.gather [hbm4b:s2+s11], $0x1, v1, vm0, $0x4038;
	[tilespmem:$0x1100] =	vst v63  }
0xa8: {  	v1 =	vor.u32 $0x180, v0;
	(ifvalue) =	ssetifvalue $0x7FFFFFFF  }
0xa9: {  	s21 =	sadd.s32 $0x100, s20;
	(ifvalue) =	ssetifvalue $0x7FFFFFFF  }
0xaa: {  	[tilespmem:s21], [sflag:$0x1] =	stream.indirect_vreg.gather [hbm4b:s2+s11], $0x1, v2, vm0, $0x4038;
	[tilespmem:$0x1100] =	vst v63  }
0xab: {  	v2 =	vor.u32 $0x200, v0;
	(ifvalue) =	ssetifvalue $0x7FFFFFFF  }
0xac: {  	s21 =	sadd.s32 $0x180, s20;
	(ifvalue) =	ssetifvalue $0x7FFFFFFF  }
0xad: {  	[tilespmem:s21], [sflag:$0x1] =	stream.indirect_vreg.gather [hbm4b:s2+s11], $0x1, v1, vm0, $0x4038;
	[tilespmem:$0x1100] =	vst v63  }
0xae: {  	v1 =	vor.u32 $0x280, v0;
	(ifvalue) =	ssetifvalue $0x7FFFFFFF  }
0xaf: {  	s21 =	sadd.s32 $0x200, s20;
	(ifvalue) =	ssetifvalue $0x7FFFFFFF  }
0xb0: {  	[tilespmem:s21], [sflag:$0x1] =	stream.indirect_vreg.gather [hbm4b:s2+s11], $0x1, v2, vm0, $0x4038;
	[tilespmem:$0x1100] =	vst v63  }
0xb1: {  	v2 =	vor.u32 $0x300, v0;
	(ifvalue) =	ssetifvalue $0x7FFFFFFF  }
0xb2: {  	s21 =	sadd.s32 $0x280, s20;
	(ifvalue) =	ssetifvalue $0x7FFFFFFF  }
0xb3: {  	[tilespmem:s21], [sflag:$0x1] =	stream.indirect_vreg.gather [hbm4b:s2+s11], $0x1, v1, vm0, $0x4038;
	[tilespmem:$0x1100] =	vst v63  }
0xb4: {  	v1 =	vor.u32 $0x380, v0;
	(ifvalue) =	ssetifvalue $0x7FFFFFFF  }
0xb5: {  	s21 =	sadd.s32 $0x300, s20;
	(ifvalue) =	ssetifvalue $0x7FFFFFFF  }
0xb6: {  	[tilespmem:s21], [sflag:$0x1] =	stream.indirect_vreg.gather [hbm4b:s2+s11], $0x1, v2, vm0, $0x4038;
	[tilespmem:$0x1100] =	vst v63  }
0xb7: {  	v2 =	vadd.s32 $0x864800, v0;
	(ifvalue) =	ssetifvalue $0x7FFFFFFF  }
0xb8: {  	s21 =	sadd.s32 $0x380, s20;
	(ifvalue) =	ssetifvalue $0x7FFFFFFF  }
0xb9: {  	[tilespmem:s21], [sflag:$0x1] =	stream.indirect_vreg.gather [hbm4b:s2+s11], $0x1, v1, vm0, $0x4038;
	[tilespmem:$0x1100] =	vst v63  }
0xba: {  	v1 =	vadd.s32 $0x864880, v0;
	(ifvalue) =	ssetifvalue $0x7FFFFFFF  }
0xbb: {  	s21 =	sadd.s32 $0x400, s20;
	(ifvalue) =	ssetifvalue $0x7FFFFFFF  }
0xbc: {  	[tilespmem:s21], [sflag:$0x1] =	stream.indirect_vreg.gather [hbm4b:s2+s11], $0x1, v2, vm0, $0x4038;
	[tilespmem:$0x1100] =	vst v63  }
0xbd: {  	v2 =	vadd.s32 $0x864900, v0;
	(ifvalue) =	ssetifvalue $0x7FFFFFFF  }
0xbe: {  	s21 =	sadd.s32 $0x480, s20;
	(ifvalue) =	ssetifvalue $0x7FFFFFFF  }
0xbf: {  	[tilespmem:s21], [sflag:$0x1] =	stream.indirect_vreg.gather [hbm4b:s2+s11], $0x1, v1, vm0, $0x4038;
	[tilespmem:$0x1100] =	vst v63  }
0xc0: {  	v1 =	vadd.s32 $0x864980, v0;
	(ifvalue) =	ssetifvalue $0x7FFFFFFF  }
0xc1: {  	s21 =	sadd.s32 $0x500, s20;
	(ifvalue) =	ssetifvalue $0x7FFFFFFF  }
0xc2: {  	[tilespmem:s21], [sflag:$0x1] =	stream.indirect_vreg.gather [hbm4b:s2+s11], $0x1, v2, vm0, $0x4038;
	[tilespmem:$0x1100] =	vst v63  }
0xc3: {  	v2 =	vadd.s32 $0x864A00, v0;
	(ifvalue) =	ssetifvalue $0x7FFFFFFF  }
0xc4: {  	s21 =	sadd.s32 $0x580, s20;
	(ifvalue) =	ssetifvalue $0x7FFFFFFF  }
0xc5: {  	[tilespmem:s21], [sflag:$0x1] =	stream.indirect_vreg.gather [hbm4b:s2+s11], $0x1, v1, vm0, $0x4038;
	[tilespmem:$0x1100] =	vst v63  }
0xc6: {  	v1 =	vadd.s32 $0x864A80, v0;
	(ifvalue) =	ssetifvalue $0x7FFFFFFF  }
0xc7: {  	s21 =	sadd.s32 $0x600, s20;
	(ifvalue) =	ssetifvalue $0x7FFFFFFF  }
0xc8: {  	[tilespmem:s21], [sflag:$0x1] =	stream.indirect_vreg.gather [hbm4b:s2+s11], $0x1, v2, vm0, $0x4038;
	[tilespmem:$0x1100] =	vst v63  }
0xc9: {  	v2 =	vadd.s32 $0x864B00, v0;
	(ifvalue) =	ssetifvalue $0x7FFFFFFF  }
0xca: {  	s21 =	sadd.s32 $0x680, s20;
	(ifvalue) =	ssetifvalue $0x7FFFFFFF  }
0xcb: {  	[tilespmem:s21], [sflag:$0x1] =	stream.indirect_vreg.gather [hbm4b:s2+s11], $0x1, v1, vm0, $0x4038;
	[tilespmem:$0x1100] =	vst v63  }
.Ltmp3:
0xcc: {  	v0 =	vadd.s32 $0x864B80, v0;
	(ifvalue) =	ssetifvalue $0x7FFFFFFF;
	(pc) =	sbr.rel @p1 .LBB2_3-.Ltmp3, $4  }
0xcd: {  	s21 =	sadd.s32 $0x700, s20;
	(ifvalue) =	ssetifvalue $0x7FFFFFFF  }
0xce: {  	[tilespmem:s21], [sflag:$0x1] =	stream.indirect_vreg.gather [hbm4b:s2+s11], $0x1, v2, vm0, $0x4038;
	[tilespmem:$0x1100] =	vst v63  }
0xcf: {  	(ifvalue) =	ssetifvalue $0x7FFFFFFF  }
0xd0: {  	s21 =	sadd.s32 $0x780, s20;
	s20 =	smov.u32 s19;
	(ifvalue) =	ssetifvalue $0x7FFFFFFF  }
.Ltmp4:
0xd1: {  	_ = 	snop;
	(pc) =	sbr.rel .LBB2_4-.Ltmp4, $1  }
0xd2: {  	_ =	sdelay $0x3  }
.LBB2_6:
0xd3: {  	_ =	sfence.sel $0x180000  }
0xd4: {  	s2 =	simm.s32 $0x2;
	[bflag:$0x0] =	sbarrier.arrive $0xFFFF  }
0xd5: {  	s30 =	simm.s32 $0x3;
	[sflag:s2] =	ssyncpa.u1 $0x1  }
0xd6: {  	s31 =	simm.s32 $0x1;
	[sflag:s30] =	ssyncpa.u1 $0x1  }
0xd7: {  	[sflag:s31] =	ssyncpa.u1 $0x1  }
0xd8: {  	p0 =	sne.s32 s0, $0x0;
	_ =	strace $0x90000047  }
0xd9: {  	s0 =	sadd.s32 @!p0 $0x100000, s1;
	[bflag:$0x2] =	sbarrier.arrive $0xFFFF  }
0xda: {  	[sflag:s0] =	ssyncadd.tile.s32 @!p0 $0x1;
	_ =	shalt  }
.Lfunc_end2:
_tile_overlayer_lowered:
.L_overlay_start_2:
0xdb: {  	(tag) =	ssettag $0x2  }
0xdc: {  	s0 =	rddreg [dreg:$0x0];
	s2 =	stileid.u32  }
0xdd: {  	s1 =	rddreg [dreg:$0x1];
	p0 =	sne.s32 s2, $0x0  }
0xde: {  	s3 =	rddreg [dreg:$0x2];
	[bflag:$0x3] =	sbarrier.arrive $0xFFFF;
	s2 =	simm.s32 @!p0 $0x1C01  }
0xdf: {  	[timem:s3], [sflag:s2] =	dma.local @!p0 [hbm:s0], s1  }
0xe0: {  	s0 =	simm.s32 @!p0 $0x1  }
0xe1: {  	_ =	swait.ge @!p0 [sflag:s0], s1  }
0xe2: {  	s1 =	ssub.s32 @!p0 $0x0, s1;
	[sflag:s0] =	ssyncset.done @!p0 $0x0  }
0xe3: {  	[sflag:s0] =	ssyncadd.s32 @!p0 s1  }
0xe4: {  	[bflag:$0x3] =	sbarrier.arrive $0xFFFF  }
0xe5: {  	_ =	shalt  }

// kernel: scatter_offload_async_start.1
scs
__scs_entry_jumppad:
0x0: {  	(pc) =	sbr.rel $0x88, $3  }
0x1: {  	(tag) =	ssettag $0x0;
	lr =	simm.s32 $0x1  }
0x2: {  	[smem:$0x3F9C] =	sst lr;
	_ =	strace $0xD0000000  }
0x3: {  	_ = 	snop  }
0x4: {  	_ = 	snop  }
0x5: {  	_ = 	snop  }
0x6: {  	_ = 	snop  }
0x7: {  	_ = 	snop  }
__scs_overlays_trampoline_lowered:
0x8: {  	[smem:$0x3FAB] =	sst s0  }
0x9: {  	[smem:$0x3FAC] =	sst s1  }
0xa: {  	[smem:$0x3FAD] =	sst s2  }
0xb: {  	[smem:$0x3FAE] =	sst s3  }
0xc: {  	[smem:$0x3FAF] =	sst s4  }
0xd: {  	[smem:$0x3FB0] =	sst s5  }
0xe: {  	[smem:$0x3FB1] =	sst s6  }
0xf: {  	[smem:$0x3FB2] =	sst s7  }
0x10: {  	[smem:$0x3FB3] =	sst s8  }
0x11: {  	[smem:$0x3FB4] =	sst s9;
	s0 =	simm.s32 @!p0 $0x0  }
0x12: {  	s1 =	sld [smem:$0x3F9A];
	s0 =	simm.s32 @p0 $0x1  }
0x13: {  	[smem:$0x3FB5] =	sst s0;
	s0 =	simm.s32 @!p1 $0x0  }
0x14: {  	s2 =	sld [smem:$0x3F99];
	s0 =	simm.s32 @p1 $0x1  }
0x15: {  	[smem:$0x3FB6] =	sst s0;
	s0 =	simm.s32 @!p2 $0x0  }
0x16: {  	s3 =	sld [smem:$0x3FDB];
	s0 =	simm.s32 @p2 $0x1  }
0x17: {  	s4 =	simm.s32 $0x1BF5;
	[smem:$0x3FB8] =	sst s0  }
0x18: {  	s0 =	sld [smem:$0x3F9B];
	_ =	swait.ge [sflag:s4], $0x0  }
0x19: {  	s7 =	sld [smem:$0x3F9C]  }
0x1a: {  	s8 =	sadd.s32 $0xFFFFE003, lr  }
0x1b: {  	s9 =	sadd.s32 $0xFFFFFEF7, lr;
	s5 =	simm.s32 $0xFFFFFFFF;
	p2 =	slt.u32 s8, $0xFFFFF086  }
0x1c: {  	p1 =	slt.u32 s9, $0xF7A;
	s5 =	simm.s32 @!p2 $0x0  }
0x1d: {  	s5 =	simm.s32 @p1 $0x1;
	p0 =	seq.s32 s7, s2  }
0x1e: {  	s7 =	smul.u32 @!p0 $0xF7A, s2;
	p2 =	seq.s32 @!p0 s5, $0x0  }
0x1f: {  	s9 =	smul.u32 $0xF7A, s1;
	s8 =	simm.s32 @!p0 $0x1BF5;
	p2 =	por !p2, p0  }
0x20: {  	[sflag:s8] =	ssyncset.s32 @!p0 $0xFFFFF086;
	s6 =	sadd.s32 @!p0 s3, s7;
	s7 =	simm.s32 @!p0 $0x108  }
0x21: {  	s3 =	sadd.s32 s3, s9;
	s6 =	sadd.s32 @!p0 $0x88, s6;
	s7 =	simm.s32 @p2 $0x1082  }
0x22: {  	[simem:s7], [sflag:s8] =	dma.local @!p0 [hbm:s6], $0xF7A  }
0x23: {  	s9 =	sor.u32 $0xD0000000, s2;
	s6 =	simm.s32 $0x108;
	_ =	swait.ge @!p0 [sflag:s8], $0x0  }
0x24: {  	s3 =	sadd.s32 $0x88, s3;
	s6 =	simm.s32 @!p1 $0x1082;
	[sflag:s4] =	ssyncset.s32 $0xFFFFF086  }
0x25: {  	[simem:s6], [sflag:s4] =	dma.local [hbm:s3], $0xF7A  }
0x26: {  	[smem:$0x3F9C] =	sst s1;
	(tag) =	ssettag s2;
	_ =	strace s9  }
0x27: {  	s1 =	sld [smem:$0x3FAC]  }
0x28: {  	s2 =	sld [smem:$0x3FAD]  }
0x29: {  	s4 =	sld [smem:$0x3FAF]  }
0x2a: {  	p0 =	seq.s32 s5, $0x0;
	s5 =	sld [smem:$0x3FB0]  }
0x2b: {  	s6 =	sld [smem:$0x3FB1]  }
0x2c: {  	s7 =	sld [smem:$0x3FB2]  }
0x2d: {  	s3 =	simm.s32 $0x108;
	s8 =	sld [smem:$0x3FB3]  }
0x2e: {  	s3 =	simm.s32 @!p0 $0x1082;
	s9 =	sld [smem:$0x3FB4]  }
0x2f: {  	lr =	sadd.s32 s0, s3;
	s0 =	sld [smem:$0x3FAB]  }
0x30: {  	s3 =	sld [smem:$0x3FAE]  }
0x31: {  	[smem:$0x3FB7] =	sst s10  }
0x32: {  	s10 =	sld [smem:$0x3FB5];
	_ =	sdelay $0x3  }
0x33: {  	p0 =	seq.s32 s10, $0x1;
	s10 =	sld [smem:$0x3FB7];
	_ =	sdelay $0x3  }
0x34: {  	[smem:$0x3FB7] =	sst s10  }
0x35: {  	s10 =	sld [smem:$0x3FB6];
	_ =	sdelay $0x3  }
0x36: {  	p1 =	seq.s32 s10, $0x1;
	s10 =	sld [smem:$0x3FB7];
	_ =	sdelay $0x3  }
0x37: {  	[smem:$0x3FB7] =	sst s10  }
0x38: {  	s10 =	sld [smem:$0x3FB8]  }
0x39: {  	_ = 	snop;
	(pc) =	sbr.ind lr, $3  }
0x3a: {  	_ = 	snop  }
0x3b: {  	_ = 	snop  }
0x3c: {  	p2 =	seq.s32 s10, $0x1;
	s10 =	sld [smem:$0x3FB7]  }
0x3d: {  	_ =	shalt  }
0x3e: {  	_ =	shalt  }
0x3f: {  	_ =	shalt  }
0x40: {  	_ =	shalt  }
0x41: {  	_ =	shalt  }
0x42: {  	_ =	shalt  }
0x43: {  	_ =	shalt  }
0x44: {  	_ =	shalt  }
0x45: {  	_ =	shalt  }
0x46: {  	_ =	shalt  }
0x47: {  	_ =	shalt  }
0x48: {  	_ =	shalt  }
0x49: {  	_ =	shalt  }
0x4a: {  	_ =	shalt  }
0x4b: {  	_ =	shalt  }
0x4c: {  	_ =	shalt  }
0x4d: {  	_ =	shalt  }
0x4e: {  	_ =	shalt  }
0x4f: {  	_ =	shalt  }
0x50: {  	_ =	shalt  }
0x51: {  	_ =	shalt  }
0x52: {  	_ =	shalt  }
0x53: {  	_ =	shalt  }
0x54: {  	_ =	shalt  }
0x55: {  	_ =	shalt  }
0x56: {  	_ =	shalt  }
0x57: {  	_ =	shalt  }
0x58: {  	_ =	shalt  }
0x59: {  	_ =	shalt  }
0x5a: {  	_ =	shalt  }
0x5b: {  	_ =	shalt  }
0x5c: {  	_ =	shalt  }
0x5d: {  	_ =	shalt  }
0x5e: {  	_ =	shalt  }
0x5f: {  	_ =	shalt  }
0x60: {  	_ =	shalt  }
0x61: {  	_ =	shalt  }
0x62: {  	_ =	shalt  }
0x63: {  	_ =	shalt  }
0x64: {  	_ =	shalt  }
0x65: {  	_ =	shalt  }
0x66: {  	_ =	shalt  }
0x67: {  	_ =	shalt  }
0x68: {  	_ =	shalt  }
0x69: {  	_ =	shalt  }
0x6a: {  	_ =	shalt  }
0x6b: {  	_ =	shalt  }
0x6c: {  	_ =	shalt  }
0x6d: {  	_ =	shalt  }
0x6e: {  	_ =	shalt  }
0x6f: {  	_ =	shalt  }
0x70: {  	_ =	shalt  }
0x71: {  	_ =	shalt  }
0x72: {  	_ =	shalt  }
0x73: {  	_ =	shalt  }
0x74: {  	_ =	shalt  }
0x75: {  	_ =	shalt  }
0x76: {  	_ =	shalt  }
0x77: {  	_ =	shalt  }
0x78: {  	_ =	shalt  }
0x79: {  	_ =	shalt  }
0x7a: {  	_ =	shalt  }
0x7b: {  	_ =	shalt  }
0x7c: {  	_ =	shalt  }
0x7d: {  	_ =	shalt  }
0x7e: {  	_ =	shalt  }
0x7f: {  	_ =	shalt  }
0x80: {  	_ =	shalt  }
0x81: {  	_ =	shalt  }
0x82: {  	_ =	shalt  }
0x83: {  	_ =	shalt  }
0x84: {  	_ =	shalt  }
0x85: {  	_ =	shalt  }
0x86: {  	_ =	shalt  }
0x87: {  	_ =	shalt  }
.Lfunc_end0:
.L_simem_size_0:
called_computation.1_lowered:
.L_overlay_start_0:
0x88: {  	s0 =	sld [smem:$0x3FD9]  }
0x89: {  	s1 =	sld [smem:$0x3FFE];
	_ =	sdelay $0x3  }
0x8a: {  	s0 =	sadd.s32 s1, s0  }
0x8b: {  	[smem:$0x3FC3] =	sst s0  }
0x8c: {  	_ = 	snop  }
0x8d: {  	s0 =	sld [smem:$0x3FD0];
	(tm) =	ssettm $0x1  }
0x8e: {  	s16 =	sld [smem:$0x3FFB];
	_ =	sdelay $0x3  }
0x8f: {  	_ =	strace s16  }
0x90: {  	s1 =	sld [smem:$0x3FFC];
	_ =	sdelay $0x3  }
0x91: {  	_ =	strace s1  }
0x92: {  	s1 =	sld [smem:$0x3FFD];
	_ =	sdelay $0x3  }
0x93: {  	_ =	strace s1  }
0x94: {  	_ =	strace $0x8FFFFFFF  }
0x95: {  	s17 =	sld [smem:$0x3FDB];
	_ =	sdelay $0x1  }
0x96: {  	s2 =	simm.s32 $_scs_section_size  }
0x97: {  	s3 =	simm.s32 $_size__tile_overlayer_lowered;
	s4 =	simm.s32 $_tile_overlayer_lowered  }
0x98: {  	s20 =	simm.s32 $0x1BFF;
	s19 =	sshll.u32 s4, $0x1;
	s1 =	sadd.s32 s2, s17  }
0x99: {  	s5 =	simm.s32 $0x0;
	s18 =	sshll.u32 s3, $0x1;
	s3 =	sadd.s32 s19, s1  }
0x9a: {  	[timem:s5], [sflag:s20] =	dma.local [hbm:s3], s18  }
0x9b: {  	_ =	swait.ge [sflag:s20], s18  }
0x9c: {  	s2 =	ssub.s32 $0x0, s18;
	[sflag:s20] =	ssyncset.done $0x0  }
0x9d: {  	[sflag:s20] =	ssyncadd.s32 s2;
	_ =	sdelay $0x1  }
0x9e: {  	s21 =	simm.s32 $0x1B8B  }
0x9f: {  	_ =	swait.ge [sflag:s21], $0x1  }
0xa0: {  	[sflag:s21] =	ssyncset.done $0x0  }
0xa1: {  	s23 =	simm.s32 $0x1B8E;
	s22 =	sld [smem:$0x3FFE];
	[sflag:s21] =	ssyncadd.s32 $0xFFFFFFFF  }
0xa2: {  	s24 =	simm.s32 $execute0_lowered;
	[smem:$0x3FD2] =	sst s23  }
0xa3: {  	s3 =	sshll.u32 s24, $0x1;
	_ =	strace $0x8000004C;
	[dreg:$0x1] =	wrdreg $0xFFFFFFFF  }
0xa4: {  	s25 =	simm.s32 $_size_execute0_lowered;
	s1 =	sadd.s32 s1, s3;
	[dreg:$0x0] =	wrdreg $0x0  }
0xa5: {  	s3 =	sshll.u32 s25, $0x1;
	[dreg:$0x2] =	wrdreg s1  }
0xa6: {  	[dreg:$0x3] =	wrdreg s3  }
0xa7: {  	[dreg:$0x4] =	wrdreg $0xC0  }
0xa8: {  	_ =	task [dreg:s5], $0x5FFFF  }
0xa9: {  	[dreg:$0x1] =	wrdreg $0xFFFFFFFF  }
0xaa: {  	[dreg:$0x0] =	wrdreg $0x60  }
0xab: {  	[dreg:$0x2] =	wrdreg s0  }
0xac: {  	[dreg:$0x3] =	wrdreg s22  }
0xad: {  	[dreg:$0x4] =	wrdreg $0x9  }
0xae: {  	_ =	task.clear_ibuf [dreg:s5], $0x5FFFF;
	_ =	strace $0x9000004C  }
0xaf: {  	s26 =	simm.s32 $0x9;
	_ =	strace $0x8000004E  }
0xb0: {  	_ =	swait.ge [sflag:s26], $0x1  }
0xb1: {  	[sflag:s26] =	ssyncadd.s32 $0xFFFFFFFF  }
0xb2: {  	_ =	strace $0x9000004E  }
0xb3: {  	_ =	sfence  }
0xb4: {  	s28 =	sld [smem:$0x0];
	_ =	sdelay $0x1  }
0xb5: {  	s29 =	srdreg.scid  }
0xb6: {  	s30 =	sshll.u32 s29, $0xD;
	s31 =	sshrl.u32 s29, $0x2  }
0xb7: {  	s2 =	sand.u32 $0x4000, s30;
	s1 =	sand.u32 $0x1, s29;
	s0 =	sadd.s32 s31, s28  }
0xb8: {  	s1 =	sor.u32 s2, s1;
	s0 =	sshll.u32 s0, $0x11  }
0xb9: {  	s0 =	sor.u32 s0, s1  }
0xba: {  	s0 =	sadd.s32 $0x8F2B, s0  }
0xbb: {  	[sflag:s0] =	ssyncadd.remote.s32 $0x1  }
0xbc: {  	_ =	sfence.sel $0xFFFF  }
0xbd: {  	[dreg:$0x0] =	wrdreg $0xFFFFFFFF;
	(pc) =	sbr.abs _section_cstart, $3  }
0xbe: {  	[dreg:$0x1] =	wrdreg $0xFFFFFFFF  }
0xbf: {  	_ =	task.clear_ibuf [dreg:s5], $0x2FFFF;
	_ =	strace $0x9FFFFFFF  }
0xc0: {  	(tm) =	ssettm $0x7FFFFFFF  }
0xc1: {  	_ =	shalt  }
tec
execute0_lowered:
.L_overlay_start_1:
0x0: {  	(tag) =	ssettag $0x1  }
0x1: {  	s1 =	rddreg [dreg:$0x0]  }
0x2: {  	s0 =	rddreg [dreg:$0x1];
	_ =	strace $0x8000004D;
	s2 =	simm.s32 $0x1  }
0x3: {  	v1 =	vimm.s32 $0xFFFFFFFF;
	[sflag:s2] =	ssyncpa.u1 $0x0  }
0x4: {  	[tilespmem:$0x10] =	vst v1  }
0x5: {  	v0 =	vimm.f32 $0.0e+00;
	s6 =	stileid.u32;
	s4 =	simm.s32 $0xE000;
	[tilespmem:$0x20] =	vst v1  }
0x6: {  	s29 =	simm.s32 $0x2;
	s7 =	simm.s32 $0x7;
	s8 =	simm.s32 $0x8;
	[tilespmem:$0x30] =	vst v0  }
0x7: {  	s30 =	simm.s32 $0x9;
	s16 =	simm.s32 $0x0;
	s17 =	simm.s32 $0xFFFFE000;
	[tilespmem:$0x40] =	vst v0  }
0x8: {  	s18 =	simm.s32 $0xF0;
	s19 =	simm.s32 $0xFFFFFFFF;
	s28 =	smul.u32 $0x6, s6;
	[tilespmem:$0x50] =	vst v0  }
0x9: {  	s20 =	simm.s32 $0xFFFFC100;
	s21 =	simm.s32 $0xFFFFFFFE;
	s3 =	smin.u32 s6, $0x4;
	[tilespmem:$0x60] =	vst v1  }
0xa: {  	s22 =	simm.s32 $0xF;
	p0 =	slt.u32 s6, $0x4;
	[tilespmem:$0x70] =	vst v1;
	s2 =	sadd.s32 s3, s28  }
0xb: {  	s26 =	simm.s32 $0x0;
	[tilespmem:$0x80] =	vst v1;
	s4 =	simm.s32 @!p0 $0xC000;
	s3 =	sshll.u32 s2, $0xD  }
0xc: {  	s25 =	simm.s32 $0x0;
	s11 =	sshll.u32 s6, $0x1;
	v1 =	vimm.s32 $0x0;
	[tilespmem:$0xB0] =	vst v0;
	s2 =	sadd.s32 s4, s3  }
0xd: {  	s14 =	sshllo.u32 s6, $0x1;
	s13 =	sor.u32 $0x81, s11;
	[tilespmem:$0x90] =	vst v1;
	s5 =	smin.u32 s2, $0xC8000  }
0xe: {  	s15 =	sor.u32 $0x80, s11;
	[tilespmem:$0xA0] =	vst v1;
	[sflag:s29] =	ssyncpa.u1 $0x0;
	s2 =	ssub.s32 s5, s3  }
.Ltmp0:
0xf: {  	[sflag:s7] =	ssyncpa.u1 $0x0;
	p0 =	sgt.s32 s2, $0x0;
	(pc) =	sbr.rel .LBB2_1-.Ltmp0, $4  }
0x10: {  	s4 =	sadd.s32 $0x2E00, s0;
	s0 =	sadd.s32 $0x1C12400, s0;
	s2 =	simm.s32 @!p0 $0x0  }
0x11: {  	[sflag:s8] =	ssyncpa.u1 $0x0;
	s24 =	smov.u32 s3;
	s9 =	sshrl.u32 s2, $0xD  }
0x12: {  	vm0 =	vmmov $0xffff;
	v2 =	vlaneseq.u32;
	[dreg:$0x3] =	wrdreg s0;
	[sflag:s30] =	ssyncpa.u1 $0x0;
	s31 =	sadd.s32 $0x1, s9  }
0x13: {  	vm1 =	vmxor vm1, vm1;
	vm2 =	vmmov $0x1;
	vm3 =	vcmask $0x3F3C;
	p0 =	por $0x0, $0x0;
	s12 =	sadd.s32 $0x2, s9;
	[dreg:$0x4] =	wrdreg s31  }
.LBB2_9:
0x14: {  	p1 =	slt.u32 s25, $0x3  }
0x15: {  	s0 =	simm.s32 @!p1 $0x2  }
0x16: {  	_ =	swait.ge @!p1 [sflag:s0], $0x2000  }
0x17: {  	[sflag:s0] =	ssyncset.done @!p1 $0x0  }
0x18: {  	[sflag:s0] =	ssyncadd.s32 @!p1 $0xFFFFE000;
	s0 =	simm.s32 @!p1 $0x9  }
0x19: {  	_ =	swait.ge @!p1 [sflag:s0], $0x10  }
0x1a: {  	s2 =	sadd.s32 $0x2000, s24;
	[sflag:s0] =	ssyncset.done @!p1 $0x0  }
0x1b: {  	[sflag:s0] =	ssyncadd.s32 @!p1 $0xFFFFFFF0;
	p1 =	slt.s32 s2, s5;
	s0 =	smov.u32 s3  }
0x1c: {  	s0 =	smov.u32 @p1 s2;
	p1 =	sne.s32 s25, s12  }
.Ltmp1:
0x1d: {  	_ = 	snop;
	(pc) =	sbr.rel @!p1 .LBB2_10-.Ltmp1, $4  }
0x1e: {  	s31 =	sadd.s32 $0x1, s25  }
0x1f: {  	s17 =	sadd.s32 $0x2000, s17;
	s18 =	sadd.s32 $0x2000, s18;
	s19 =	sadd.s32 $0x1, s19  }
0x20: {  	s26 =	smov.u32 s24;
	p0 =	por !p0, !p0;
	s20 =	sadd.s32 $0x2000, s20  }
0x21: {  	s21 =	sadd.s32 $0x1, s21;
	s25 =	smov.u32 s31;
	s24 =	smov.u32 s0  }
.LBB2_1:
0x22: {  	p1 =	sge.u32 s25, s9  }
0x23: {  	s0 =	smulhi.u32 @!p1 $0xAAAAAAAB, s25;
	_ =	sdelay $0x1  }
0x24: {  	s0 =	sshrl.u32 @!p1 s0, $0x1  }
0x25: {  	s0 =	smul.u32 @!p1 $0x3, s0;
	_ =	sdelay $0x1  }
0x26: {  	s0 =	ssub.s32 @!p1 s25, s0  }
0x27: {  	s2 =	sshrl.u32 @!p1 s24, $0x3;
	s0 =	sshll.u32 @!p1 s0, $0xD  }
0x28: {  	s6 =	sand.u32 @!p1 $0x7, s24;
	s2 =	sadd.s32 @!p1 s4, s2;
	s0 =	sor.u32 @!p1 $0x100, s0  }
0x29: {  	[tilespmem:s0], [sflag:$0x7] =	stream.linear.gather @!p1 [hbm4b:s2+s6], $0x2000, $0x38;
	[tilespmem:$0x12120] =	vst v63  }
0x2a: {  	s2 =	sadd.s32 $0xFFFFFFFF, s25  }
0x2b: {  	p1 =	sge.u32 s2, s9  }
.Ltmp2:
0x2c: {  	_ = 	snop;
	(pc) =	sbr.rel @p1 .LBB2_5-.Ltmp2, $1  }
0x2d: {  	_ =	sdelay $0x3  }
0x2e: {  	s0 =	smulhi.u32 $0xAAAAAAAB, s2;
	_ =	sdelay $0x1  }
0x2f: {  	s0 =	sshrl.u32 s0, $0x1  }
0x30: {  	s0 =	smul.u32 $0x3, s0;
	_ =	sdelay $0x1  }
0x31: {  	s0 =	ssub.s32 s2, s0  }
0x32: {  	_ =	swait.ge [sflag:s7], $0x2000;
	s0 =	sshll.u32 s0, $0xD  }
0x33: {  	[sflag:s7] =	ssyncset.done $0x0;
	s0 =	sor.u32 $0x100, s0  }
0x34: {  	[sflag:s7] =	ssyncadd.s32 $0xFFFFE000;
	(ifvalue) =	ssetifvalue $0xFFFFFFFF;
	v3 =	vld.msk [tilespmem:s0+$0x0 ss:$0x1], $0xffff;
	_ =	sdelay $0x2  }
0x35: {  	s29 =	smulhi.u32 $0xAAAAAAAB, s19;
	p1 =	sne.s32 s25, $0x1  }
0x36: {  	v4 =	vimm.s32 @!p1 $0x0  }
0x37: {  	s0 =	sshrl.u32 s29, $0x1;
	v4 =	vperm.xlane @!p1 v3, v4  }
0x38: {  	s6 =	sshll.u32 s25, $0x4;
	s0 =	smul.u32 $0xFFFE8000, s0;
	vm4 =	vlt.u32 v3, $0xF4400  }
0x39: {  	s6 =	sand.u32 $0x10, s6;
	v3 =	vnsel vm4, $0xFFFFFFFE, v3;
	vm4 =	vlt.u32 @!p1 v4, $0xF4400  }
0x3a: {  	s0 =	sshra.s32 s0, $0x2;
	[tilespmem:s6+$0x60] =	vst v3;
	v3 =	vnsel @!p1 vm4, $0xFFFFFFFE, v4  }
0x3b: {  	s28 =	sadd.s32 s0, s18;
	[tilespmem:$0x80] =	vst @!p1 v3  }
0x3c: {  	v3 =	vld.msk [tilespmem:s28+$0x0 ss:$0x1], $0xffff;
	_ =	sdelay $0x4  }
0x3d: {  	(xrf1) =	vunique.msk.u32 $0xffff, v3;
	_ =	sdelay $0xd  }
0x3e: {  	v4 =	vimm.s32 $0xFFFFFFFF;
	v5, _, _ =	vpop (xrf1)  }
0x3f: {  	vm5 =	vne.s32 v3, v4;
	vm4 =	veq.s32 v5, v2  }
0x40: {  	vm6 =	vlt.u32 v3, $0xF4400;
	vm4 =	vmand vm5, vm4  }
0x41: {  	vm4 =	vmand vm6, vm4  }
0x42: {  	v4 =	vnsel vm4, $0xFFFFFFFF, v3;
	_ =	sdelay $0x2  }
0x43: {  	s30 =	sand.u32 $0x2000, s17  }
0x44: {  	s31 =	sshll.u32 s2, $0xD;
	s0 =	sor.u32 $0x80F0, s30;
	(ifvalue) =	ssetifvalue $0xFFFFFFFF  }
0x45: {  	v3 =	vperm.xlane v3, v1;
	[tilespmem:s0], [sflag:$0x8] =	stream.indirect_vreg.gather [hbm4b:s1+s16], $0x1, v4, vm0, $0x4038;
	v4 =	vnsel vm6, $0xFFFFFFFE, v4;
	[tilespmem:$0x12120] =	vst v63  }
0x46: {  	s23 =	simm.s32 $0x0;
	s2 =	sand.u32 $0x2000, s31;
	s6 =	sadd.s32 $0xFFFFFFF0, s28;
	[tilespmem:s28+$0x0] =	vst v4  }
.LBB2_3:
0x47: {  	v4 =	vld.msk [tilespmem:s6+$0x0 ss:$0x1], $0xffff;
	s23 =	sadd.s32 $0x10, s23;
	v5 =	vmov v3;
	s28 =	smov.u32 s6  }
0x48: {  	p1 =	slt.u32 s23, $0x1FF0;
	_ =	sdelay $0x4  }
0x49: {  	v3 =	vperm.xlane v4, v1;
	(xrf1) =	vunique.msk.u32 $0xffff, v4;
	_ =	sdelay $0xd  }
0x4a: {  	v6, _, _ =	vpop (xrf1)  }
0x4b: {  	vm5 =	vne.s32 v4, v5;
	vm4 =	veq.s32 v6, v2  }
0x4c: {  	vm6 =	vlt.u32 v4, $0xF4400;
	vm4 =	vmand vm5, vm4  }
0x4d: {  	vm4 =	vmand vm6, vm4  }
0x4e: {  	v4 =	vnsel vm4, $0xFFFFFFFF, v4  }
.Ltmp3:
0x4f: {  	v5 =	vnsel vm6, $0xFFFFFFFE, v4;
	(pc) =	sbr.rel @p1 .LBB2_3-.Ltmp3, $3  }
0x50: {  	_ =	sdelay $0x1  }
0x51: {  	s6 =	sadd.s32 $0xFFFFFFF0, s6;
	s0 =	sadd.s32 $0xFFFFFFF0, s0;
	(ifvalue) =	ssetifvalue $0xFFFFFFFF  }
0x52: {  	[tilespmem:s0], [sflag:$0x8] =	stream.indirect_vreg.gather [hbm4b:s1+s16], $0x1, v4, vm0, $0x4038;
	[tilespmem:s28+$0x0] =	vst v5  }
0x53: {  	s0 =	sshrl.u32 s26, $0x3;
	s6 =	rddreg [dreg:$0x3]  }
0x54: {  	s2 =	sadd.s32 $0xA100, s2;
	s0 =	sadd.s32 s6, s0  }
0x55: {  	[tilespmem:s2], [sflag:$0x8] =	stream.linear.gather [hbm:s0], $0x2000, $0x38;
	[tilespmem:$0x12120] =	vst v63  }
.LBB2_5:
0x56: {  	p1 =	slt.u32 s25, $0x2  }
0x57: {  	p2 =	sge.u32 @!p1 s25, s12  }
0x58: {  	p1 =	por p1, p2  }
.Ltmp4:
0x59: {  	_ = 	snop;
	(pc) =	sbr.rel @p1 .LBB2_9-.Ltmp4, $1  }
0x5a: {  	_ =	sdelay $0x3  }
0x5b: {  	s0 =	sadd.s32 $0xFFFFFFFE, s25  }
0x5c: {  	s2 =	smulhi.u32 $0xAAAAAAAB, s0;
	_ =	sdelay $0x1  }
0x5d: {  	s2 =	sshrl.u32 s2, $0x1  }
0x5e: {  	s2 =	smul.u32 $0x3, s2  }
0x5f: {  	_ =	swait.ge [sflag:s8], $0x4000  }
0x60: {  	s6 =	rddreg [dreg:$0x4];
	s0 =	ssub.s32 s0, s2  }
0x61: {  	[sflag:s8] =	ssyncset.done $0x0;
	p1 =	sne.s32 s25, s6;
	s0 =	sshll.u32 s0, $0xD  }
0x62: {  	[sflag:s8] =	ssyncadd.s32 $0xFFFFC000;
	s2 =	sadd.s32 @!p1 $0x20FF, s0  }
0x63: {  	[spmem:s13] =	stream.linear.scatter @!p1 [tilespmem:s2], [sflag:$0x1], $0x1, $0x38;
	[tilespmem:$0x12120] =	vst v63  }
0x64: {  	s2 =	simm.s32 @!p1 $0x1  }
0x65: {  	_ =	swait.ge @!p1 [sflag:s2], $0x1  }
0x66: {  	s6 =	sshll.u32 s25, $0x4;
	[sflag:s2] =	ssyncset.done @!p1 $0x0  }
0x67: {  	s26 =	sand.u32 $0x10, s6;
	[sflag:s2] =	ssyncadd.s32 @!p1 $0xFFFFFFFF  }
0x68: {  	s2 =	sxor.u32 $0x10, s26;
	v4 =	vld [tilespmem:s26+$0x10]  }
0x69: {  	v5 =	vld [tilespmem:s2+$0x60]  }
0x6a: {  	v3 =	vld [tilespmem:$0x80];
	_ =	sdelay $0x2  }
0x6b: {  	(v2sf) =	vpush v4, $0x0  }
0x6c: {  	(v2sf) =	vpush v5, $0x0  }
0x6d: {  	(v2sf) =	vpush v3, $0x0;
	_ =	sdelay $0xc  }
0x6e: {  	s10 =	spop (v2sf)  }
0x6f: {  	s23 =	spop (v2sf)  }
0x70: {  	s29 =	spop (v2sf)  }
0x71: {  	p2 =	seq.s32 s10, s23;
	p3 =	seq.s32 s29, s10  }
0x72: {  	p3 =	por p2, p3  }
0x73: {  	v4 =	vpsel p3, $0xFFFFFFFF, v4  }
0x74: {  	s23 =	sand.u32 $0x1, s25;
	[tilespmem:s26+$0x10] =	vst.msk $0x1, v4  }
0x75: {  	s30 =	sshll.u32 s23, $0xD;
	v4 =	vld [tilespmem:$0x30]  }
0x76: {  	v5 =	vld [tilespmem:s30+$0xA100]  }
0x77: {  	v6 =	vld [tilespmem:s26+$0x40];
	_ =	sdelay $0x3  }
0x78: {  	vm4 =	vmmov vm1;
	v5 =	vadd.f32 v5, v4  }
0x79: {  	vm5 =	vmmov vm2;
	vm4 =	vmmov @p2 vm2;
	s6 =	sshll.u32 s23, $0x4;
	v4 =	vadd.f32 v6, v4  }
0x7a: {  	s28 =	sor.u32 $0x12100, s6;
	vm5 =	vmmov @p3 vm1;
	[tilespmem:s30+$0xA100] =	vst.msk vm4, v5  }
0x7b: {  	[tilespmem:s28+$0x0] =	vst.msk vm5, v4  }
0x7c: {  	v4 =	vld [tilespmem:s30+$0x80F0];
	_ =	sdelay $0x3  }
0x7d: {  	v5 =	vimm.f32 $0.0e+00  }
0x7e: {  	v4 =	vshift.insert v4, v5, s22  }
0x7f: {  	s10 =	sor.u32 $0x40, s2  }
0x80: {  	[tilespmem:s10+$0x0] =	vst.msk $0x1, v4  }
0x81: {  	[tilespmem:s30+$0x80FF] =	vst.msk $0x1, v5  }
0x82: {  	v4 =	vld [tilespmem:s0+$0x20F0];
	_ =	sdelay $0x1  }
0x83: {  	s23 =	smulhi.u32 $0xAAAAAAAB, s21;
	_ =	sdelay $0x1  }
0x84: {  	s6 =	simm.s32 $0x1;
	s0 =	sshrl.u32 s23, $0x1  }
0x85: {  	s6 =	simm.s32 @!p0 $0x0;
	s0 =	smul.u32 $0xFFFE8000, s0;
	v4 =	vshift.insert v4, v1, s22  }
0x86: {  	s6 =	sshll.u32 s6, $0xD  }
0x87: {  	s31 =	sadd.s32 $0xA100, s6;
	s0 =	sshra.s32 s0, $0x2;
	[tilespmem:s2+$0x10] =	vst.msk $0x1, v4  }
0x88: {  	s10 =	sadd.s32 s0, s20;
	v6 =	vld [tilespmem:s31+$0x0]  }
0x89: {  	v7 =	vld [tilespmem:s10+$0x0];
	_ =	sdelay $0x3  }
0x8a: {  	v5 =	vadd.f32 v6, v5  }
0x8b: {  	vm4 =	vne.s32 v7, $0xFFFFFFFF  }
0x8c: {  	(xrf2) =	vadd.seg.scan.f32 vm4, v5;
	_ =	sdelay $0x3  }
0x8d: {  	s0 =	sadd.s32 $0x6100, s6;
	v5 =	vperm.xlane v4, v1  }
0x8e: {  	v6 =	vld [tilespmem:s0+$0x0]  }
0x8f: {  	vm5 =	veq.s32 v7, v3;
	vm6 =	veq.s32 v7, v5  }
0x90: {  	vm7 =	vgt.u32 v7, $0xFFFFFFFD;
	vm6 =	vmor vm6, vm5  }
0x91: {  	vm6 =	vmor vm6, vm7  }
0x92: {  	v9 =	vld [tilespmem:$0xA0];
	v7 =	vsel vm6, $0xFFFFFFFF, v7  }
0x93: {  	v10 =	vld [tilespmem:$0x90];
	v6 =	vsel vm5, $0x0, v6;
	v8, _, _ =	vpop (xrf2)  }
0x94: {  	v6 =	vadd.f32 v8, v6  }
0x95: {  	s2 =	sadd.s32 $0xE100, s6  }
0x96: {  	vm4 =	vmand vm4, vm3;
	[tilespmem:s2+$0x0] =	vst v6;
	(ifvalue) =	ssetifvalue $0xFFFFFFFF  }
0x97: {  	vm6 =	veq.s32 v9, $0x1;
	[hbm4b:s1+s16] =	stream.indirect_vreg.scatter [tilespmem:s2], [sflag:$0x2], $0x1, v7, vm0, $0x4038;
	v7 =	vsel vm4, $0x0, v8;
	[tilespmem:$0x12120] =	vst v63  }
0x98: {  	s23 =	simm.s32 $0x0;
	s6 =	sadd.s32 $0x10, s10;
	vm4 =	vmor vm6, vm5;
	v6 =	vsel vm5, v8, v10;
	v7 =	vshift.insert v7, v0, s22  }
.LBB2_7:
0x99: {  	v8 =	vld [tilespmem:s6+$0x0];
	s31 =	sadd.s32 $0x10, s31  }
0x9a: {  	s0 =	sadd.s32 $0x10, s0;
	v9 =	vld [tilespmem:s31+$0x0]  }
0x9b: {  	s23 =	sadd.s32 $0x10, s23;
	v10 =	vld [tilespmem:s0+$0x0]  }
0x9c: {  	p2 =	slt.u32 s23, $0x1FF0;
	_ =	sdelay $0x2  }
0x9d: {  	v7 =	vadd.f32 v9, v7  }
0x9e: {  	vm5 =	vne.s32 v8, $0xFFFFFFFF  }
0x9f: {  	vm6 =	vmand vm5, vm3;
	(xrf2) =	vadd.seg.scan.f32 vm5, v7;
	_ =	sdelay $0x5  }
0xa0: {  	vm7 =	veq.s32 v8, v5;
	vm5 =	veq.s32 v8, v3  }
0xa1: {  	vm8 =	vgt.u32 v8, $0xFFFFFFFD;
	vm4 =	vmor vm4, vm5;
	vm7 =	vmor vm7, vm5  }
0xa2: {  	vm7 =	vmor vm7, vm8  }
0xa3: {  	v8 =	vsel vm7, $0xFFFFFFFF, v8  }
.Ltmp5:
0xa4: {  	v7 =	vsel vm5, $0x0, v10;
	v9, _, _ =	vpop (xrf2);
	(pc) =	sbr.rel @p2 .LBB2_7-.Ltmp5, $4  }
0xa5: {  	v6 =	vsel vm5, v9, v6;
	v10 =	vadd.f32 v9, v7;
	v7 =	vsel vm6, $0x0, v9  }
0xa6: {  	s2 =	sadd.s32 $0x10, s2;
	v7 =	vshift.insert v7, v0, s22  }
0xa7: {  	s6 =	sadd.s32 $0x10, s6;
	[tilespmem:s2+$0x0] =	vst v10;
	(ifvalue) =	ssetifvalue $0xFFFFFFFF  }
0xa8: {  	[hbm4b:s1+s16] =	stream.indirect_vreg.scatter [tilespmem:s2], [sflag:$0x2], $0x1, v8, vm0, $0x4038;
	[tilespmem:$0x12120] =	vst v63  }
0xa9: {  	v3 =	vld [tilespmem:s30+$0x100F0];
	_ =	sdelay $0x4  }
0xaa: {  	v3 =	vshift.insert v3, v0, s22  }
0xab: {  	s0 =	simm.s32 $0x30  }
0xac: {  	[tilespmem:s0+$0x0] =	vst.msk $0x1, v3  }
0xad: {  	v3 =	vsel vm4, $0x1, v1;
	[tilespmem:$0x90] =	vst v6  }
0xae: {  	s0 =	sadd.s32 @!p1 $0x100FF, s30;
	[tilespmem:$0xA0] =	vst v3  }
0xaf: {  	[spmem:s14] =	stream.linear.scatter @!p1 [tilespmem:s0], [sflag:$0x1], $0x1, $0x38;
	[tilespmem:$0x12120] =	vst v63  }
0xb0: {  	s0 =	simm.s32 @!p1 $0x1  }
0xb1: {  	v3 =	vmctz.xlane @!p1 vm4;
	_ =	swait.ge @!p1 [sflag:s0], $0x1  }
0xb2: {  	(v2sf) =	vpush @!p1 v4, $0x0  }
0xb3: {  	(v2sf) =	vpush @!p1 v3, $0x0;
	_ =	sdelay $0xd  }
0xb4: {  	s2 =	spop @!p1 (v2sf)  }
0xb5: {  	s6 =	spop @!p1 (v2sf)  }
0xb6: {  	p2 =	sne.s32 @!p1 s29, s2;
	p3 =	slt.s32 @!p1 s6, $0xF  }
0xb7: {  	[sflag:s0] =	ssyncset.done @!p1 $0x0;
	p2 =	por p2, p1;
	p3 =	por !p3, p1  }
0xb8: {  	[sflag:s0] =	ssyncadd.s32 @!p1 $0xFFFFFFFF;
	v3 =	vimm.s32 @!p2 $0xFFFFFFFF;
	s6 =	simm.s32 @p3 $0xF  }
0xb9: {  	[tilespmem:$0x80] =	vst @!p2 v3;
	s2 =	sadd.s32 @!p1 $0x90, s6  }
0xba: {  	[spmem:s11] =	stream.linear.scatter @!p1 [tilespmem:s2], [sflag:$0x1], $0x1, $0x38;
	[tilespmem:$0x12120] =	vst v63  }
0xbb: {  	_ =	swait.ge @!p1 [sflag:s0], $0x1  }
0xbc: {  	[sflag:s0] =	ssyncset.done @!p1 $0x0  }
0xbd: {  	s2 =	simm.s32 @!p1 $0x80;
	[sflag:s0] =	ssyncadd.s32 @!p1 $0xFFFFFFFF  }
0xbe: {  	[spmem:s15] =	stream.linear.scatter @!p1 [tilespmem:s2], [sflag:$0x1], $0x1, $0x38;
	[tilespmem:$0x12120] =	vst v63  }
0xbf: {  	_ =	swait.ge @!p1 [sflag:s0], $0x1  }
0xc0: {  	[sflag:s0] =	ssyncset.done @!p1 $0x0  }
0xc1: {  	[sflag:s0] =	ssyncadd.s32 @!p1 $0xFFFFFFFF;
	(ifvalue) =	ssetifvalue $0xFFFFFFFF;
	v3 =	vld [tilespmem:s26+$0x10];
	_ =	sdelay $0x3  }
.Ltmp6:
0xc2: {  	_ = 	snop;
	(pc) =	sbr.rel .LBB2_9-.Ltmp6, $3  }
0xc3: {  	_ =	sdelay $0x1  }
0xc4: {  	(ifvalue) =	ssetifvalue $0xFFFFFFFF  }
0xc5: {  	[hbm4b:s1+s16] =	stream.indirect_vreg.scatter [tilespmem:s28], [sflag:$0x9], $0x1, v3, vm0, $0x4038;
	[tilespmem:$0x12120] =	vst v63  }
.LBB2_10:
0xc6: {  	_ =	sfence.sel $0x180000  }
0xc7: {  	s0 =	simm.s32 $0x7;
	[bflag:$0x0] =	sbarrier.arrive $0xFFFF  }
0xc8: {  	s26 =	simm.s32 $0x8;
	[sflag:s0] =	ssyncpa.u1 $0x1  }
0xc9: {  	s28 =	simm.s32 $0x9;
	[sflag:s26] =	ssyncpa.u1 $0x1  }
0xca: {  	[sflag:s28] =	ssyncpa.u1 $0x1  }
0xcb: {  	_ =	sfence.stream.spmem  }
0xcc: {  	s29 =	simm.s32 $0x3;
	[bflag:$0x0] =	sbarrier.arrive $0xFFFF  }
0xcd: {  	s30 =	simm.s32 $0x4;
	[sflag:s29] =	ssyncpa.u1 $0x1  }
0xce: {  	s31 =	simm.s32 $0x3C;
	s2 =	stileid.u32;
	[sflag:s30] =	ssyncpa.u1 $0x1  }
0xcf: {  	p0 =	sne.s32 s2, $0x0;
	[sflag:s31] =	ssyncpa.u1 $0x1  }
0xd0: {  	s0 =	simm.s32 @p0 $0x1;
	_ =	sfence @p0  }
0xd1: {  	[sflag:s0] =	ssyncpa.u1 @p0 $0x1;
	s0 =	simm.s32 @p0 $0x2  }
0xd2: {  	[sflag:s0] =	ssyncpa.u1 @p0 $0x1  }
0xd3: {  	_ =	strace @p0 $0x9000004D  }
0xd4: {  	[bflag:$0x2] =	sbarrier.arrive @p0 $0xFFFF  }
0xd5: {  	_ =	shalt @p0  }
.LBB2_11:
0xd6: {  	_ =	sfence.stream.spmem;
	s0 =	simm.s32 $0x5  }
0xd7: {  	s2 =	simm.s32 $0x80;
	s3 =	simm.s32 $0xC0;
	[sflag:s0] =	ssyncpa.u1 $0x0  }
0xd8: {  	[tilespmem:s3], [sflag:$0x5] =	stream.linear.gather [spmem:s2], $0x20, $0x38;
	[tilespmem:$0x12120] =	vst v63  }
0xd9: {  	s2 =	simm.s32 $0x0;
	s3 =	simm.s32 $0xE0  }
0xda: {  	[tilespmem:s3], [sflag:$0x5] =	stream.linear.gather [spmem:s2], $0x20, $0x38;
	[tilespmem:$0x12120] =	vst v63  }
.Ltmp7:
0xdb: {  	_ = 	snop;
	(pc) =	sbr.rel .LBB2_12-.Ltmp7, $4  }
0xdc: {  	_ =	swait.ge [sflag:s0], $0x40  }
0xdd: {  	[sflag:s0] =	ssyncset.done $0x0  }
0xde: {  	s31 =	simm.s32 $0x6;
	[sflag:s0] =	ssyncadd.s32 $0xFFFFFFC0  }
0xdf: {  	s4 =	simm.s32 $0x0;
	[sflag:s31] =	ssyncpa.u1 $0x0  }
.LBB2_17:
0xe0: {  	p0 =	sgt.u32 s0, $0xF43FF  }
0xe1: {  	s5 =	sshrl.u32 @!p0 s0, $0x3  }
0xe2: {  	s0 =	sand.u32 @!p0 $0x7, s0;
	s6 =	simm.s32 @!p0 $0xB0;
	s5 =	sadd.s32 @!p0 s1, s5  }
0xe3: {  	[tilespmem:s6], [sflag:$0x6] =	stream.linear.gather @!p0 [hbm4b:s5+s0], $0x1, $0x38;
	[tilespmem:$0x12120] =	vst v63  }
0xe4: {  	s0 =	simm.s32 @!p0 $0x6  }
0xe5: {  	_ =	swait.ge @!p0 [sflag:s0], $0x1  }
0xe6: {  	[sflag:s0] =	ssyncset.done @!p0 $0x0  }
0xe7: {  	[sflag:s0] =	ssyncadd.s32 @!p0 $0xFFFFFFFF  }
0xe8: {  	v2 =	vmov @!p0 s4;
	v1 =	vld.msk @!p0 [tilespmem:$0xB0], $0x1;
	_ =	sdelay $0x3  }
0xe9: {  	s0 =	simm.s32 @!p0 $0xE0  }
0xea: {  	[tilespmem:v2+s0+$0x0], v1 =	vst.idx.ret.add.f32.msk @!p0 $0x1, v1  }
0xeb: {  	[tilespmem:s2+$0xC0] =	vst.msk $0x1, v0  }
0xec: {  	v0 =	vld.msk [tilespmem:s4+$0xE0], $0x1;
	_ =	sdelay $0x4  }
0xed: {  	[tilespmem:s2+$0xE0] =	vst.msk $0x1, v0;
	s2 =	sadd.s32 $0x1, s2  }
.LBB2_19:
0xee: {  	s4 =	sadd.s32 $0x1, s4  }
0xef: {  	p0 =	sne.s32 s4, $0x20  }
.Ltmp8:
0xf0: {  	_ = 	snop;
	(pc) =	sbr.rel @!p0 .LBB2_20-.Ltmp8, $1  }
0xf1: {  	_ =	sdelay $0x3  }
.LBB2_12:
0xf2: {  	v0 =	vld.msk [tilespmem:s4+$0xC0], $0x1;
	_ =	sdelay $0x4  }
0xf3: {  	(v2sf) =	vpush v0, $0x0;
	_ =	sdelay $0xe  }
0xf4: {  	s0 =	spop (v2sf)  }
0xf5: {  	p0 =	seq.s32 s0, $0xFFFFFFFF  }
.Ltmp9:
0xf6: {  	_ = 	snop;
	(pc) =	sbr.rel @p0 .LBB2_19-.Ltmp9, $1  }
0xf7: {  	_ =	sdelay $0x3  }
0xf8: {  	p0 =	slt.s32 s2, $0x1  }
.Ltmp10:
0xf9: {  	_ = 	snop;
	(pc) =	sbr.rel @p0 .LBB2_17-.Ltmp10, $1  }
0xfa: {  	_ =	sdelay $0x3  }
0xfb: {  	s5 =	simm.s32 $0xC0;
	p0 =	por $0x0, $0x0  }
0xfc: {  	v1 =	vld.msk @!p0 [tilespmem:s5+$0x0], $0x1;
	_ =	sdelay $0x4  }
0xfd: {  	(v2sf) =	vpush @!p0 v1, $0x0;
	_ =	sdelay $0xd  }
0xfe: {  	p2 =	sne.s32 s2, $0x1  }
.Ltmp11:
0xff: {  	s6 =	spop @!p0 (v2sf);
	(pc) =	sbr.rel @!p2 .LBB2_16-.Ltmp11, $4  }
0x100: {  	p1 =	seq.s32 @!p0 s0, s6  }
0x101: {  	s6 =	simm.s32 $0x0;
	p1 =	por !p1, p0  }
0x102: {  	s8 =	simm.s32 $0xFFFFFFFF;
	s6 =	simm.s32 @p1 $0xFFFFFFFF  }
0x103: {  	s7 =	simm.s32 $0x1;
	s6 =	smov.u32 @p0 s8  }
.LBB2_15:
0x104: {  	s8 =	smov.u32 s6;
	p0 =	sne.s32 s6, $0xFFFFFFFF  }
0x105: {  	s5 =	sadd.s32 $0x1, s5;
	s6 =	smov.u32 s7;
	s7 =	sadd.s32 $0x1, s7  }
0x106: {  	p1 =	sne.s32 s2, s7;
	v1 =	vld.msk @!p0 [tilespmem:s5+$0x0], $0x1;
	_ =	sdelay $0x4  }
0x107: {  	(v2sf) =	vpush @!p0 v1, $0x0;
	_ =	sdelay $0xe  }
.Ltmp12:
0x108: {  	s9 =	spop @!p0 (v2sf);
	(pc) =	sbr.rel @p1 .LBB2_15-.Ltmp12, $4  }
0x109: {  	p2 =	seq.s32 @!p0 s0, s9  }
0x10a: {  	p2 =	por !p2, p0  }
0x10b: {  	s6 =	simm.s32 @p2 $0xFFFFFFFF  }
0x10c: {  	s6 =	smov.u32 @p0 s8  }
.LBB2_16:
0x10d: {  	p0 =	sne.s32 s6, $0xFFFFFFFF  }
.Ltmp13:
0x10e: {  	_ = 	snop;
	(pc) =	sbr.rel @!p0 .LBB2_17-.Ltmp13, $1  }
0x10f: {  	_ =	sdelay $0x3  }
0x110: {  	v0 =	vld.msk [tilespmem:s4+$0xE0], $0x1;
	v1 =	vmov s6  }
.Ltmp14:
0x111: {  	_ = 	snop;
	(pc) =	sbr.rel .LBB2_19-.Ltmp14, $2  }
0x112: {  	_ =	sdelay $0x2  }
0x113: {  	[tilespmem:v1+s3+$0x0], v0 =	vst.idx.ret.add.f32.msk $0x1, v0  }
.LBB2_20:
0x114: {  	p0 =	slt.s32 s2, $0x1  }
.Ltmp15:
0x115: {  	_ = 	snop;
	(pc) =	sbr.rel @p0 .LBB2_24-.Ltmp15, $3  }
0x116: {  	_ =	sdelay $0x1  }
0x117: {  	s0 =	simm.s32 $0x6  }
0x118: {  	[sflag:s0] =	ssyncpa.u1 $0x1;
	s0 =	simm.s32 $0x0  }
0x119: {  	s3 =	simm.s32 $0xC0  }
0x11a: {  	v0 =	vld.msk [tilespmem:s3+$0x0], $0x1;
	_ =	sdelay $0x4  }
0x11b: {  	(v2sf) =	vpush v0, $0x0;
	_ =	sdelay $0xe  }
0x11c: {  	s2 =	sadd.s32 $0xFFFFFFFF, s2;
	s4 =	spop (v2sf)  }
0x11d: {  	p1 =	sne.s32 s2, $0x0;
	p0 =	sgt.u32 s4, $0xF43FF  }
.Ltmp16:
0x11e: {  	s5 =	sshrl.u32 @!p0 s4, $0x3;
	(pc) =	sbr.rel @!p1 .LBB2_23-.Ltmp16, $4  }
0x11f: {  	s3 =	simm.s32 $0xE0;
	s4 =	sand.u32 @!p0 $0x7, s4;
	s5 =	sadd.s32 @!p0 s1, s5  }
0x120: {  	[hbm4b:s5+s4] =	stream.linear.scatter @!p0 [tilespmem:s3], [sflag:$0x5], $0x1, $0x38;
	[tilespmem:$0x12120] =	vst v63  }
0x121: {  	s5 =	simm.s32 $0x0  }
0x122: {  	s4 =	simm.s32 $0xC1;
	s5 =	simm.s32 @!p0 $0x4  }
.LBB2_22:
0x123: {  	v0 =	vld.msk [tilespmem:s4+$0x0], $0x1;
	s2 =	sadd.s32 $0xFFFFFFFF, s2;
	s0 =	sadd.s32 s0, s5  }
0x124: {  	p0 =	sne.s32 s2, $0x0;
	_ =	sdelay $0x3  }
0x125: {  	(v2sf) =	vpush v0, $0x0;
	_ =	sdelay $0xe  }
.Ltmp17:
0x126: {  	s6 =	spop (v2sf);
	(pc) =	sbr.rel @p0 .LBB2_22-.Ltmp17, $4  }
0x127: {  	s5 =	simm.s32 $0x0;
	p1 =	sgt.u32 s6, $0xF43FF  }
0x128: {  	s3 =	sadd.s32 $0x1, s3;
	s5 =	simm.s32 @!p1 $0x4;
	s7 =	sshrl.u32 @!p1 s6, $0x3  }
0x129: {  	s4 =	sadd.s32 $0x1, s4;
	s6 =	sand.u32 @!p1 $0x7, s6;
	s7 =	sadd.s32 @!p1 s1, s7  }
0x12a: {  	[hbm4b:s7+s6] =	stream.linear.scatter @!p1 [tilespmem:s3], [sflag:$0x5], $0x1, $0x38;
	[tilespmem:$0x12120] =	vst v63  }
.LBB2_23:
0x12b: {  	s0 =	sadd.s32 s0, s5  }
0x12c: {  	s0 =	sshrl.u32 s0, $0x2  }
.LBB2_24:
0x12d: {  	s1 =	simm.s32 $0x5  }
0x12e: {  	_ =	swait.ge [sflag:s1], s0  }
0x12f: {  	s28 =	ssub.s32 $0x0, s0;
	[sflag:s1] =	ssyncset.done $0x0  }
0x130: {  	[sflag:s1] =	ssyncadd.s32 s28  }
0x131: {  	[sflag:s1] =	ssyncpa.u1 $0x1  }
0x132: {  	s29 =	simm.s32 $0x1;
	_ =	sfence  }
0x133: {  	s30 =	simm.s32 $0x2;
	[sflag:s29] =	ssyncpa.u1 $0x1  }
0x134: {  	[sflag:s30] =	ssyncpa.u1 $0x1  }
0x135: {  	_ =	strace $0x9000004D  }
0x136: {  	[bflag:$0x2] =	sbarrier.arrive $0xFFFF  }
0x137: {  	s31 =	rddreg [dreg:$0x2]  }
0x138: {  	s0 =	sadd.s32 $0x100000, s31  }
0x139: {  	[sflag:s0] =	ssyncadd.tile.s32 $0x1;
	_ =	shalt  }
.Lfunc_end2:
_tile_overlayer_lowered:
.L_overlay_start_2:
0x13a: {  	(tag) =	ssettag $0x2  }
0x13b: {  	s0 =	rddreg [dreg:$0x0];
	s2 =	stileid.u32  }
0x13c: {  	s1 =	rddreg [dreg:$0x1];
	p0 =	sne.s32 s2, $0x0  }
0x13d: {  	s3 =	rddreg [dreg:$0x2];
	[bflag:$0x3] =	sbarrier.arrive $0xFFFF;
	s2 =	simm.s32 @!p0 $0x1C01  }
0x13e: {  	[timem:s3], [sflag:s2] =	dma.local @!p0 [hbm:s0], s1  }
0x13f: {  	s0 =	simm.s32 @!p0 $0x1  }
0x140: {  	_ =	swait.ge @!p0 [sflag:s0], s1  }
0x141: {  	s1 =	ssub.s32 @!p0 $0x0, s1;
	[sflag:s0] =	ssyncset.done @!p0 $0x0  }
0x142: {  	[sflag:s0] =	ssyncadd.s32 @!p0 s1  }
0x143: {  	[bflag:$0x3] =	sbarrier.arrive $0xFFFF  }
0x144: {  	_ =	shalt  }

// kernel: scatter_offload_async_start
scs
__scs_entry_jumppad:
0x0: {  	(pc) =	sbr.rel $0x88, $3  }
0x1: {  	(tag) =	ssettag $0x0;
	lr =	simm.s32 $0x1  }
0x2: {  	[smem:$0x3F9C] =	sst lr;
	_ =	strace $0xD0000000  }
0x3: {  	_ = 	snop  }
0x4: {  	_ = 	snop  }
0x5: {  	_ = 	snop  }
0x6: {  	_ = 	snop  }
0x7: {  	_ = 	snop  }
__scs_overlays_trampoline_lowered:
0x8: {  	[smem:$0x3FAB] =	sst s0  }
0x9: {  	[smem:$0x3FAC] =	sst s1  }
0xa: {  	[smem:$0x3FAD] =	sst s2  }
0xb: {  	[smem:$0x3FAE] =	sst s3  }
0xc: {  	[smem:$0x3FAF] =	sst s4  }
0xd: {  	[smem:$0x3FB0] =	sst s5  }
0xe: {  	[smem:$0x3FB1] =	sst s6  }
0xf: {  	[smem:$0x3FB2] =	sst s7  }
0x10: {  	[smem:$0x3FB3] =	sst s8  }
0x11: {  	[smem:$0x3FB4] =	sst s9;
	s0 =	simm.s32 @!p0 $0x0  }
0x12: {  	s1 =	sld [smem:$0x3F9A];
	s0 =	simm.s32 @p0 $0x1  }
0x13: {  	[smem:$0x3FB5] =	sst s0;
	s0 =	simm.s32 @!p1 $0x0  }
0x14: {  	s2 =	sld [smem:$0x3F99];
	s0 =	simm.s32 @p1 $0x1  }
0x15: {  	[smem:$0x3FB6] =	sst s0;
	s0 =	simm.s32 @!p2 $0x0  }
0x16: {  	s3 =	sld [smem:$0x3FDB];
	s0 =	simm.s32 @p2 $0x1  }
0x17: {  	s4 =	simm.s32 $0x1BF5;
	[smem:$0x3FB8] =	sst s0  }
0x18: {  	s0 =	sld [smem:$0x3F9B];
	_ =	swait.ge [sflag:s4], $0x0  }
0x19: {  	s7 =	sld [smem:$0x3F9C]  }
0x1a: {  	s8 =	sadd.s32 $0xFFFFE003, lr  }
0x1b: {  	s9 =	sadd.s32 $0xFFFFFEF7, lr;
	s5 =	simm.s32 $0xFFFFFFFF;
	p2 =	slt.u32 s8, $0xFFFFF086  }
0x1c: {  	p1 =	slt.u32 s9, $0xF7A;
	s5 =	simm.s32 @!p2 $0x0  }
0x1d: {  	s5 =	simm.s32 @p1 $0x1;
	p0 =	seq.s32 s7, s2  }
0x1e: {  	s7 =	smul.u32 @!p0 $0xF7A, s2;
	p2 =	seq.s32 @!p0 s5, $0x0  }
0x1f: {  	s9 =	smul.u32 $0xF7A, s1;
	s8 =	simm.s32 @!p0 $0x1BF5;
	p2 =	por !p2, p0  }
0x20: {  	[sflag:s8] =	ssyncset.s32 @!p0 $0xFFFFF086;
	s6 =	sadd.s32 @!p0 s3, s7;
	s7 =	simm.s32 @!p0 $0x108  }
0x21: {  	s3 =	sadd.s32 s3, s9;
	s6 =	sadd.s32 @!p0 $0x88, s6;
	s7 =	simm.s32 @p2 $0x1082  }
0x22: {  	[simem:s7], [sflag:s8] =	dma.local @!p0 [hbm:s6], $0xF7A  }
0x23: {  	s9 =	sor.u32 $0xD0000000, s2;
	s6 =	simm.s32 $0x108;
	_ =	swait.ge @!p0 [sflag:s8], $0x0  }
0x24: {  	s3 =	sadd.s32 $0x88, s3;
	s6 =	simm.s32 @!p1 $0x1082;
	[sflag:s4] =	ssyncset.s32 $0xFFFFF086  }
0x25: {  	[simem:s6], [sflag:s4] =	dma.local [hbm:s3], $0xF7A  }
0x26: {  	[smem:$0x3F9C] =	sst s1;
	(tag) =	ssettag s2;
	_ =	strace s9  }
0x27: {  	s1 =	sld [smem:$0x3FAC]  }
0x28: {  	s2 =	sld [smem:$0x3FAD]  }
0x29: {  	s4 =	sld [smem:$0x3FAF]  }
0x2a: {  	p0 =	seq.s32 s5, $0x0;
	s5 =	sld [smem:$0x3FB0]  }
0x2b: {  	s6 =	sld [smem:$0x3FB1]  }
0x2c: {  	s7 =	sld [smem:$0x3FB2]  }
0x2d: {  	s3 =	simm.s32 $0x108;
	s8 =	sld [smem:$0x3FB3]  }
0x2e: {  	s3 =	simm.s32 @!p0 $0x1082;
	s9 =	sld [smem:$0x3FB4]  }
0x2f: {  	lr =	sadd.s32 s0, s3;
	s0 =	sld [smem:$0x3FAB]  }
0x30: {  	s3 =	sld [smem:$0x3FAE]  }
0x31: {  	[smem:$0x3FB7] =	sst s10  }
0x32: {  	s10 =	sld [smem:$0x3FB5];
	_ =	sdelay $0x3  }
0x33: {  	p0 =	seq.s32 s10, $0x1;
	s10 =	sld [smem:$0x3FB7];
	_ =	sdelay $0x3  }
0x34: {  	[smem:$0x3FB7] =	sst s10  }
0x35: {  	s10 =	sld [smem:$0x3FB6];
	_ =	sdelay $0x3  }
0x36: {  	p1 =	seq.s32 s10, $0x1;
	s10 =	sld [smem:$0x3FB7];
	_ =	sdelay $0x3  }
0x37: {  	[smem:$0x3FB7] =	sst s10  }
0x38: {  	s10 =	sld [smem:$0x3FB8]  }
0x39: {  	_ = 	snop;
	(pc) =	sbr.ind lr, $3  }
0x3a: {  	_ = 	snop  }
0x3b: {  	_ = 	snop  }
0x3c: {  	p2 =	seq.s32 s10, $0x1;
	s10 =	sld [smem:$0x3FB7]  }
0x3d: {  	_ =	shalt  }
0x3e: {  	_ =	shalt  }
0x3f: {  	_ =	shalt  }
0x40: {  	_ =	shalt  }
0x41: {  	_ =	shalt  }
0x42: {  	_ =	shalt  }
0x43: {  	_ =	shalt  }
0x44: {  	_ =	shalt  }
0x45: {  	_ =	shalt  }
0x46: {  	_ =	shalt  }
0x47: {  	_ =	shalt  }
0x48: {  	_ =	shalt  }
0x49: {  	_ =	shalt  }
0x4a: {  	_ =	shalt  }
0x4b: {  	_ =	shalt  }
0x4c: {  	_ =	shalt  }
0x4d: {  	_ =	shalt  }
0x4e: {  	_ =	shalt  }
0x4f: {  	_ =	shalt  }
0x50: {  	_ =	shalt  }
0x51: {  	_ =	shalt  }
0x52: {  	_ =	shalt  }
0x53: {  	_ =	shalt  }
0x54: {  	_ =	shalt  }
0x55: {  	_ =	shalt  }
0x56: {  	_ =	shalt  }
0x57: {  	_ =	shalt  }
0x58: {  	_ =	shalt  }
0x59: {  	_ =	shalt  }
0x5a: {  	_ =	shalt  }
0x5b: {  	_ =	shalt  }
0x5c: {  	_ =	shalt  }
0x5d: {  	_ =	shalt  }
0x5e: {  	_ =	shalt  }
0x5f: {  	_ =	shalt  }
0x60: {  	_ =	shalt  }
0x61: {  	_ =	shalt  }
0x62: {  	_ =	shalt  }
0x63: {  	_ =	shalt  }
0x64: {  	_ =	shalt  }
0x65: {  	_ =	shalt  }
0x66: {  	_ =	shalt  }
0x67: {  	_ =	shalt  }
0x68: {  	_ =	shalt  }
0x69: {  	_ =	shalt  }
0x6a: {  	_ =	shalt  }
0x6b: {  	_ =	shalt  }
0x6c: {  	_ =	shalt  }
0x6d: {  	_ =	shalt  }
0x6e: {  	_ =	shalt  }
0x6f: {  	_ =	shalt  }
0x70: {  	_ =	shalt  }
0x71: {  	_ =	shalt  }
0x72: {  	_ =	shalt  }
0x73: {  	_ =	shalt  }
0x74: {  	_ =	shalt  }
0x75: {  	_ =	shalt  }
0x76: {  	_ =	shalt  }
0x77: {  	_ =	shalt  }
0x78: {  	_ =	shalt  }
0x79: {  	_ =	shalt  }
0x7a: {  	_ =	shalt  }
0x7b: {  	_ =	shalt  }
0x7c: {  	_ =	shalt  }
0x7d: {  	_ =	shalt  }
0x7e: {  	_ =	shalt  }
0x7f: {  	_ =	shalt  }
0x80: {  	_ =	shalt  }
0x81: {  	_ =	shalt  }
0x82: {  	_ =	shalt  }
0x83: {  	_ =	shalt  }
0x84: {  	_ =	shalt  }
0x85: {  	_ =	shalt  }
0x86: {  	_ =	shalt  }
0x87: {  	_ =	shalt  }
.Lfunc_end0:
.L_simem_size_0:
called_computation_lowered:
.L_overlay_start_0:
0x88: {  	s2 =	sld [smem:$0x3FD9]  }
0x89: {  	s3 =	sld [smem:$0x3FFE];
	_ =	sdelay $0x1  }
0x8a: {  	s1 =	srdreg.scid  }
0x8b: {  	s0 =	sand.u32 $0x1, s1  }
0x8c: {  	s15 =	sshll.u32 s0, $0xA;
	s2 =	sadd.s32 s3, s2  }
0x8d: {  	s2 =	sadd.s32 s2, s15  }
0x8e: {  	[smem:$0x3FC3] =	sst s2  }
0x8f: {  	_ = 	snop  }
0x90: {  	(tm) =	ssettm $0x1  }
0x91: {  	s16 =	sld [smem:$0x3FFB];
	_ =	sdelay $0x3  }
0x92: {  	_ =	strace s16  }
0x93: {  	s2 =	sld [smem:$0x3FFC];
	_ =	sdelay $0x3  }
0x94: {  	_ =	strace s2  }
0x95: {  	s2 =	sld [smem:$0x3FFD];
	_ =	sdelay $0x3  }
0x96: {  	_ =	strace s2  }
0x97: {  	_ =	strace $0x8FFFFFFF  }
0x98: {  	s17 =	sld [smem:$0x3FDB];
	_ =	sdelay $0x1  }
0x99: {  	s18 =	simm.s32 $_scs_section_size  }
0x9a: {  	s4 =	simm.s32 $_size__tile_overlayer_lowered;
	s5 =	simm.s32 $_tile_overlayer_lowered  }
0x9b: {  	s21 =	simm.s32 $0x1BFF;
	s20 =	sshll.u32 s5, $0x1;
	s2 =	sadd.s32 s18, s17  }
0x9c: {  	s6 =	simm.s32 $0x0;
	s19 =	sshll.u32 s4, $0x1;
	s4 =	sadd.s32 s20, s2  }
0x9d: {  	[timem:s6], [sflag:s21] =	dma.local [hbm:s4], s19  }
0x9e: {  	_ =	swait.ge [sflag:s21], s19  }
0x9f: {  	s3 =	ssub.s32 $0x0, s19;
	[sflag:s21] =	ssyncset.done $0x0  }
0xa0: {  	[sflag:s21] =	ssyncadd.s32 s3;
	_ =	sdelay $0x1  }
0xa1: {  	s22 =	simm.s32 $0x1B8B  }
0xa2: {  	_ =	swait.ge [sflag:s22], $0x1  }
0xa3: {  	[sflag:s22] =	ssyncset.done $0x0  }
0xa4: {  	s23 =	sld [smem:$0x3FFE];
	[sflag:s22] =	ssyncadd.s32 $0xFFFFFFFF  }
0xa5: {  	s25 =	simm.s32 $0x1B8E;
	s24 =	sld [smem:$0x0]  }
0xa6: {  	s26 =	simm.s32 $execute0_lowered;
	[smem:$0x3FD2] =	sst s25  }
0xa7: {  	s5 =	sshll.u32 s26, $0x1;
	_ =	strace $0x80000049;
	[dreg:$0x1] =	wrdreg $0xFFFFFFFF  }
0xa8: {  	s28 =	simm.s32 $_size_execute0_lowered;
	s2 =	sadd.s32 s2, s5;
	[dreg:$0x0] =	wrdreg $0x0  }
0xa9: {  	s5 =	sshll.u32 s28, $0x1;
	[dreg:$0x2] =	wrdreg s2  }
0xaa: {  	[dreg:$0x3] =	wrdreg s5  }
0xab: {  	[dreg:$0x4] =	wrdreg $0xC0  }
0xac: {  	_ =	task [dreg:s6], $0x5FFFF  }
0xad: {  	[dreg:$0x1] =	wrdreg $0xFFFFFFFF  }
0xae: {  	[dreg:$0x0] =	wrdreg $0x60  }
0xaf: {  	[dreg:$0x2] =	wrdreg s23  }
0xb0: {  	[dreg:$0x3] =	wrdreg s1  }
0xb1: {  	[dreg:$0x4] =	wrdreg s24  }
0xb2: {  	[dreg:$0x5] =	wrdreg $0xA  }
0xb3: {  	_ =	task.clear_ibuf [dreg:s6], $0x6FFFF;
	_ =	strace $0x90000049  }
0xb4: {  	s29 =	simm.s32 $0xA;
	_ =	strace $0x8000004B  }
0xb5: {  	_ =	swait.ge [sflag:s29], $0x1  }
0xb6: {  	[sflag:s29] =	ssyncadd.s32 $0xFFFFFFFF  }
0xb7: {  	_ =	strace $0x9000004B  }
0xb8: {  	_ =	sfence  }
0xb9: {  	s30 =	sld [smem:$0x0];
	_ =	sdelay $0x2  }
0xba: {  	s31 =	sshll.u32 s1, $0xD;
	s1 =	sshrl.u32 s1, $0x2  }
0xbb: {  	s3 =	sand.u32 $0x4000, s31;
	s1 =	sadd.s32 s1, s30  }
0xbc: {  	s0 =	sor.u32 s3, s0;
	s1 =	sshll.u32 s1, $0x11  }
0xbd: {  	s0 =	sor.u32 s1, s0  }
0xbe: {  	s0 =	sadd.s32 $0x8F2B, s0  }
0xbf: {  	[sflag:s0] =	ssyncadd.remote.s32 $0x1  }
0xc0: {  	_ =	sfence.sel $0xFFFF  }
0xc1: {  	[dreg:$0x0] =	wrdreg $0xFFFFFFFF;
	(pc) =	sbr.abs _section_cstart, $3  }
0xc2: {  	[dreg:$0x1] =	wrdreg $0xFFFFFFFF  }
0xc3: {  	_ =	task.clear_ibuf [dreg:s6], $0x2FFFF;
	_ =	strace $0x9FFFFFFF  }
0xc4: {  	(tm) =	ssettm $0x7FFFFFFF  }
0xc5: {  	_ =	shalt  }
tec
execute0_lowered:
.L_overlay_start_1:
0x0: {  	(tag) =	ssettag $0x1  }
0x1: {  	s11 =	rddreg [dreg:$0x0]  }
0x2: {  	s2 =	rddreg [dreg:$0x1];
	_ =	strace $0x8000004A;
	s12 =	simm.s32 $0x1  }
0x3: {  	v0 =	vimm.s32 $0x0;
	[sflag:s12] =	ssyncpa.u1 $0x0  }
0x4: {  	[tilespmem:$0x28] =	vst v0  }
0x5: {  	[tilespmem:$0x38] =	vst v0  }
0x6: {  	[tilespmem:$0x48] =	vst v0  }
0x7: {  	[tilespmem:$0x58] =	vst v0  }
0x8: {  	[tilespmem:$0x68] =	vst v0  }
0x9: {  	[tilespmem:$0x78] =	vst v0  }
0xa: {  	[tilespmem:$0x88] =	vst v0  }
0xb: {  	[tilespmem:$0x98] =	vst v0  }
0xc: {  	[tilespmem:$0xA8] =	vst v0  }
0xd: {  	[tilespmem:$0xB8] =	vst v0  }
0xe: {  	[tilespmem:$0xC8] =	vst v0  }
0xf: {  	[tilespmem:$0xD8] =	vst v0  }
0x10: {  	[tilespmem:$0xE8] =	vst v0  }
0x11: {  	[tilespmem:$0xF8] =	vst v0  }
0x12: {  	[tilespmem:$0x108] =	vst v0  }
0x13: {  	[tilespmem:$0x118] =	vst v0  }
0x14: {  	[tilespmem:$0x128] =	vst v0  }
0x15: {  	[tilespmem:$0x138] =	vst v0  }
0x16: {  	[tilespmem:$0x148] =	vst v0  }
0x17: {  	[tilespmem:$0x158] =	vst v0  }
0x18: {  	[tilespmem:$0x168] =	vst v0  }
0x19: {  	[tilespmem:$0x178] =	vst v0  }
0x1a: {  	[tilespmem:$0x188] =	vst v0  }
0x1b: {  	[tilespmem:$0x198] =	vst v0  }
0x1c: {  	[tilespmem:$0x1A8] =	vst v0  }
0x1d: {  	[tilespmem:$0x1B8] =	vst v0  }
0x1e: {  	[tilespmem:$0x1C8] =	vst v0  }
0x1f: {  	[tilespmem:$0x1D8] =	vst v0  }
0x20: {  	[tilespmem:$0x1E8] =	vst v0  }
0x21: {  	[tilespmem:$0x1F8] =	vst v0  }
0x22: {  	[tilespmem:$0x208] =	vst v0  }
0x23: {  	[tilespmem:$0x218] =	vst v0  }
0x24: {  	[tilespmem:$0x228] =	vst v0  }
0x25: {  	[tilespmem:$0x238] =	vst v0  }
0x26: {  	[tilespmem:$0x248] =	vst v0  }
0x27: {  	[tilespmem:$0x258] =	vst v0  }
0x28: {  	[tilespmem:$0x268] =	vst v0  }
0x29: {  	[tilespmem:$0x278] =	vst v0  }
0x2a: {  	[tilespmem:$0x288] =	vst v0  }
0x2b: {  	[tilespmem:$0x298] =	vst v0  }
0x2c: {  	[tilespmem:$0x2A8] =	vst v0  }
0x2d: {  	[tilespmem:$0x2B8] =	vst v0  }
0x2e: {  	[tilespmem:$0x2C8] =	vst v0  }
0x2f: {  	[tilespmem:$0x2D8] =	vst v0  }
0x30: {  	[tilespmem:$0x2E8] =	vst v0  }
0x31: {  	[tilespmem:$0x2F8] =	vst v0  }
0x32: {  	[tilespmem:$0x308] =	vst v0  }
0x33: {  	[tilespmem:$0x318] =	vst v0  }
0x34: {  	[tilespmem:$0x328] =	vst v0  }
0x35: {  	[tilespmem:$0x338] =	vst v0  }
0x36: {  	[tilespmem:$0x348] =	vst v0  }
0x37: {  	[tilespmem:$0x358] =	vst v0  }
0x38: {  	[tilespmem:$0x368] =	vst v0  }
0x39: {  	[tilespmem:$0x378] =	vst v0  }
0x3a: {  	[tilespmem:$0x388] =	vst v0  }
0x3b: {  	[tilespmem:$0x398] =	vst v0  }
0x3c: {  	[tilespmem:$0x3A8] =	vst v0  }
0x3d: {  	[tilespmem:$0x3B8] =	vst v0  }
0x3e: {  	[tilespmem:$0x3C8] =	vst v0  }
0x3f: {  	[tilespmem:$0x3D8] =	vst v0  }
0x40: {  	[tilespmem:$0x3E8] =	vst v0  }
0x41: {  	[tilespmem:$0x3F8] =	vst v0  }
0x42: {  	[tilespmem:$0x408] =	vst v0  }
0x43: {  	[tilespmem:$0x418] =	vst v0  }
0x44: {  	[tilespmem:$0x428] =	vst v0  }
0x45: {  	[tilespmem:$0x438] =	vst v0  }
0x46: {  	[tilespmem:$0x448] =	vst v0  }
0x47: {  	[tilespmem:$0x458] =	vst v0  }
0x48: {  	[tilespmem:$0x468] =	vst v0  }
0x49: {  	[tilespmem:$0x478] =	vst v0  }
0x4a: {  	[tilespmem:$0x488] =	vst v0  }
0x4b: {  	[tilespmem:$0x498] =	vst v0  }
0x4c: {  	[tilespmem:$0x4A8] =	vst v0  }
0x4d: {  	[tilespmem:$0x4B8] =	vst v0  }
0x4e: {  	[tilespmem:$0x4C8] =	vst v0  }
0x4f: {  	[tilespmem:$0x4D8] =	vst v0  }
0x50: {  	[tilespmem:$0x4E8] =	vst v0  }
0x51: {  	[tilespmem:$0x4F8] =	vst v0  }
0x52: {  	[tilespmem:$0x508] =	vst v0  }
0x53: {  	[tilespmem:$0x518] =	vst v0  }
0x54: {  	[tilespmem:$0x528] =	vst v0  }
0x55: {  	[tilespmem:$0x538] =	vst v0  }
0x56: {  	[tilespmem:$0x548] =	vst v0  }
0x57: {  	[tilespmem:$0x558] =	vst v0  }
0x58: {  	[tilespmem:$0x568] =	vst v0  }
0x59: {  	[tilespmem:$0x578] =	vst v0  }
0x5a: {  	[tilespmem:$0x588] =	vst v0  }
0x5b: {  	[tilespmem:$0x598] =	vst v0  }
0x5c: {  	[tilespmem:$0x5A8] =	vst v0  }
0x5d: {  	[tilespmem:$0x5B8] =	vst v0  }
0x5e: {  	[tilespmem:$0x5C8] =	vst v0  }
0x5f: {  	[tilespmem:$0x5D8] =	vst v0  }
0x60: {  	[tilespmem:$0x5E8] =	vst v0  }
0x61: {  	[tilespmem:$0x5F8] =	vst v0  }
0x62: {  	[tilespmem:$0x608] =	vst v0  }
0x63: {  	[tilespmem:$0x618] =	vst v0  }
0x64: {  	[tilespmem:$0x628] =	vst v0  }
0x65: {  	[tilespmem:$0x638] =	vst v0  }
0x66: {  	[tilespmem:$0x648] =	vst v0  }
0x67: {  	[tilespmem:$0x658] =	vst v0  }
0x68: {  	[tilespmem:$0x668] =	vst v0  }
0x69: {  	[tilespmem:$0x678] =	vst v0  }
0x6a: {  	[tilespmem:$0x688] =	vst v0  }
0x6b: {  	[tilespmem:$0x698] =	vst v0  }
0x6c: {  	[tilespmem:$0x6A8] =	vst v0  }
0x6d: {  	[tilespmem:$0x6B8] =	vst v0  }
0x6e: {  	[tilespmem:$0x6C8] =	vst v0  }
0x6f: {  	[tilespmem:$0x6D8] =	vst v0  }
0x70: {  	[tilespmem:$0x6E8] =	vst v0  }
0x71: {  	[tilespmem:$0x6F8] =	vst v0  }
0x72: {  	[tilespmem:$0x708] =	vst v0  }
0x73: {  	[tilespmem:$0x718] =	vst v0  }
0x74: {  	[tilespmem:$0x728] =	vst v0  }
0x75: {  	[tilespmem:$0x738] =	vst v0  }
0x76: {  	[tilespmem:$0x748] =	vst v0  }
0x77: {  	[tilespmem:$0x758] =	vst v0  }
0x78: {  	[tilespmem:$0x768] =	vst v0  }
0x79: {  	[tilespmem:$0x778] =	vst v0  }
0x7a: {  	[tilespmem:$0x788] =	vst v0  }
0x7b: {  	[tilespmem:$0x798] =	vst v0  }
0x7c: {  	[tilespmem:$0x7A8] =	vst v0  }
0x7d: {  	[tilespmem:$0x7B8] =	vst v0  }
0x7e: {  	[tilespmem:$0x7C8] =	vst v0  }
0x7f: {  	[tilespmem:$0x7D8] =	vst v0  }
0x80: {  	[tilespmem:$0x7E8] =	vst v0  }
0x81: {  	[tilespmem:$0x7F8] =	vst v0  }
0x82: {  	[tilespmem:$0x808] =	vst v0  }
0x83: {  	[tilespmem:$0x818] =	vst v0  }
0x84: {  	[tilespmem:$0x828] =	vst v0  }
0x85: {  	[tilespmem:$0x838] =	vst v0  }
0x86: {  	[tilespmem:$0x848] =	vst v0  }
0x87: {  	[tilespmem:$0x858] =	vst v0  }
0x88: {  	[tilespmem:$0x868] =	vst v0  }
0x89: {  	[tilespmem:$0x878] =	vst v0  }
0x8a: {  	[tilespmem:$0x888] =	vst v0  }
0x8b: {  	[tilespmem:$0x898] =	vst v0  }
0x8c: {  	[tilespmem:$0x8A8] =	vst v0  }
0x8d: {  	[tilespmem:$0x8B8] =	vst v0  }
0x8e: {  	[tilespmem:$0x8C8] =	vst v0  }
0x8f: {  	[tilespmem:$0x8D8] =	vst v0  }
0x90: {  	[tilespmem:$0x8E8] =	vst v0  }
0x91: {  	[tilespmem:$0x8F8] =	vst v0  }
0x92: {  	[tilespmem:$0x908] =	vst v0  }
0x93: {  	[tilespmem:$0x918] =	vst v0  }
0x94: {  	[tilespmem:$0x928] =	vst v0  }
0x95: {  	[tilespmem:$0x938] =	vst v0  }
0x96: {  	[tilespmem:$0x948] =	vst v0  }
0x97: {  	[tilespmem:$0x958] =	vst v0  }
0x98: {  	[tilespmem:$0x968] =	vst v0  }
0x99: {  	[tilespmem:$0x978] =	vst v0  }
0x9a: {  	[tilespmem:$0x988] =	vst v0  }
0x9b: {  	[tilespmem:$0x998] =	vst v0  }
0x9c: {  	[tilespmem:$0x9A8] =	vst v0  }
0x9d: {  	[tilespmem:$0x9B8] =	vst v0  }
0x9e: {  	[tilespmem:$0x9C8] =	vst v0  }
0x9f: {  	[tilespmem:$0x9D8] =	vst v0  }
0xa0: {  	[tilespmem:$0x9E8] =	vst v0  }
0xa1: {  	[tilespmem:$0x9F8] =	vst v0  }
0xa2: {  	[tilespmem:$0xA08] =	vst v0  }
0xa3: {  	[tilespmem:$0xA18] =	vst v0  }
0xa4: {  	[tilespmem:$0xA28] =	vst v0  }
0xa5: {  	[tilespmem:$0xA38] =	vst v0  }
0xa6: {  	[tilespmem:$0xA48] =	vst v0  }
0xa7: {  	[tilespmem:$0xA58] =	vst v0  }
0xa8: {  	[tilespmem:$0xA68] =	vst v0  }
0xa9: {  	[tilespmem:$0xA78] =	vst v0  }
0xaa: {  	[tilespmem:$0xA88] =	vst v0  }
0xab: {  	[tilespmem:$0xA98] =	vst v0  }
0xac: {  	[tilespmem:$0xAA8] =	vst v0  }
0xad: {  	[tilespmem:$0xAB8] =	vst v0  }
0xae: {  	[tilespmem:$0xAC8] =	vst v0  }
0xaf: {  	[tilespmem:$0xAD8] =	vst v0  }
0xb0: {  	[tilespmem:$0xAE8] =	vst v0  }
0xb1: {  	[tilespmem:$0xAF8] =	vst v0  }
0xb2: {  	[tilespmem:$0xB08] =	vst v0  }
0xb3: {  	[tilespmem:$0xB18] =	vst v0  }
0xb4: {  	[tilespmem:$0xB28] =	vst v0  }
0xb5: {  	[tilespmem:$0xB38] =	vst v0  }
0xb6: {  	[tilespmem:$0xB48] =	vst v0  }
0xb7: {  	[tilespmem:$0xB58] =	vst v0  }
0xb8: {  	[tilespmem:$0xB68] =	vst v0  }
0xb9: {  	[tilespmem:$0xB78] =	vst v0  }
0xba: {  	[tilespmem:$0xB88] =	vst v0  }
0xbb: {  	[tilespmem:$0xB98] =	vst v0  }
0xbc: {  	[tilespmem:$0xBA8] =	vst v0  }
0xbd: {  	[tilespmem:$0xBB8] =	vst v0  }
0xbe: {  	[tilespmem:$0xBC8] =	vst v0  }
0xbf: {  	[tilespmem:$0xBD8] =	vst v0  }
0xc0: {  	[tilespmem:$0xBE8] =	vst v0  }
0xc1: {  	[tilespmem:$0xBF8] =	vst v0  }
0xc2: {  	[tilespmem:$0xC08] =	vst v0  }
0xc3: {  	[tilespmem:$0xC18] =	vst v0  }
0xc4: {  	[tilespmem:$0xC28] =	vst v0  }
0xc5: {  	[tilespmem:$0xC38] =	vst v0  }
0xc6: {  	[tilespmem:$0xC48] =	vst v0  }
0xc7: {  	[tilespmem:$0xC58] =	vst v0  }
0xc8: {  	[tilespmem:$0xC68] =	vst v0  }
0xc9: {  	[tilespmem:$0xC78] =	vst v0  }
0xca: {  	[tilespmem:$0xC88] =	vst v0  }
0xcb: {  	[tilespmem:$0xC98] =	vst v0  }
0xcc: {  	[tilespmem:$0xCA8] =	vst v0  }
0xcd: {  	[tilespmem:$0xCB8] =	vst v0  }
0xce: {  	[tilespmem:$0xCC8] =	vst v0  }
0xcf: {  	[tilespmem:$0xCD8] =	vst v0  }
0xd0: {  	[tilespmem:$0xCE8] =	vst v0  }
0xd1: {  	[tilespmem:$0xCF8] =	vst v0  }
0xd2: {  	[tilespmem:$0xD08] =	vst v0  }
0xd3: {  	[tilespmem:$0xD18] =	vst v0  }
0xd4: {  	[tilespmem:$0xD28] =	vst v0  }
0xd5: {  	[tilespmem:$0xD38] =	vst v0  }
0xd6: {  	[tilespmem:$0xD48] =	vst v0  }
0xd7: {  	[tilespmem:$0xD58] =	vst v0  }
0xd8: {  	[tilespmem:$0xD68] =	vst v0  }
0xd9: {  	[tilespmem:$0xD78] =	vst v0  }
0xda: {  	[tilespmem:$0xD88] =	vst v0  }
0xdb: {  	[tilespmem:$0xD98] =	vst v0  }
0xdc: {  	[tilespmem:$0xDA8] =	vst v0  }
0xdd: {  	[tilespmem:$0xDB8] =	vst v0  }
0xde: {  	[tilespmem:$0xDC8] =	vst v0  }
0xdf: {  	[tilespmem:$0xDD8] =	vst v0  }
0xe0: {  	[tilespmem:$0xDE8] =	vst v0  }
0xe1: {  	[tilespmem:$0xDF8] =	vst v0  }
0xe2: {  	[tilespmem:$0xE08] =	vst v0  }
0xe3: {  	[tilespmem:$0xE18] =	vst v0  }
0xe4: {  	[tilespmem:$0xE28] =	vst v0  }
0xe5: {  	[tilespmem:$0xE38] =	vst v0  }
0xe6: {  	[tilespmem:$0xE48] =	vst v0  }
0xe7: {  	[tilespmem:$0xE58] =	vst v0  }
0xe8: {  	[tilespmem:$0xE68] =	vst v0  }
0xe9: {  	[tilespmem:$0xE78] =	vst v0  }
0xea: {  	[tilespmem:$0xE88] =	vst v0  }
0xeb: {  	[tilespmem:$0xE98] =	vst v0  }
0xec: {  	[tilespmem:$0xEA8] =	vst v0  }
0xed: {  	[tilespmem:$0xEB8] =	vst v0  }
0xee: {  	[tilespmem:$0xEC8] =	vst v0  }
0xef: {  	[tilespmem:$0xED8] =	vst v0  }
0xf0: {  	[tilespmem:$0xEE8] =	vst v0  }
0xf1: {  	[tilespmem:$0xEF8] =	vst v0  }
0xf2: {  	[tilespmem:$0xF08] =	vst v0  }
0xf3: {  	[tilespmem:$0xF18] =	vst v0  }
0xf4: {  	[tilespmem:$0xF28] =	vst v0  }
0xf5: {  	[tilespmem:$0xF38] =	vst v0  }
0xf6: {  	[tilespmem:$0xF48] =	vst v0  }
0xf7: {  	[tilespmem:$0xF58] =	vst v0  }
0xf8: {  	[tilespmem:$0xF68] =	vst v0  }
0xf9: {  	[tilespmem:$0xF78] =	vst v0  }
0xfa: {  	[tilespmem:$0xF88] =	vst v0  }
0xfb: {  	[tilespmem:$0xF98] =	vst v0  }
0xfc: {  	[tilespmem:$0xFA8] =	vst v0  }
0xfd: {  	[tilespmem:$0xFB8] =	vst v0  }
0xfe: {  	[tilespmem:$0xFC8] =	vst v0  }
0xff: {  	[tilespmem:$0xFD8] =	vst v0  }
0x100: {  	[tilespmem:$0xFE8] =	vst v0  }
0x101: {  	[tilespmem:$0xFF8] =	vst v0  }
0x102: {  	[tilespmem:$0x1028] =	vst v0  }
0x103: {  	[tilespmem:$0x10E8] =	vst v0  }
0x104: {  	[tilespmem:$0x1068] =	vst v0  }
0x105: {  	[tilespmem:$0x1B28] =	vst v0  }
0x106: {  	[tilespmem:$0x1B18] =	vst v0  }
0x107: {  	[tilespmem:$0x1B08] =	vst v0  }
0x108: {  	[tilespmem:$0x1AF8] =	vst v0  }
0x109: {  	[tilespmem:$0x1AE8] =	vst v0  }
0x10a: {  	[tilespmem:$0x1AD8] =	vst v0  }
0x10b: {  	[tilespmem:$0x1AC8] =	vst v0  }
0x10c: {  	[tilespmem:$0x1AB8] =	vst v0  }
0x10d: {  	[tilespmem:$0x1AA8] =	vst v0  }
0x10e: {  	[tilespmem:$0x1A98] =	vst v0  }
0x10f: {  	[tilespmem:$0x1A88] =	vst v0  }
0x110: {  	[tilespmem:$0x1A78] =	vst v0  }
0x111: {  	[tilespmem:$0x1A68] =	vst v0  }
0x112: {  	[tilespmem:$0x1A58] =	vst v0  }
0x113: {  	[tilespmem:$0x1A48] =	vst v0  }
0x114: {  	[tilespmem:$0x1A38] =	vst v0  }
0x115: {  	[tilespmem:$0x1A28] =	vst v0  }
0x116: {  	[tilespmem:$0x1A18] =	vst v0  }
0x117: {  	[tilespmem:$0x1A08] =	vst v0  }
0x118: {  	[tilespmem:$0x19F8] =	vst v0  }
0x119: {  	[tilespmem:$0x19E8] =	vst v0  }
0x11a: {  	[tilespmem:$0x19D8] =	vst v0  }
0x11b: {  	[tilespmem:$0x19C8] =	vst v0  }
0x11c: {  	[tilespmem:$0x19B8] =	vst v0  }
0x11d: {  	[tilespmem:$0x19A8] =	vst v0  }
0x11e: {  	[tilespmem:$0x1998] =	vst v0  }
0x11f: {  	[tilespmem:$0x1988] =	vst v0  }
0x120: {  	[tilespmem:$0x1978] =	vst v0  }
0x121: {  	[tilespmem:$0x1968] =	vst v0  }
0x122: {  	[tilespmem:$0x1958] =	vst v0  }
0x123: {  	[tilespmem:$0x1948] =	vst v0  }
0x124: {  	[tilespmem:$0x1938] =	vst v0  }
0x125: {  	[tilespmem:$0x1928] =	vst v0  }
0x126: {  	[tilespmem:$0x1918] =	vst v0  }
0x127: {  	[tilespmem:$0x1908] =	vst v0  }
0x128: {  	[tilespmem:$0x18F8] =	vst v0  }
0x129: {  	[tilespmem:$0x18E8] =	vst v0  }
0x12a: {  	[tilespmem:$0x18D8] =	vst v0  }
0x12b: {  	[tilespmem:$0x18C8] =	vst v0  }
0x12c: {  	[tilespmem:$0x18B8] =	vst v0  }
0x12d: {  	[tilespmem:$0x18A8] =	vst v0  }
0x12e: {  	[tilespmem:$0x1898] =	vst v0  }
0x12f: {  	[tilespmem:$0x1888] =	vst v0  }
0x130: {  	[tilespmem:$0x1878] =	vst v0  }
0x131: {  	[tilespmem:$0x1868] =	vst v0  }
0x132: {  	[tilespmem:$0x1858] =	vst v0  }
0x133: {  	[tilespmem:$0x1848] =	vst v0  }
0x134: {  	[tilespmem:$0x1838] =	vst v0  }
0x135: {  	[tilespmem:$0x1828] =	vst v0  }
0x136: {  	[tilespmem:$0x1818] =	vst v0  }
0x137: {  	[tilespmem:$0x1808] =	vst v0  }
0x138: {  	[tilespmem:$0x17F8] =	vst v0  }
0x139: {  	[tilespmem:$0x17E8] =	vst v0  }
0x13a: {  	[tilespmem:$0x17D8] =	vst v0  }
0x13b: {  	[tilespmem:$0x17C8] =	vst v0  }
0x13c: {  	[tilespmem:$0x17B8] =	vst v0  }
0x13d: {  	[tilespmem:$0x17A8] =	vst v0  }
0x13e: {  	[tilespmem:$0x1798] =	vst v0  }
0x13f: {  	[tilespmem:$0x1788] =	vst v0  }
0x140: {  	[tilespmem:$0x1778] =	vst v0  }
0x141: {  	[tilespmem:$0x1768] =	vst v0  }
0x142: {  	[tilespmem:$0x1758] =	vst v0  }
0x143: {  	[tilespmem:$0x1748] =	vst v0  }
0x144: {  	[tilespmem:$0x1738] =	vst v0  }
0x145: {  	[tilespmem:$0x1728] =	vst v0  }
0x146: {  	[tilespmem:$0x1718] =	vst v0  }
0x147: {  	[tilespmem:$0x1708] =	vst v0  }
0x148: {  	[tilespmem:$0x16F8] =	vst v0  }
0x149: {  	[tilespmem:$0x16E8] =	vst v0  }
0x14a: {  	[tilespmem:$0x16D8] =	vst v0  }
0x14b: {  	[tilespmem:$0x16C8] =	vst v0  }
0x14c: {  	[tilespmem:$0x16B8] =	vst v0  }
0x14d: {  	[tilespmem:$0x16A8] =	vst v0  }
0x14e: {  	[tilespmem:$0x1698] =	vst v0  }
0x14f: {  	[tilespmem:$0x1688] =	vst v0  }
0x150: {  	[tilespmem:$0x1678] =	vst v0  }
0x151: {  	[tilespmem:$0x1668] =	vst v0  }
0x152: {  	[tilespmem:$0x1658] =	vst v0  }
0x153: {  	[tilespmem:$0x1648] =	vst v0  }
0x154: {  	[tilespmem:$0x1638] =	vst v0  }
0x155: {  	[tilespmem:$0x1628] =	vst v0  }
0x156: {  	[tilespmem:$0x1618] =	vst v0  }
0x157: {  	[tilespmem:$0x1608] =	vst v0  }
0x158: {  	[tilespmem:$0x15F8] =	vst v0  }
0x159: {  	[tilespmem:$0x15E8] =	vst v0  }
0x15a: {  	[tilespmem:$0x15D8] =	vst v0  }
0x15b: {  	[tilespmem:$0x15C8] =	vst v0  }
0x15c: {  	[tilespmem:$0x15B8] =	vst v0  }
0x15d: {  	[tilespmem:$0x15A8] =	vst v0  }
0x15e: {  	[tilespmem:$0x1598] =	vst v0  }
0x15f: {  	[tilespmem:$0x1588] =	vst v0  }
0x160: {  	[tilespmem:$0x1578] =	vst v0  }
0x161: {  	[tilespmem:$0x1568] =	vst v0  }
0x162: {  	[tilespmem:$0x1558] =	vst v0  }
0x163: {  	[tilespmem:$0x1548] =	vst v0  }
0x164: {  	[tilespmem:$0x1538] =	vst v0  }
0x165: {  	[tilespmem:$0x1528] =	vst v0  }
0x166: {  	[tilespmem:$0x1518] =	vst v0  }
0x167: {  	[tilespmem:$0x1508] =	vst v0  }
0x168: {  	[tilespmem:$0x14F8] =	vst v0  }
0x169: {  	[tilespmem:$0x14E8] =	vst v0  }
0x16a: {  	[tilespmem:$0x14D8] =	vst v0  }
0x16b: {  	[tilespmem:$0x14C8] =	vst v0  }
0x16c: {  	[tilespmem:$0x14B8] =	vst v0  }
0x16d: {  	[tilespmem:$0x14A8] =	vst v0  }
0x16e: {  	[tilespmem:$0x1498] =	vst v0  }
0x16f: {  	[tilespmem:$0x1488] =	vst v0  }
0x170: {  	[tilespmem:$0x1478] =	vst v0  }
0x171: {  	[tilespmem:$0x1468] =	vst v0  }
0x172: {  	[tilespmem:$0x1458] =	vst v0  }
0x173: {  	[tilespmem:$0x1448] =	vst v0  }
0x174: {  	[tilespmem:$0x1438] =	vst v0  }
0x175: {  	[tilespmem:$0x1428] =	vst v0  }
0x176: {  	[tilespmem:$0x1418] =	vst v0  }
0x177: {  	[tilespmem:$0x1408] =	vst v0  }
0x178: {  	[tilespmem:$0x13F8] =	vst v0  }
0x179: {  	[tilespmem:$0x13E8] =	vst v0  }
0x17a: {  	[tilespmem:$0x13D8] =	vst v0  }
0x17b: {  	[tilespmem:$0x13C8] =	vst v0  }
0x17c: {  	[tilespmem:$0x13B8] =	vst v0  }
0x17d: {  	[tilespmem:$0x13A8] =	vst v0  }
0x17e: {  	[tilespmem:$0x1398] =	vst v0  }
0x17f: {  	[tilespmem:$0x1388] =	vst v0  }
0x180: {  	[tilespmem:$0x1378] =	vst v0  }
0x181: {  	[tilespmem:$0x1368] =	vst v0  }
0x182: {  	[tilespmem:$0x1358] =	vst v0  }
0x183: {  	[tilespmem:$0x1348] =	vst v0  }
0x184: {  	[tilespmem:$0x1338] =	vst v0  }
0x185: {  	[tilespmem:$0x1328] =	vst v0  }
0x186: {  	[tilespmem:$0x1318] =	vst v0  }
0x187: {  	[tilespmem:$0x1308] =	vst v0  }
0x188: {  	[tilespmem:$0x12F8] =	vst v0  }
0x189: {  	[tilespmem:$0x12E8] =	vst v0  }
0x18a: {  	[tilespmem:$0x12D8] =	vst v0  }
0x18b: {  	[tilespmem:$0x12C8] =	vst v0  }
0x18c: {  	[tilespmem:$0x12B8] =	vst v0  }
0x18d: {  	[tilespmem:$0x12A8] =	vst v0  }
0x18e: {  	[tilespmem:$0x1298] =	vst v0  }
0x18f: {  	[tilespmem:$0x1288] =	vst v0  }
0x190: {  	[tilespmem:$0x1278] =	vst v0  }
0x191: {  	[tilespmem:$0x1268] =	vst v0  }
0x192: {  	[tilespmem:$0x1258] =	vst v0  }
0x193: {  	[tilespmem:$0x1248] =	vst v0  }
0x194: {  	[tilespmem:$0x1238] =	vst v0  }
0x195: {  	[tilespmem:$0x1228] =	vst v0  }
0x196: {  	[tilespmem:$0x1218] =	vst v0  }
0x197: {  	[tilespmem:$0x1208] =	vst v0  }
0x198: {  	[tilespmem:$0x11F8] =	vst v0  }
0x199: {  	[tilespmem:$0x11E8] =	vst v0  }
0x19a: {  	[tilespmem:$0x11D8] =	vst v0  }
0x19b: {  	[tilespmem:$0x11C8] =	vst v0  }
0x19c: {  	[tilespmem:$0x11B8] =	vst v0  }
0x19d: {  	[tilespmem:$0x11A8] =	vst v0  }
0x19e: {  	[tilespmem:$0x1198] =	vst v0  }
0x19f: {  	[tilespmem:$0x1188] =	vst v0  }
0x1a0: {  	[tilespmem:$0x1178] =	vst v0  }
0x1a1: {  	[tilespmem:$0x1168] =	vst v0  }
0x1a2: {  	[tilespmem:$0x1158] =	vst v0  }
0x1a3: {  	[tilespmem:$0x1148] =	vst v0  }
0x1a4: {  	[tilespmem:$0x1138] =	vst v0  }
0x1a5: {  	[tilespmem:$0x1128] =	vst v0  }
0x1a6: {  	[tilespmem:$0x1118] =	vst v0  }
0x1a7: {  	s4 =	stileid.u32;
	[tilespmem:$0x1108] =	vst v0  }
0x1a8: {  	s0 =	smul.u32 $0x3B, s4;
	[tilespmem:$0x10F8] =	vst v0  }
0x1a9: {  	s1 =	smin.u32 s4, $0x5;
	[tilespmem:$0x10C8] =	vst v0  }
0x1aa: {  	[tilespmem:$0x10D8] =	vst v0;
	s0 =	sadd.s32 s1, s0  }
0x1ab: {  	p0 =	slt.u32 s4, $0x5;
	[tilespmem:$0x10B8] =	vst v0;
	s1 =	simm.s32 $0x6540;
	s6 =	smul.u32 $0x1B0, s0  }
0x1ac: {  	s1 =	simm.s32 @!p0 $0x6390;
	[tilespmem:$0x1038] =	vst v0  }
0x1ad: {  	[tilespmem:$0x10A8] =	vst v0;
	s0 =	sadd.s32 s1, s6  }
0x1ae: {  	s3 =	simm.s32 $0x2;
	s8 =	simm.s32 $0x9;
	[tilespmem:$0x1098] =	vst v0;
	s7 =	smin.u32 s0, $0x64000  }
0x1af: {  	s10 =	simm.s32 $0xA;
	s30 =	simm.s32 $0xB;
	[tilespmem:$0x1088] =	vst v0;
	s0 =	ssub.s32 s7, s6  }
0x1b0: {  	s16 =	simm.s32 $0x0;
	p4 =	por $0x0, $0x0;
	[tilespmem:$0x1078] =	vst v0;
	p0 =	sgt.s32 s0, $0x0  }
0x1b1: {  	s17 =	simm.s32 $0xC;
	s21 =	simm.s32 $0x0;
	[tilespmem:$0x1058] =	vst v0;
	s0 =	simm.s32 @!p0 $0x0  }
0x1b2: {  	s18 =	simm.s32 $0x0;
	s2 =	sand.u32 $0x1, s2;
	[tilespmem:$0x1048] =	vst v0;
	s29 =	smulhi.u32 $0x4BDA12F7, s0  }
0x1b3: {  	s20 =	simm.s32 $0x0;
	s31 =	sshll.u32 s4, $0x5;
	[tilespmem:$0x1018] =	vst v0;
	[dreg:$0x5] =	wrdreg s2  }
0x1b4: {  	s2 =	smul.u32 $0xC800, s2;
	[tilespmem:$0x1008] =	vst v0;
	[sflag:s3] =	ssyncpa.u1 $0x0;
	s1 =	sshrl.u32 s29, $0x7  }
0x1b5: {  	v0 =	vimm.s32 $0xFFFFFFFF;
	s3 =	sadd.s32 $0xCD0000, s11;
	[dreg:$0x4] =	wrdreg s31;
	s5 =	smul.u32 $0x1B0, s1  }
.Ltmp0:
0x1b6: {  	[tilespmem:$0x3648] =	vst v0;
	[sflag:s8] =	ssyncpa.u1 $0x0;
	s2 =	sadd.s32 s2, s11;
	(pc) =	sbr.rel .LBB2_1-.Ltmp0, $4  }
0x1b7: {  	[sflag:s10] =	ssyncpa.u1 $0x0;
	s11 =	sadd.s32 $0x50000, s11;
	p0 =	sne.s32 s0, s5  }
0x1b8: {  	[sflag:s30] =	ssyncpa.u1 $0x0;
	s14 =	sadd.s32 $0x37000, s2;
	s12 =	simm.s32 @!p0 $0x0  }
0x1b9: {  	s15 =	sadd.s32 $0x1E000, s2;
	s19 =	smov.u32 s6;
	s12 =	sadd.s32 s12, s1  }
0x1ba: {  	v0 =	vlaneseq.u32;
	[dreg:$0x6] =	wrdreg s6;
	p0 =	por $0x1, $0x1;
	s4 =	sadd.s32 $0x1, s12  }
.LBB2_18:
0x1bb: {  	s0 =	simm.s32 $0x2  }
0x1bc: {  	_ =	swait.ge [sflag:s0], $0x0  }
0x1bd: {  	[sflag:s0] =	ssyncset.done $0x0;
	s0 =	simm.s32 $0x0  }
.LBB2_19:
0x1be: {  	_ =	swait.ge [sflag:s17], s0  }
0x1bf: {  	s31 =	ssub.s32 $0x0, s0;
	v1 =	vmov s23;
	vm0 =	veq.s32 v0, $0x0;
	[sflag:s17] =	ssyncset.done $0x0  }
0x1c0: {  	vm15 =	veq.s32 v0, $0x2;
	v1 =	vsel vm0, s28, v1;
	[sflag:s17] =	ssyncadd.s32 s31  }
0x1c1: {  	v1 =	vsel vm15, s21, v1;
	[sflag:s17] =	ssyncpa.u1 $0x1  }
0x1c2: {  	[tilespmem:$0x3648] =	vst v1  }
.LBB2_20:
0x1c3: {  	s0 =	sadd.s32 $0x1B0, s19  }
0x1c4: {  	s1 =	smov.u32 s6;
	p1 =	slt.s32 s0, s7  }
0x1c5: {  	s1 =	smov.u32 @p1 s0;
	p1 =	sne.s32 s20, s4  }
.Ltmp1:
0x1c6: {  	_ = 	snop;
	(pc) =	sbr.rel @!p1 .LBB2_21-.Ltmp1, $4  }
0x1c7: {  	_ = 	snop  }
0x1c8: {  	s21 =	smov.u32 s18  }
0x1c9: {  	s31 =	sadd.s32 $0x1, s20;
	s18 =	smov.u32 s19;
	p0 =	por !p0, !p0  }
0x1ca: {  	p4 =	por !p4, !p4;
	s20 =	smov.u32 s31;
	s19 =	smov.u32 s1  }
.LBB2_1:
0x1cb: {  	p2 =	sge.u32 s20, s12  }
0x1cc: {  	s0 =	smulhi.u32 @!p2 $0xAAAAAAAB, s20  }
0x1cd: {  	s1 =	smov.u32 s19;
	p3 =	sgt.s32 @!p2 s19, $0x63E50  }
0x1ce: {  	s2 =	sshra.s32 @!p2 s19, $0x1F;
	p3 =	por !p3, p2;
	s0 =	sshrl.u32 @!p2 s0, $0x1  }
0x1cf: {  	s2 =	sand.u32 @!p2 s2, s19;
	s1 =	simm.s32 @p3 $0x63E50;
	s0 =	smul.u32 @!p2 $0x3, s0  }
0x1d0: {  	s1 =	ssub.s32 @!p2 s1, s2  }
0x1d1: {  	s23 =	sadd.s32 $0xFFFFFFFF, s20;
	s1 =	sadd.s32 @!p2 $0xFFF9C1B0, s1;
	s0 =	ssub.s32 @!p2 s20, s0  }
0x1d2: {  	s2 =	sshll.u32 @!p2 s1, $0x2;
	p3 =	sgt.s32 @!p2 s1, $0x1AF;
	s0 =	smul.u32 @!p2 $0x6C0, s0  }
0x1d3: {  	s5 =	sand.u32 @!p2 $0x7, s19;
	s1 =	ssub.s32 @!p2 $0x6C0, s2;
	p3 =	por !p3, p2  }
0x1d4: {  	s2 =	sshrl.u32 @!p2 s19, $0x3;
	s1 =	sshrl.u32 @!p2 s1, $0x2;
	s0 =	sshrl.u32 @!p2 s0, $0x2  }
0x1d5: {  	s2 =	sadd.s32 @!p2 s2, s14;
	s1 =	simm.s32 @!p3 $0x0;
	s0 =	sadd.s32 @!p2 $0x3888, s0  }
0x1d6: {  	[tilespmem:s0], [sflag:$0xA] =	stream.linear.gather @!p2 [hbm4b:s2+s5], s1, $0x38;
	[tilespmem:$0x1F0F8] =	vst v63  }
0x1d7: {  	p2 =	sge.u32 s23, s12  }
0x1d8: {  	p3 =	sgt.s32 @!p2 s18, $0x63E50  }
0x1d9: {  	s0 =	smov.u32 s18;
	s1 =	sshra.s32 @!p2 s18, $0x1F;
	p3 =	por !p3, p2  }
0x1da: {  	s1 =	sand.u32 @!p2 s1, s18;
	s0 =	simm.s32 @p3 $0x63E50  }
0x1db: {  	s0 =	ssub.s32 @!p2 s0, s1  }
0x1dc: {  	s0 =	sadd.s32 @!p2 $0xFFF9C1B0, s0  }
0x1dd: {  	s1 =	sshll.u32 @!p2 s0, $0x2  }
0x1de: {  	p3 =	sgt.s32 @!p2 s0, $0x1AF;
	s0 =	ssub.s32 @!p2 $0x6C0, s1  }
0x1df: {  	s22 =	ssub.s32 @!p2 $0x64000, s18;
	p3 =	por !p3, p2;
	s0 =	sshrl.u32 @!p2 s0, $0x2  }
0x1e0: {  	s1 =	sand.u32 @!p2 $0x1, s23;
	s0 =	simm.s32 @!p3 $0x0;
	p3 =	slt.s32 @!p2 s22, $0x1  }
0x1e1: {  	s2 =	simm.s32 @!p2 $0xA;
	s1 =	smul.u32 @!p2 $0x6C0, s1;
	p3 =	por p2, p3  }
.Ltmp2:
0x1e2: {  	_ =	swait.ge @!p2 [sflag:s2], s0;
	(pc) =	sbr.rel @p3 .LBB2_7-.Ltmp2, $4  }
0x1e3: {  	s5 =	ssub.s32 @!p2 $0x0, s0;
	[sflag:s2] =	ssyncset.done @!p2 $0x0  }
0x1e4: {  	s1 =	sshrl.u32 @!p2 s1, $0x2;
	[sflag:s2] =	ssyncadd.s32 @!p2 s5;
	s2 =	sshrl.u32 @!p2 s18, $0x3  }
0x1e5: {  	s1 =	sadd.s32 @!p2 $0x3D98, s1;
	s5 =	sand.u32 @!p2 $0x7, s18;
	s2 =	sadd.s32 @!p2 s2, s15  }
0x1e6: {  	[tilespmem:s1], [sflag:$0xB] =	stream.linear.gather @!p2 [hbm4b:s2+s5], s0, $0x38;
	[tilespmem:$0x1F0F8] =	vst v63  }
0x1e7: {  	s0 =	smulhi.u32 $0xAAAAAAAB, s23;
	_ =	sdelay $0x1  }
0x1e8: {  	s0 =	sshrl.u32 s0, $0x1  }
0x1e9: {  	s0 =	smul.u32 $0x3, s0;
	_ =	sdelay $0x1  }
0x1ea: {  	s0 =	ssub.s32 s23, s0  }
0x1eb: {  	s1 =	simm.s32 $0x1;
	s0 =	smul.u32 $0x6C0, s0  }
.Ltmp3:
0x1ec: {  	s1 =	simm.s32 @!p0 $0x0;
	(pc) =	sbr.rel .LBB2_4-.Ltmp3, $4  }
0x1ed: {  	s1 =	smul.u32 $0x36000, s1  }
0x1ee: {  	p3 =	slt.s32 @!p2 s22, $0x1B0;
	s0 =	sshrl.u32 s0, $0x2  }
0x1ef: {  	p2 =	por !p3, p2;
	s1 =	sshrl.u32 s1, $0x2;
	s0 =	sadd.s32 $0x3888, s0  }
0x1f0: {  	s24 =	simm.s32 $0x0;
	s22 =	simm.s32 @p2 $0x1B0;
	s23 =	sadd.s32 $0x40F8, s1;
	v1 =	vmov s0  }
.LBB2_3:
0x1f1: {  	p2 =	sge.s32 s24, s22  }
.Ltmp4:
0x1f2: {  	_ = 	snop;
	(pc) =	sbr.rel @p2 .LBB2_7-.Ltmp4, $2  }
0x1f3: {  	_ =	sdelay $0x2  }
0x1f4: {  	s23 =	sadd.s32 $0x800, s23  }
.LBB2_4:
0x1f5: {  	p2 =	sle.s32 s22, s24  }
.Ltmp5:
0x1f6: {  	_ = 	snop;
	(pc) =	sbr.rel @p2 .LBB2_3-.Ltmp5, $2  }
0x1f7: {  	_ =	sdelay $0x2  }
0x1f8: {  	s0 =	smov.u32 s24;
	s24 =	sadd.s32 $0x10, s24  }
0x1f9: {  	s1 =	ssub.s32 s22, s0  }
0x1fa: {  	p2 =	slt.s32 s1, $0x10  }
0x1fb: {  	s1 =	simm.s32 @!p2 $0x10  }
0x1fc: {  	v2 =	vmov s1  }
0x1fd: {  	vm0 =	vgt.s32 v2, v0;
	_ =	sdelay $0x5  }
0x1fe: {  	v2 =	vld.idx.msk [tilespmem:v1+s0+$0x0 ss:$0x1], vm0;
	_ =	sdelay $0x2  }
0x1ff: {  	p2 =	slt.s32 s24, s22;
	s1 =	smov.u32 s22  }
0x200: {  	s2 =	smov.u32 s23;
	s25 =	simm.s32 $0x0;
	s1 =	smov.u32 @p2 s24  }
.LBB2_6:
0x201: {  	(v2sf) =	vpush v2, s25;
	_ =	sdelay $0xc  }
0x202: {  	s25 =	sadd.s32 $0x1, s25  }
0x203: {  	s31 =	sadd.s32 s25, s0  }
0x204: {  	p2 =	slt.s32 s31, s1;
	s5 =	spop (v2sf)  }
.Ltmp6:
0x205: {  	s5 =	sshll.u32 s5, $0x4;
	(pc) =	sbr.rel @p2 .LBB2_6-.Ltmp6, $4  }
0x206: {  	s5 =	sand.u32 $0x1FFFFFF0, s5  }
0x207: {  	s5 =	sadd.s32 s11, s5  }
0x208: {  	[tilespmem:s2], [sflag:$0x9] =	stream.linear.gather [hbm4b:s5+s16], $0x10, $0x38;
	[tilespmem:$0x1F0F8] =	vst v63  }
0x209: {  	s2 =	sadd.s32 $0x80, s2  }
.Ltmp7:
0x20a: {  	_ = 	snop;
	(pc) =	sbr.rel .LBB2_3-.Ltmp7, $1  }
0x20b: {  	_ =	sdelay $0x3  }
.LBB2_7:
0x20c: {  	p2 =	slt.u32 s20, $0x2  }
.Ltmp8:
0x20d: {  	_ = 	snop;
	(pc) =	sbr.rel @p2 .LBB2_20-.Ltmp8, $1  }
0x20e: {  	_ =	sdelay $0x3  }
0x20f: {  	p2 =	sgt.s32 s21, $0x63E50  }
0x210: {  	s0 =	smov.u32 s21;
	s1 =	sshra.s32 s21, $0x1F;
	s2 =	ssub.s32 $0x64000, s21  }
0x211: {  	s0 =	simm.s32 @!p2 $0x63E50;
	s1 =	sand.u32 s1, s21;
	p2 =	slt.s32 s2, $0x1B0  }
0x212: {  	s0 =	ssub.s32 s0, s1;
	s2 =	simm.s32 @!p2 $0x1B0  }
0x213: {  	s0 =	sadd.s32 $0xFFF9C1B0, s0;
	s24 =	sshll.u32 s2, $0x4  }
0x214: {  	s28 =	simm.s32 $0x9;
	s25 =	sshll.u32 s0, $0x2;
	s1 =	sand.u32 $0x3FFFFFF0, s24  }
0x215: {  	p2 =	sgt.s32 s0, $0x1AF;
	s26 =	ssub.s32 $0x6C0, s25;
	_ =	swait.ge [sflag:s28], s1  }
0x216: {  	s1 =	ssub.s32 $0x0, s1;
	[sflag:s28] =	ssyncset.done $0x0;
	s0 =	sshrl.u32 s26, $0x2  }
0x217: {  	s30 =	simm.s32 $0xB;
	[sflag:s28] =	ssyncadd.s32 s1;
	s0 =	simm.s32 @p2 $0x0  }
0x218: {  	_ =	swait.ge [sflag:s30], s0  }
0x219: {  	s0 =	ssub.s32 $0x0, s0;
	[sflag:s30] =	ssyncset.done $0x0  }
0x21a: {  	[sflag:s30] =	ssyncadd.s32 s0  }
0x21b: {  	v1 =	vld [tilespmem:$0x3648];
	_ =	sdelay $0x4  }
0x21c: {  	(v2sf) =	vpush v1, $0x0  }
0x21d: {  	(v2sf) =	vpush v1, $0x1  }
0x21e: {  	(v2sf) =	vpush v1, $0x2;
	_ =	sdelay $0x3  }
0x21f: {  	s0 =	sadd.s32 $0x1B0, s21  }
0x220: {  	s1 =	ssub.s32 $0xC8000, s21;
	p2 =	slt.s32 s7, s0  }
0x221: {  	s0 =	smov.u32 @p2 s7;
	p2 =	sgt.s32 s1, $0x0  }
0x222: {  	s25 =	ssub.s32 s0, s21;
	s1 =	simm.s32 @!p2 $0x0  }
0x223: {  	p2 =	slt.s32 s1, s25  }
0x224: {  	s25 =	smov.u32 @p2 s1  }
0x225: {  	s24 =	simm.s32 $0x1;
	p2 =	slt.s32 s25, $0x1  }
.Ltmp9:
0x226: {  	s24 =	simm.s32 @!p4 $0x0;
	(pc) =	sbr.rel @p2 .LBB2_12-.Ltmp9, $4  }
0x227: {  	s31 =	smul.u32 $0x6C0, s24  }
0x228: {  	s26 =	spop (v2sf)  }
0x229: {  	s0 =	sshrl.u32 s31, $0x2;
	s29 =	spop (v2sf)  }
0x22a: {  	s22 =	sadd.s32 $0x3D98, s0;
	s21 =	spop (v2sf)  }
0x22b: {  	s0 =	smin.u32 s25, $0x10  }
0x22c: {  	v1 =	vmov s0  }
0x22d: {  	p3 =	sgt.s32 s25, $0x10;
	vm1 =	vgt.u32 v1, v0  }
.Ltmp10:
0x22e: {  	_ = 	snop;
	(pc) =	sbr.rel @!p3 .LBB2_11-.Ltmp10, $2  }
0x22f: {  	_ =	sdelay $0x2  }
0x230: {  	s23 =	simm.s32 $0x10;
	s28 =	sadd.s32 $0xFFFFFFF0, s25;
	s0 =	smov.u32 s22;
	vm0 =	vmmov vm1  }
.LBB2_10:
0x231: {  	s1 =	smin.u32 s28, $0x10;
	s23 =	sadd.s32 $0x10, s23;
	v1 =	vld.msk [tilespmem:s0+$0x0 ss:$0x1], vm1  }
0x232: {  	v2 =	vmov s1;
	p3 =	slt.s32 s23, s25  }
0x233: {  	vm1 =	vgt.u32 v2, v0  }
.Ltmp11:
0x234: {  	(pc) =	sbr.rel @p3 .LBB2_10-.Ltmp11, $3  }
0x235: {  	_ =	sdelay $0x1  }
0x236: {  	v1 =	vshll.u32 v1, $0x4  }
0x237: {  	s28 =	sadd.s32 $0xFFFFFFF0, s28;
	[tilespmem:s0+$0x0] =	vst.msk vm0, v1;
	s0 =	sadd.s32 $0x10, s0;
	vm0 =	vmmov vm1  }
.LBB2_11:
0x238: {  	_ =	sdelay $0x4  }
0x239: {  	v1 =	vld.msk [tilespmem:s0+$0x0 ss:$0x1], vm1;
	_ =	sdelay $0x4  }
0x23a: {  	v1 =	vshll.u32 v1, $0x4  }
0x23b: {  	[tilespmem:s0+$0x0] =	vst.msk vm0, v1  }
.LBB2_12:
0x23c: {  	s0 =	sand.u32 $0x1, s20  }
0x23d: {  	s0 =	smul.u32 $0x1B0, s0  }
0x23e: {  	p3 =	sne.s32 s29, $0xFFFFFFFF  }
0x23f: {  	v1 =	vld.msk @!p3 [tilespmem:s0+$0x3D98], $0x1;
	_ =	sdelay $0x4  }
0x240: {  	(v2sf) =	vpush @!p3 v1, $0x0;
	_ =	sdelay $0xc  }
.Ltmp12:
0x241: {  	_ = 	snop;
	(pc) =	sbr.rel @p2 .LBB2_18-.Ltmp12, $4  }
0x242: {  	_ = 	snop  }
0x243: {  	s28 =	spop @!p3 (v2sf)  }
0x244: {  	s21 =	simm.s32 @!p3 $0x0;
	s23 =	smov.u32 s28  }
0x245: {  	[sflag:s17] =	ssyncpa.u1 $0x0;
	s28 =	smov.u32 @p3 s26;
	s23 =	smov.u32 @p3 s29  }
0x246: {  	v1 =	vld.msk [tilespmem:s22+$0x0], $0x1;
	_ =	sdelay $0x4  }
0x247: {  	(v2sf) =	vpush v1, $0x0;
	_ =	sdelay $0xe  }
0x248: {  	s0 =	simm.s32 @!p4 $0x0;
	s26 =	smul.u32 $0x36000, s24;
	s31 =	spop (v2sf)  }
0x249: {  	s29 =	ssub.s32 $0x0, s25;
	s0 =	simm.s32 @p4 $0x1;
	p2 =	seq.s32 s28, s31  }
0x24a: {  	s1 =	smov.u32 s28;
	[smem:$0x7FD] =	sst s0;
	p3 =	sgt.s32 @!p2 s28, $0x0  }
0x24b: {  	s0 =	sshrl.u32 s26, $0x2;
	s26 =	sadd.s32 $0x1, s29;
	p3 =	por !p3, p2  }
0x24c: {  	s1 =	simm.s32 @p3 $0x0;
	p3 =	seq.s32 s26, $0x0  }
.Ltmp13:
0x24d: {  	_ = 	snop;
	(pc) =	sbr.rel @p3 .LBB2_15-.Ltmp13, $4  }
0x24e: {  	s6 =	smov.u32 s4;
	s25 =	simm.s32 $0x0  }
0x24f: {  	s24 =	sadd.s32 $0x40F8, s0;
	s0 =	simm.s32 @!p2 $0x1;
	s2 =	smin.u32 @!p2 s1, $0xF423FE  }
0x250: {  	s30 =	sadd.s32 $0x1, s22;
	s0 =	smov.u32 @p2 s25;
	s5 =	sand.u32 @!p2 $0xFFFFF8, s2  }
0x251: {  	s1 =	simm.s32 @!p2 $0x1B38;
	s2 =	sand.u32 @!p2 $0x7, s2;
	s5 =	sadd.s32 @!p2 s3, s5  }
.LBB2_14:
0x252: {  	s4 =	smov.u32 s0  }
0x253: {  	[tilespmem:s1], [sflag:$0x2] =	stream.linear.gather @!p2 [hbm4b:s5+s2], $0x10, $0x38;
	[tilespmem:$0x1F0F8] =	vst v63  }
0x254: {  	s26 =	sadd.s32 $0x1, s26;
	s2 =	smov.u32 s31;
	v1 =	vld.msk [tilespmem:s30+$0x0], $0x1  }
0x255: {  	p3 =	seq.s32 s26, $0x0;
	_ =	sdelay $0x3  }
0x256: {  	(v2sf) =	vpush v1, $0x0;
	_ =	sdelay $0xe  }
0x257: {  	s31 =	spop (v2sf)  }
0x258: {  	p2 =	seq.s32 s2, s31  }
0x259: {  	p4 =	sgt.s32 @!p2 s2, $0x0;
	s1 =	sshll.u32 @!p2 s0, $0x6;
	s0 =	sadd.s32 @!p2 $0x1, s0  }
.Ltmp14:
0x25a: {  	p4 =	por !p4, p2;
	s1 =	sshra.s32 @!p2 s1, $0x2;
	(pc) =	sbr.rel @!p3 .LBB2_14-.Ltmp14, $4  }
0x25b: {  	s0 =	smov.u32 @p2 s4;
	s2 =	simm.s32 @p4 $0x0;
	s1 =	sadd.s32 @!p2 $0x1B38, s1  }
0x25c: {  	s2 =	smin.u32 @!p2 s2, $0xF423FE  }
0x25d: {  	s4 =	sand.u32 @!p2 $0xFFFFF8, s2;
	s2 =	sand.u32 @!p2 $0x7, s2  }
0x25e: {  	s30 =	sadd.s32 $0x1, s30;
	s5 =	sadd.s32 @!p2 s3, s4  }
.LBB2_15:
0x25f: {  	[tilespmem:s1], [sflag:$0x2] =	stream.linear.gather @!p2 [hbm4b:s5+s2], $0x10, $0x38;
	[tilespmem:$0x1F0F8] =	vst v63  }
0x260: {  	s0 =	sshll.u32 s0, $0x4  }
0x261: {  	s31 =	simm.s32 $0x2;
	s0 =	sand.u32 $0x3FFFFFF0, s0  }
0x262: {  	_ =	swait.ge [sflag:s31], s0  }
0x263: {  	s0 =	ssub.s32 $0x0, s0;
	[sflag:s31] =	ssyncset.done $0x0  }
0x264: {  	[sflag:s31] =	ssyncadd.s32 s0  }
0x265: {  	v1 =	vld.msk [tilespmem:s22+$0x0], $0x1;
	_ =	sdelay $0x4  }
0x266: {  	(v2sf) =	vpush v1, $0x0;
	_ =	sdelay $0xe  }
0x267: {  	s26 =	spop (v2sf)  }
0x268: {  	p2 =	sne.s32 s28, s26  }
0x269: {  	p4 =	sne.s32 @p2 s28, s23  }
0x26a: {  	p3 =	por !p4, !p2  }
0x26b: {  	s0 =	simm.s32 @!p3 $0x0  }
0x26c: {  	v1 =	vld @!p3 [tilespmem:s0+$0x1B38]  }
0x26d: {  	p5 =	sgt.u32 @!p3 s28, $0xF423FE  }
0x26e: {  	s1 =	sshll.u32 @!p3 s21, $0x6;
	p6 =	por @p2 p5, !p4  }
0x26f: {  	s1 =	sshra.s32 @!p3 s1, $0x2;
	p1 =	por p6, !p2;
	p6 =	por p4, !p2  }
0x270: {  	s2 =	sadd.s32 @!p3 $0x28, s1;
	s4 =	sand.u32 @!p1 $0xFFFFF8, s28;
	s5 =	sshll.u32 @!p6 s21, $0x6  }
0x271: {  	s28 =	sand.u32 @!p1 $0x7, s28;
	[tilespmem:s1+$0x28] =	vst.add.f32.msk @!p3 $0xffff, v1;
	s1 =	sadd.s32 @!p1 s3, s4;
	s4 =	sshra.s32 @!p6 s5, $0x2  }
0x272: {  	[hbm4b:s1+s28] =	stream.linear.scatter @!p1 [tilespmem:s2], [sflag:$0xC], $0x10, $0x38;
	[tilespmem:$0x1F0F8] =	vst v63  }
0x273: {  	s0 =	rddreg [dreg:$0x4];
	s1 =	sadd.s32 @!p6 $0x28, s4;
	s2 =	simm.s32 @!p6 $0x1  }
0x274: {  	[spmem:s0] =	stream.linear.scatter @!p6 [tilespmem:s1], [sflag:$0x1], $0x10, $0x38;
	[tilespmem:$0x1F0F8] =	vst v63  }
0x275: {  	s0 =	sadd.s32 @p2 $0x1, s21;
	_ =	swait.ge @!p6 [sflag:s2], $0x10  }
0x276: {  	s1 =	sshrl.u32 @p2 s0, $0x4;
	[sflag:s2] =	ssyncset.done @!p6 $0x0  }
0x277: {  	s1 =	smulhi.u32 @p2 $0x97B425F, s1;
	[sflag:s2] =	ssyncadd.s32 @!p6 $0xFFFFFFF0  }
0x278: {  	s28 =	sadd.s32 $0x1, s29;
	v1 =	vld @p2 [tilespmem:s24+$0x0]  }
0x279: {  	p1 =	por @p2 !p5, !p4;
	p4 =	seq.s32 s28, $0x0;
	s1 =	smul.u32 @p2 $0x1B0, s1  }
.Ltmp15:
0x27a: {  	p1 =	por !p1, !p2;
	s2 =	simm.s32 @!p3 $0x0;
	(pc) =	sbr.rel @p4 .LBB2_17-.Ltmp15, $4  }
0x27b: {  	s4 =	sshll.u32 @!p2 s21, $0x6;
	s2 =	simm.s32 @!p1 $0x40;
	s0 =	ssub.s32 @p2 s0, s1  }
0x27c: {  	s29 =	simm.s32 $0x0;
	s2 =	sadd.s32 @!p3 $0x0, s2;
	s5 =	sshll.u32 @p2 s0, $0x4  }
0x27d: {  	s30 =	sshra.s32 @!p2 s4, $0x2;
	s1 =	simm.s32 @p2 $0x1;
	s2 =	smov.u32 @p3 s25;
	[tilespmem:s5+$0x28] =	vst @p2 v1  }
0x27e: {  	s21 =	smov.u32 @p2 s0;
	s29 =	smov.u32 @p2 s2;
	s25 =	smov.u32 @p2 s1;
	v1 =	vld @!p2 [tilespmem:s24+$0x0]  }
.LBB2_16:
0x27f: {  	_ =	sdelay $0x3  }
0x280: {  	s22 =	sadd.s32 $0x1, s22;
	[tilespmem:s30+$0x28] =	vst.add.f32.msk @!p2 $0xffff, v1  }
0x281: {  	v1 =	vld.msk [tilespmem:s22+$0x0], $0x1;
	_ =	sdelay $0x4  }
0x282: {  	(v2sf) =	vpush v1, $0x0;
	_ =	sdelay $0xe  }
0x283: {  	s0 =	smov.u32 s26;
	s26 =	spop (v2sf)  }
0x284: {  	p2 =	sne.s32 s0, s26  }
0x285: {  	p5 =	sne.s32 @p2 s0, s23  }
0x286: {  	s4 =	sshll.u32 @!p2 s21, $0x6;
	p4 =	por !p5, !p2  }
0x287: {  	s30 =	sshra.s32 @!p2 s4, $0x2;
	s4 =	sshll.u32 @!p4 s25, $0x6  }
0x288: {  	s4 =	sshra.s32 @!p4 s4, $0x2  }
0x289: {  	p1 =	sgt.u32 @!p4 s0, $0xF423FE;
	v1 =	vld @!p4 [tilespmem:s4+$0x1B38]  }
0x28a: {  	s31 =	sshll.u32 @!p4 s21, $0x6;
	p6 =	por @p2 p1, !p5;
	p1 =	por @p2 !p1, !p5  }
0x28b: {  	s8 =	simm.s32 @!p4 $0x0;
	s31 =	sshra.s32 @!p4 s31, $0x2;
	p1 =	por !p1, !p2  }
0x28c: {  	p5 =	por p5, !p2;
	s8 =	simm.s32 @!p1 $0x40;
	p1 =	por p6, !p2  }
0x28d: {  	s4 =	sadd.s32 @!p4 $0x28, s31;
	s13 =	sshll.u32 @!p5 s21, $0x6;
	s10 =	sand.u32 @!p1 $0xFFFFF8, s0  }
0x28e: {  	s13 =	sshra.s32 @!p5 s13, $0x2;
	s0 =	sand.u32 @!p1 $0x7, s0;
	s10 =	sadd.s32 @!p1 s3, s10;
	[tilespmem:s31+$0x28] =	vst.add.f32.msk @!p4 $0xffff, v1  }
0x28f: {  	[hbm4b:s10+s0] =	stream.linear.scatter @!p1 [tilespmem:s4], [sflag:$0xC], $0x10, $0x38;
	[tilespmem:$0x1F0F8] =	vst v63  }
0x290: {  	s1 =	rddreg [dreg:$0x4];
	s0 =	sadd.s32 @!p5 $0x28, s13;
	s4 =	simm.s32 @!p5 $0x1  }
0x291: {  	[spmem:s1] =	stream.linear.scatter @!p5 [tilespmem:s0], [sflag:$0x1], $0x10, $0x38;
	[tilespmem:$0x1F0F8] =	vst v63  }
0x292: {  	s2 =	sadd.s32 @p2 $0x1, s21;
	_ =	swait.ge @!p5 [sflag:s4], $0x10  }
0x293: {  	s5 =	sshrl.u32 @p2 s2, $0x4;
	[sflag:s4] =	ssyncset.done @!p5 $0x0  }
0x294: {  	s24 =	sadd.s32 $0x80, s24;
	s5 =	smulhi.u32 @p2 $0x97B425F, s5;
	[sflag:s4] =	ssyncadd.s32 @!p5 $0xFFFFFFF0  }
0x295: {  	s28 =	sadd.s32 $0x1, s28;
	v1 =	vld @p2 [tilespmem:s24+$0x0]  }
0x296: {  	p3 =	seq.s32 s28, $0x0;
	s5 =	smul.u32 @p2 $0x1B0, s5  }
.Ltmp16:
0x297: {  	_ = 	snop;
	(pc) =	sbr.rel @!p3 .LBB2_16-.Ltmp16, $4  }
0x298: {  	s2 =	ssub.s32 @p2 s2, s5  }
0x299: {  	s8 =	sadd.s32 @!p4 s8, s29;
	s5 =	sshll.u32 @p2 s2, $0x4  }
0x29a: {  	s9 =	sadd.s32 @p2 $0x1, s25;
	s8 =	smov.u32 @p4 s29;
	[tilespmem:s5+$0x28] =	vst @p2 v1  }
0x29b: {  	s25 =	smov.u32 @p2 s9;
	s21 =	smov.u32 @p2 s2;
	s29 =	smov.u32 @p2 s8;
	v1 =	vld @!p2 [tilespmem:s24+$0x0]  }
.LBB2_17:
.Ltmp17:
0x29c: {  	_ = 	snop;
	(pc) =	sbr.rel .LBB2_19-.Ltmp17, $3  }
0x29d: {  	s1 =	sld [smem:$0x7FD];
	_ =	sdelay $0x1  }
0x29e: {  	s0 =	sshrl.u32 s29, $0x2;
	s28 =	smov.u32 s26  }
0x29f: {  	s4 =	smov.u32 s6;
	s6 =	rddreg [dreg:$0x6];
	p4 =	seq.s32 s1, $0x1;
	[tilespmem:s30+$0x28] =	vst.add.f32.msk @!p2 $0xffff, v1  }
.LBB2_21:
0x2a0: {  	_ =	sfence.sel $0x180000  }
0x2a1: {  	s0 =	simm.s32 $0x9;
	[bflag:$0x0] =	sbarrier.arrive $0xFFFF  }
0x2a2: {  	s24 =	simm.s32 $0xA;
	[sflag:s0] =	ssyncpa.u1 $0x1  }
0x2a3: {  	s25 =	simm.s32 $0xB;
	[sflag:s24] =	ssyncpa.u1 $0x1  }
0x2a4: {  	s26 =	simm.s32 $0x2;
	[sflag:s25] =	ssyncpa.u1 $0x1  }
0x2a5: {  	[sflag:s26] =	ssyncpa.u1 $0x1  }
0x2a6: {  	v0 =	vld [tilespmem:$0x3648];
	_ =	sdelay $0x4  }
0x2a7: {  	(v2sf) =	vpush v0, $0x0  }
0x2a8: {  	(v2sf) =	vpush v0, $0x1;
	_ =	sdelay $0x1  }
0x2a9: {  	(v2sf) =	vpush v0, $0x2;
	_ =	sdelay $0xb  }
0x2aa: {  	s0 =	spop (v2sf)  }
0x2ab: {  	s1 =	spop (v2sf)  }
0x2ac: {  	s2 =	smov.u32 s0;
	p0 =	sne.s32 s0, s1  }
0x2ad: {  	s4 =	spop (v2sf);
	s2 =	simm.s32 @!p0 $0xFFFFFFFF  }
0x2ae: {  	v2 =	vimm.s32 $0x1;
	v3 =	vlaneseq.u32;
	p0 =	seq.s32 s4, $0xFFFFFFFF;
	v1 =	vmov s2  }
0x2af: {  	s16 =	stileid.u32;
	v0 =	vperm.xlane v0, v2;
	p1 =	sne.s32 @!p0 s0, s1;
	v1 =	vperm.xlane v1, v3  }
0x2b0: {  	vm0 =	vcmask $0x3F04;
	s6 =	simm.s32 $0x3648;
	s0 =	simm.s32 @!p0 $0x1;
	p1 =	por !p1, p0  }
0x2b1: {  	s2 =	sshll.u32 s16, $0x1;
	s1 =	sshll.u32 @!p0 s4, $0x6;
	s0 =	simm.s32 @p1 $0x0;
	v0 =	vsel vm0, v1, v0  }
0x2b2: {  	s5 =	sor.u32 $0x200, s2;
	s1 =	sshra.s32 @!p0 s1, $0x2;
	s0 =	sor.u32 @!p0 s0, s2;
	[tilespmem:$0x3648] =	vst v0  }
0x2b3: {  	[spmem:s5] =	stream.linear.scatter [tilespmem:s6], [sflag:$0x1], $0x2, $0x38;
	[tilespmem:$0x1F0F8] =	vst v63  }
0x2b4: {  	s1 =	sadd.s32 @!p0 $0x28, s1;
	s0 =	sshll.u32 @!p0 s0, $0x4  }
0x2b5: {  	[spmem:s0] =	stream.linear.scatter @!p0 [tilespmem:s1], [sflag:$0x1], $0x10, $0x38;
	[tilespmem:$0x1F0F8] =	vst v63  }
0x2b6: {  	s0 =	simm.s32 @!p0 $0x12  }
0x2b7: {  	s28 =	simm.s32 $0x1;
	s0 =	simm.s32 @p0 $0x2  }
0x2b8: {  	_ =	swait.ge [sflag:s28], s0  }
0x2b9: {  	s0 =	ssub.s32 $0x0, s0;
	[sflag:s28] =	ssyncset.done $0x0  }
0x2ba: {  	p0 =	sne.s32 s16, $0x0;
	[sflag:s28] =	ssyncadd.s32 s0  }
.Ltmp18:
0x2bb: {  	_ =	sfence.stream.spmem;
	(pc) =	sbr.rel @p0 .LBB2_38-.Ltmp18, $4  }
0x2bc: {  	s29 =	simm.s32 $0x3;
	[bflag:$0x0] =	sbarrier.arrive $0xFFFF  }
0x2bd: {  	s30 =	simm.s32 $0x4;
	[sflag:s29] =	ssyncpa.u1 $0x1  }
0x2be: {  	s31 =	simm.s32 $0x3C;
	[sflag:s30] =	ssyncpa.u1 $0x1  }
0x2bf: {  	s17 =	rddreg [dreg:$0x5];
	[sflag:s31] =	ssyncpa.u1 $0x1  }
0x2c0: {  	_ =	sfence.stream.spmem;
	s0 =	simm.s32 $0x5  }
0x2c1: {  	s1 =	simm.s32 $0x200;
	s2 =	simm.s32 $0x3658;
	[sflag:s0] =	ssyncpa.u1 $0x0  }
0x2c2: {  	[tilespmem:s2], [sflag:$0x5] =	stream.linear.gather [spmem:s1], $0x20, $0x38;
	[tilespmem:$0x1F0F8] =	vst v63  }
0x2c3: {  	s26 =	simm.s32 $0x0;
	s28 =	simm.s32 $0x3678  }
0x2c4: {  	[tilespmem:s28], [sflag:$0x5] =	stream.linear.gather [spmem:s26], $0x200, $0x38;
	[tilespmem:$0x1F0F8] =	vst v63  }
0x2c5: {  	_ =	swait.ge [sflag:s0], $0x220  }
0x2c6: {  	[sflag:s0] =	ssyncset.done $0x0  }
0x2c7: {  	s29 =	simm.s32 $0x0;
	[sflag:s0] =	ssyncadd.s32 $0xFFFFFDE0  }
0x2c8: {  	v0 =	vld.msk [tilespmem:s29+$0x3658], $0x1;
	_ =	sdelay $0x1  }
0x2c9: {  	s30 =	simm.s32 $0x1  }
0x2ca: {  	v1 =	vld.msk [tilespmem:s30+$0x3658], $0x1;
	_ =	sdelay $0x1  }
0x2cb: {  	(v2sf) =	vpush v0, $0x0;
	_ =	sdelay $0x2  }
0x2cc: {  	(v2sf) =	vpush v1, $0x0;
	_ =	sdelay $0x2  }
0x2cd: {  	s31 =	simm.s32 $0x2  }
0x2ce: {  	v0 =	vld.msk [tilespmem:s31+$0x3658], $0x1;
	_ =	sdelay $0x2  }
0x2cf: {  	s6 =	simm.s32 $0xFFFFFFFF;
	s1 =	simm.s32 $0xFFFFFFFF;
	s0 =	simm.s32 $0xC  }
.LBB2_23:
0x2d0: {  	s2 =	smov.u32 s6;
	s4 =	smov.u32 s1  }
0x2d1: {  	s1 =	sshra.s32 s0, $0x2;
	p1 =	sne.s32 s0, $0x7C;
	s0 =	sadd.s32 $0x4, s0;
	(v2sf) =	vpush v0, $0x0  }
0x2d2: {  	v0 =	vld.msk [tilespmem:s1+$0x3658], $0x1  }
.Ltmp19:
0x2d3: {  	(pc) =	sbr.rel @p1 .LBB2_23-.Ltmp19, $4  }
0x2d4: {  	s6 =	spop (v2sf)  }
0x2d5: {  	p2 =	sne.s32 s4, $0xFFFFFFFF;
	s1 =	smov.u32 s6  }
0x2d6: {  	p3 =	seq.s32 s6, $0xFFFFFFFF;
	s1 =	smov.u32 @p2 s4  }
0x2d7: {  	s6 =	smov.u32 @p3 s2;
	s1 =	smov.u32 @p3 s4  }
0x2d8: {  	(v2sf) =	vpush v0, $0x0;
	_ =	sdelay $0x8  }
0x2d9: {  	s0 =	spop (v2sf)  }
0x2da: {  	p1 =	sne.s32 s1, $0xFFFFFFFF;
	s2 =	smov.u32 s0  }
0x2db: {  	s9 =	simm.s32 $0x6;
	p2 =	seq.s32 s0, $0xFFFFFFFF;
	s2 =	smov.u32 @p1 s1  }
0x2dc: {  	s10 =	simm.s32 $0x3638;
	s2 =	smov.u32 @p2 s1;
	s1 =	spop (v2sf)  }
0x2dd: {  	s0 =	smov.u32 @p2 s6;
	p1 =	sne.s32 s2, $0xFFFFFFFF;
	s4 =	smov.u32 s1  }
.Ltmp20:
0x2de: {  	p2 =	seq.s32 s1, $0xFFFFFFFF;
	s4 =	smov.u32 @p1 s2;
	(pc) =	sbr.rel .LBB2_25-.Ltmp20, $4  }
0x2df: {  	s11 =	simm.s32 $0x0;
	s4 =	smov.u32 @p2 s2;
	s7 =	spop (v2sf)  }
0x2e0: {  	[sflag:s9] =	ssyncpa.u1 $0x0;
	p1 =	sne.s32 s4, $0xFFFFFFFF;
	s8 =	smov.u32 s7  }
0x2e1: {  	s1 =	smov.u32 @p2 s0;
	p2 =	seq.s32 s7, $0xFFFFFFFF;
	s8 =	smov.u32 @p1 s4  }
0x2e2: {  	s6 =	simm.s32 $0x0;
	s7 =	smov.u32 @p2 s1;
	s8 =	smov.u32 @p2 s4  }
.LBB2_30:
0x2e3: {  	p1 =	sgt.u32 s12, $0xF423FE  }
0x2e4: {  	p2 =	seq.s32 @!p1 s12, s8  }
0x2e5: {  	p1 =	por p1, p2  }
0x2e6: {  	p2 =	sne.s32 @!p1 s12, s7  }
0x2e7: {  	p1 =	por p1, !p2  }
0x2e8: {  	s0 =	sshll.u32 @p1 s11, $0x6  }
0x2e9: {  	s0 =	sand.u32 @!p1 $0xFFFFF8, s12  }
0x2ea: {  	s1 =	sand.u32 @!p1 $0x7, s12;
	s0 =	sadd.s32 @!p1 s3, s0  }
0x2eb: {  	[tilespmem:s10], [sflag:$0x6] =	stream.linear.gather @!p1 [hbm4b:s0+s1], $0x10, $0x38;
	[tilespmem:$0x1F0F8] =	vst v63  }
0x2ec: {  	_ =	swait.ge @!p1 [sflag:s9], $0x10  }
0x2ed: {  	[sflag:s9] =	ssyncset.done @!p1 $0x0  }
0x2ee: {  	[sflag:s9] =	ssyncadd.s32 @!p1 $0xFFFFFFF0  }
0x2ef: {  	v1 =	vld @!p1 [tilespmem:$0x3638];
	_ =	sdelay $0x2  }
0x2f0: {  	s0 =	sshll.u32 @!p1 s11, $0x6  }
0x2f1: {  	s1 =	sshrl.u32 @!p1 s0, $0x2  }
0x2f2: {  	[tilespmem:s1+$0x3678] =	vst.add.f32.msk @!p1 $0xffff, v1  }
0x2f3: {  	s0 =	sshrl.u32 s0, $0x2;
	[tilespmem:s6+$0x3658] =	vst.msk $0x1, v0  }
0x2f4: {  	v0 =	vld [tilespmem:s0+$0x3678];
	_ =	sdelay $0x2  }
0x2f5: {  	s31 =	sshll.u32 s6, $0x6  }
0x2f6: {  	s0 =	sshra.s32 s31, $0x2  }
0x2f7: {  	s6 =	sadd.s32 $0x1, s6;
	[tilespmem:s0+$0x3678] =	vst v0  }
.LBB2_32:
0x2f8: {  	s11 =	sadd.s32 $0x1, s11  }
0x2f9: {  	p1 =	sne.s32 s11, $0x20  }
.Ltmp21:
0x2fa: {  	_ = 	snop;
	(pc) =	sbr.rel @!p1 .LBB2_33-.Ltmp21, $1  }
0x2fb: {  	_ =	sdelay $0x3  }
.LBB2_25:
0x2fc: {  	v0 =	vld.msk [tilespmem:s11+$0x3658], $0x1;
	_ =	sdelay $0x4  }
0x2fd: {  	(v2sf) =	vpush v0, $0x0;
	_ =	sdelay $0xe  }
0x2fe: {  	s12 =	spop (v2sf)  }
0x2ff: {  	p1 =	seq.s32 s12, $0xFFFFFFFF  }
.Ltmp22:
0x300: {  	_ = 	snop;
	(pc) =	sbr.rel @p1 .LBB2_32-.Ltmp22, $1  }
0x301: {  	_ =	sdelay $0x3  }
0x302: {  	p1 =	slt.s32 s6, $0x1  }
.Ltmp23:
0x303: {  	_ = 	snop;
	(pc) =	sbr.rel @p1 .LBB2_30-.Ltmp23, $1  }
0x304: {  	_ =	sdelay $0x3  }
0x305: {  	s13 =	simm.s32 $0x3658;
	p1 =	por $0x0, $0x0  }
0x306: {  	v1 =	vld.msk @!p1 [tilespmem:s13+$0x0], $0x1;
	_ =	sdelay $0x4  }
0x307: {  	(v2sf) =	vpush @!p1 v1, $0x0;
	_ =	sdelay $0xd  }
0x308: {  	p3 =	sne.s32 s6, $0x1  }
.Ltmp24:
0x309: {  	s0 =	spop @!p1 (v2sf);
	(pc) =	sbr.rel @!p3 .LBB2_29-.Ltmp24, $4  }
0x30a: {  	p2 =	seq.s32 @!p1 s12, s0  }
0x30b: {  	s14 =	simm.s32 $0x0;
	p2 =	por !p2, p1  }
0x30c: {  	s0 =	simm.s32 $0xFFFFFFFF;
	s14 =	simm.s32 @p2 $0xFFFFFFFF  }
0x30d: {  	s15 =	simm.s32 $0x1;
	s14 =	smov.u32 @p1 s0  }
.LBB2_28:
0x30e: {  	s0 =	smov.u32 s14;
	p1 =	sne.s32 s14, $0xFFFFFFFF  }
0x30f: {  	s13 =	sadd.s32 $0x1, s13;
	s14 =	smov.u32 s15;
	s15 =	sadd.s32 $0x1, s15  }
0x310: {  	p2 =	sne.s32 s6, s15;
	v1 =	vld.msk @!p1 [tilespmem:s13+$0x0], $0x1;
	_ =	sdelay $0x4  }
0x311: {  	(v2sf) =	vpush @!p1 v1, $0x0;
	_ =	sdelay $0xe  }
.Ltmp25:
0x312: {  	s1 =	spop @!p1 (v2sf);
	(pc) =	sbr.rel @p2 .LBB2_28-.Ltmp25, $4  }
0x313: {  	p3 =	seq.s32 @!p1 s12, s1  }
0x314: {  	p3 =	por !p3, p1  }
0x315: {  	s14 =	simm.s32 @p3 $0xFFFFFFFF  }
0x316: {  	s14 =	smov.u32 @p1 s0  }
.LBB2_29:
0x317: {  	p1 =	sne.s32 s14, $0xFFFFFFFF  }
.Ltmp26:
0x318: {  	_ = 	snop;
	(pc) =	sbr.rel @!p1 .LBB2_30-.Ltmp26, $1  }
0x319: {  	_ =	sdelay $0x3  }
0x31a: {  	s0 =	sshll.u32 s11, $0x4  }
0x31b: {  	s0 =	sand.u32 $0x3FFFFFF0, s0  }
0x31c: {  	v0 =	vld [tilespmem:s0+$0x3678]  }
.Ltmp27:
0x31d: {  	_ = 	snop;
	(pc) =	sbr.rel .LBB2_32-.Ltmp27, $4  }
0x31e: {  	_ = 	snop  }
0x31f: {  	s31 =	sshll.u32 s14, $0x6  }
0x320: {  	s0 =	sshra.s32 s31, $0x2  }
0x321: {  	[tilespmem:s0+$0x3678] =	vst.add.f32.msk $0xffff, v0  }
.LBB2_33:
0x322: {  	s0 =	simm.s32 $0x6;
	p1 =	seq.s32 s6, $0x0  }
0x323: {  	[sflag:s0] =	ssyncpa.u1 $0x1;
	v0 =	vimm.s32 @p1 $0xFFFFFFFF  }
0x324: {  	s9 =	sadd.s32 $0xFFFFFFFF, s6;
	[tilespmem:$0x3878] =	vst @p1 v0  }
0x325: {  	v0 =	vld.msk @!p1 [tilespmem:s9+$0x3658], $0x1;
	_ =	sdelay $0x1  }
0x326: {  	v1 =	vld.msk @!p1 [tilespmem:$0x3658], $0x1;
	_ =	sdelay $0x2  }
0x327: {  	p2 =	seq.s32 @!p1 s9, $0x0;
	v0 =	vbroadcast @!p1 v0, $0x0  }
0x328: {  	vm0 =	vmmov @!p1 $0x1;
	p2 =	por !p2, p1  }
0x329: {  	v1 =	vnsel @!p1 vm0, $0xFFFFFFFF, v1;
	vm0 =	vcmask @!p1 $0x308;
	v0 =	vpsel !p2, $0xFFFFFFFF, v0  }
0x32a: {  	p2 =	sne.s32 @!p1 s8, s7;
	v0 =	vsel @!p1 vm0, v1, v0  }
0x32b: {  	s0 =	simm.s32 @!p1 $0x3678;
	s1 =	simm.s32 @!p1 $0x0;
	p3 =	por !p2, p1;
	[tilespmem:$0x3878] =	vst @!p1 v0  }
0x32c: {  	[spmem:s1] =	stream.linear.scatter @!p1 [tilespmem:s0], [sflag:$0x1], $0x10, $0x38;
	[tilespmem:$0x1F0F8] =	vst v63  }
0x32d: {  	s0 =	sshll.u32 @!p3 s9, $0x6  }
0x32e: {  	s0 =	sshra.s32 @!p3 s0, $0x2  }
0x32f: {  	s1 =	simm.s32 @!p3 $0x10;
	s0 =	sadd.s32 @!p3 $0x3678, s0  }
0x330: {  	[spmem:s1] =	stream.linear.scatter @!p3 [tilespmem:s0], [sflag:$0x1], $0x10, $0x38;
	[tilespmem:$0x1F0F8] =	vst v63  }
0x331: {  	s0 =	simm.s32 @!p3 $0x1  }
0x332: {  	_ =	swait.ge @!p3 [sflag:s0], $0x20  }
0x333: {  	p1 =	por p2, p1;
	[sflag:s0] =	ssyncset.done @!p3 $0x0  }
0x334: {  	[sflag:s0] =	ssyncadd.s32 @!p3 $0xFFFFFFE0;
	s0 =	simm.s32 @!p1 $0x1  }
0x335: {  	_ =	swait.ge @!p1 [sflag:s0], $0x10  }
0x336: {  	s29 =	simm.s32 $0x3878;
	[sflag:s0] =	ssyncset.done @!p1 $0x0  }
0x337: {  	s30 =	simm.s32 $0x200;
	s31 =	simm.s32 $0x1;
	[sflag:s0] =	ssyncadd.s32 @!p1 $0xFFFFFFF0  }
0x338: {  	[spmem:s30] =	stream.linear.scatter [tilespmem:s29], [sflag:$0x1], $0x10, $0x38;
	[tilespmem:$0x1F0F8] =	vst v63  }
0x339: {  	_ =	swait.ge [sflag:s31], $0x10  }
0x33a: {  	[sflag:s31] =	ssyncset.done $0x0  }
0x33b: {  	p1 =	seq.s32 s17, $0x0;
	s8 =	rddreg [dreg:$0x1];
	[sflag:s31] =	ssyncadd.s32 $0xFFFFFFF0  }
0x33c: {  	s1 =	sshll.u32 @p1 s8, $0xE;
	s7 =	rddreg [dreg:$0x2]  }
0x33d: {  	s0 =	sadd.s32 @p1 $0x15C3C, s1;
	s1 =	sshll.u32 @p1 s7, $0x11  }
0x33e: {  	_ =	sfence.stream.spmem;
	s0 =	sor.u32 @p1 s1, s0  }
0x33f: {  	[sflag:s0] =	ssyncadd.remote.s32 @p1 $0x1;
	s0 =	simm.s32 @p1 $0x4  }
0x340: {  	s2 =	simm.s32 @!p1 $0x3C;
	s1 =	sand.u32 $0xFFFFFFFE, s8;
	_ =	swait.ge @p1 [sflag:s0], $0x6  }
0x341: {  	s4 =	simm.s32 @!p1 $0x0;
	s1 =	sadd.s32 @!p1 $0x4, s1;
	[sflag:s0] =	ssyncset.done @p1 $0x0  }
0x342: {  	s5 =	simm.s32 @!p1 $0x20;
	[sflag:s0] =	ssyncadd.s32 @p1 $0xFFFFFFFA;
	s0 =	sshll.u32 @!p1 s1, $0x1A  }
0x343: {  	s1 =	sshll.u32 @!p1 s1, $0xD;
	s0 =	sor.u32 @!p1 s0, s7;
	_ =	swait.eq @!p1 [sflag:s2], $0x1  }
0x344: {  	s1 =	sor.u32 @!p1 $0x1C04, s1;
	s2 =	simm.s32 @!p1 $0x1C03;
	s0 =	sor.u32 @!p1 $0x80004000, s0  }
0x345: {  	[spmem:s5], [sflag:s1] =	dma.general @!p1 [spmem:s4], [sflag:s2], length:$0x4, [dreg:$0x0], stride_count:$0x0, ici_dest:s0, dma_misc:DstOpCode:WRITE  }
0x346: {  	p2 =	slt.s32 s9, $0x2;
	s4 =	simm.s32 @!p1 $0x40;
	s5 =	simm.s32 @!p1 $0x42  }
0x347: {  	[spmem:s5], [sflag:s1] =	dma.general @!p1 [spmem:s4], [sflag:s2], length:$0x2, [dreg:$0x0], stride_count:$0x0, ici_dest:s0, dma_misc:DstOpCode:WRITE  }
.Ltmp28:
0x348: {  	s0 =	simm.s32 @!p1 $0x3;
	(pc) =	sbr.rel @p2 .LBB2_37-.Ltmp28, $4  }
0x349: {  	s1 =	sshll.u32 @!p1 s8, $0xE;
	_ =	swait.ge @!p1 [sflag:s0], $0x6  }
0x34a: {  	s2 =	sshll.u32 @!p1 s7, $0x11;
	s1 =	sadd.s32 @!p1 $0x11C3C, s1;
	[sflag:s0] =	ssyncset.done @!p1 $0x0  }
0x34b: {  	[sflag:s0] =	ssyncadd.s32 @!p1 $0xFFFFFFFA;
	s0 =	sor.u32 @!p1 s2, s1  }
0x34c: {  	[sflag:s0] =	ssyncadd.remote.s32 @!p1 $0xFFFFFFFF;
	s0 =	simm.s32 $0x0  }
0x34d: {  	s0 =	simm.s32 $0x3659  }
0x34e: {  	v0 =	vld.msk [tilespmem:s0+$0x0], $0x1;
	_ =	sdelay $0x4  }
0x34f: {  	(v2sf) =	vpush v0, $0x0;
	_ =	sdelay $0xd  }
0x350: {  	s2 =	sadd.s32 $0xFFFFFFFE, s6  }
0x351: {  	s2 =	sadd.s32 $0xFFFFFFFF, s2;
	s0 =	spop (v2sf)  }
0x352: {  	p2 =	sne.s32 s2, $0x0;
	p1 =	sgt.u32 s0, $0xF423FE  }
.Ltmp29:
0x353: {  	s4 =	sand.u32 @!p1 $0xFFFFF8, s0;
	(pc) =	sbr.rel @!p2 .LBB2_36-.Ltmp29, $4  }
0x354: {  	s1 =	simm.s32 $0x3688;
	s0 =	sand.u32 @!p1 $0x7, s0;
	s4 =	sadd.s32 @!p1 s3, s4  }
0x355: {  	[hbm4b:s4+s0] =	stream.linear.scatter @!p1 [tilespmem:s1], [sflag:$0x5], $0x10, $0x38;
	[tilespmem:$0x1F0F8] =	vst v63  }
0x356: {  	s0 =	simm.s32 $0x0  }
0x357: {  	s6 =	simm.s32 $0x0;
	s7 =	simm.s32 $0x365A;
	s0 =	simm.s32 @!p1 $0x40  }
.LBB2_35:
0x358: {  	v0 =	vld.msk [tilespmem:s7+$0x0], $0x1;
	s2 =	sadd.s32 $0xFFFFFFFF, s2;
	s6 =	sadd.s32 s6, s0  }
0x359: {  	p1 =	sne.s32 s2, $0x0;
	_ =	sdelay $0x3  }
0x35a: {  	(v2sf) =	vpush v0, $0x0;
	_ =	sdelay $0xe  }
.Ltmp30:
0x35b: {  	s4 =	spop (v2sf);
	(pc) =	sbr.rel @p1 .LBB2_35-.Ltmp30, $4  }
0x35c: {  	s0 =	simm.s32 $0x0;
	p2 =	sgt.u32 s4, $0xF423FE  }
0x35d: {  	s1 =	sadd.s32 $0x10, s1;
	s0 =	simm.s32 @!p2 $0x40;
	s5 =	sand.u32 @!p2 $0xFFFFF8, s4  }
0x35e: {  	s7 =	sadd.s32 $0x1, s7;
	s4 =	sand.u32 @!p2 $0x7, s4;
	s5 =	sadd.s32 @!p2 s3, s5  }
0x35f: {  	[hbm4b:s5+s4] =	stream.linear.scatter @!p2 [tilespmem:s1], [sflag:$0x5], $0x10, $0x38;
	[tilespmem:$0x1F0F8] =	vst v63  }
.LBB2_36:
0x360: {  	s0 =	sadd.s32 s6, s0  }
0x361: {  	s0 =	sshrl.u32 s0, $0x2  }
.LBB2_37:
0x362: {  	s1 =	simm.s32 $0x5  }
0x363: {  	_ =	swait.ge [sflag:s1], s0  }
0x364: {  	s31 =	ssub.s32 $0x0, s0;
	[sflag:s1] =	ssyncset.done $0x0  }
0x365: {  	[sflag:s1] =	ssyncadd.s32 s31  }
0x366: {  	[sflag:s1] =	ssyncpa.u1 $0x1  }
.LBB2_38:
0x367: {  	s0 =	sor.u32 s17, s16  }
0x368: {  	p1 =	sne.s32 s0, $0x0  }
.Ltmp31:
0x369: {  	_ = 	snop;
	(pc) =	sbr.rel @p1 .LBB2_53-.Ltmp31, $3  }
0x36a: {  	_ =	sdelay $0x1  }
0x36b: {  	[bflag:$0x0] =	sbarrier.arrive $0xFFFF  }
0x36c: {  	_ =	sfence  }
0x36d: {  	s0 =	simm.s32 $0x7  }
0x36e: {  	s1 =	simm.s32 $0x200;
	s2 =	simm.s32 $0x3658;
	[sflag:s0] =	ssyncpa.u1 $0x0  }
0x36f: {  	[tilespmem:s2], [sflag:$0x7] =	stream.linear.gather [spmem:s1], $0x20, $0x38;
	[tilespmem:$0x1F0F8] =	vst v63  }
0x370: {  	s30 =	simm.s32 $0x3678;
	s1 =	simm.s32 $0x0  }
0x371: {  	[tilespmem:s30], [sflag:$0x7] =	stream.linear.gather [spmem:s1], $0x200, $0x38;
	[tilespmem:$0x1F0F8] =	vst v63  }
.Ltmp32:
0x372: {  	_ = 	snop;
	(pc) =	sbr.rel .LBB2_40-.Ltmp32, $4  }
0x373: {  	_ =	swait.ge [sflag:s0], $0x220  }
0x374: {  	[sflag:s0] =	ssyncset.done $0x0  }
0x375: {  	s31 =	simm.s32 $0x8;
	[sflag:s0] =	ssyncadd.s32 $0xFFFFFDE0  }
0x376: {  	s2 =	simm.s32 $0x0;
	[sflag:s31] =	ssyncpa.u1 $0x0  }
.LBB2_45:
0x377: {  	p1 =	slt.u32 s4, $0xF423FF  }
0x378: {  	s0 =	sand.u32 @p1 $0xFFFFF8, s4  }
0x379: {  	s4 =	sand.u32 @p1 $0x7, s4;
	s5 =	simm.s32 @p1 $0x3638;
	s0 =	sadd.s32 @p1 s3, s0  }
0x37a: {  	[tilespmem:s5], [sflag:$0x8] =	stream.linear.gather @p1 [hbm4b:s0+s4], $0x10, $0x38;
	[tilespmem:$0x1F0F8] =	vst v63  }
0x37b: {  	s0 =	simm.s32 @p1 $0x8  }
0x37c: {  	_ =	swait.ge @p1 [sflag:s0], $0x10  }
0x37d: {  	[sflag:s0] =	ssyncset.done @p1 $0x0  }
0x37e: {  	[sflag:s0] =	ssyncadd.s32 @p1 $0xFFFFFFF0  }
0x37f: {  	v1 =	vld @p1 [tilespmem:$0x3638];
	_ =	sdelay $0x2  }
0x380: {  	s0 =	sshll.u32 @p1 s2, $0x6  }
0x381: {  	s5 =	sshll.u32 @!p1 s2, $0x6;
	s4 =	sshrl.u32 @p1 s0, $0x2  }
0x382: {  	s5 =	smov.u32 @p1 s0;
	[tilespmem:s4+$0x3678] =	vst.add.f32.msk @p1 $0xffff, v1  }
0x383: {  	s0 =	sshrl.u32 s5, $0x2;
	[tilespmem:s1+$0x3658] =	vst.msk $0x1, v0  }
0x384: {  	v0 =	vld [tilespmem:s0+$0x3678];
	_ =	sdelay $0x2  }
0x385: {  	s31 =	sshll.u32 s1, $0x6  }
0x386: {  	s0 =	sshra.s32 s31, $0x2  }
0x387: {  	s1 =	sadd.s32 $0x1, s1;
	[tilespmem:s0+$0x3678] =	vst v0  }
.LBB2_47:
0x388: {  	s2 =	sadd.s32 $0x1, s2  }
0x389: {  	p1 =	sne.s32 s2, $0x20  }
.Ltmp33:
0x38a: {  	_ = 	snop;
	(pc) =	sbr.rel @!p1 .LBB2_48-.Ltmp33, $1  }
0x38b: {  	_ =	sdelay $0x3  }
.LBB2_40:
0x38c: {  	v0 =	vld.msk [tilespmem:s2+$0x3658], $0x1;
	_ =	sdelay $0x4  }
0x38d: {  	(v2sf) =	vpush v0, $0x0;
	_ =	sdelay $0xe  }
0x38e: {  	s4 =	spop (v2sf)  }
0x38f: {  	p1 =	seq.s32 s4, $0xFFFFFFFF  }
.Ltmp34:
0x390: {  	_ = 	snop;
	(pc) =	sbr.rel @p1 .LBB2_47-.Ltmp34, $1  }
0x391: {  	_ =	sdelay $0x3  }
0x392: {  	p1 =	slt.s32 s1, $0x1  }
.Ltmp35:
0x393: {  	_ = 	snop;
	(pc) =	sbr.rel @p1 .LBB2_45-.Ltmp35, $1  }
0x394: {  	_ =	sdelay $0x3  }
0x395: {  	s5 =	simm.s32 $0x3658;
	p1 =	por $0x0, $0x0  }
0x396: {  	v1 =	vld.msk @!p1 [tilespmem:s5+$0x0], $0x1;
	_ =	sdelay $0x4  }
0x397: {  	(v2sf) =	vpush @!p1 v1, $0x0;
	_ =	sdelay $0xd  }
0x398: {  	p3 =	sne.s32 s1, $0x1  }
.Ltmp36:
0x399: {  	s0 =	spop @!p1 (v2sf);
	(pc) =	sbr.rel @!p3 .LBB2_44-.Ltmp36, $4  }
0x39a: {  	p2 =	seq.s32 @!p1 s4, s0  }
0x39b: {  	s6 =	simm.s32 $0x0;
	p2 =	por !p2, p1  }
0x39c: {  	s0 =	simm.s32 $0xFFFFFFFF;
	s6 =	simm.s32 @p2 $0xFFFFFFFF  }
0x39d: {  	s7 =	simm.s32 $0x1;
	s6 =	smov.u32 @p1 s0  }
.LBB2_43:
0x39e: {  	s0 =	smov.u32 s6;
	p1 =	sne.s32 s6, $0xFFFFFFFF  }
0x39f: {  	s5 =	sadd.s32 $0x1, s5;
	s6 =	smov.u32 s7;
	s7 =	sadd.s32 $0x1, s7  }
0x3a0: {  	p2 =	sne.s32 s1, s7;
	v1 =	vld.msk @!p1 [tilespmem:s5+$0x0], $0x1;
	_ =	sdelay $0x4  }
0x3a1: {  	(v2sf) =	vpush @!p1 v1, $0x0;
	_ =	sdelay $0xe  }
.Ltmp37:
0x3a2: {  	s8 =	spop @!p1 (v2sf);
	(pc) =	sbr.rel @p2 .LBB2_43-.Ltmp37, $4  }
0x3a3: {  	p3 =	seq.s32 @!p1 s4, s8  }
0x3a4: {  	p3 =	por !p3, p1  }
0x3a5: {  	s6 =	simm.s32 @p3 $0xFFFFFFFF  }
0x3a6: {  	s6 =	smov.u32 @p1 s0  }
.LBB2_44:
0x3a7: {  	p1 =	sne.s32 s6, $0xFFFFFFFF  }
.Ltmp38:
0x3a8: {  	_ = 	snop;
	(pc) =	sbr.rel @!p1 .LBB2_45-.Ltmp38, $1  }
0x3a9: {  	_ =	sdelay $0x3  }
0x3aa: {  	s0 =	sshll.u32 s2, $0x4  }
0x3ab: {  	s0 =	sand.u32 $0x3FFFFFF0, s0  }
0x3ac: {  	v0 =	vld [tilespmem:s0+$0x3678]  }
.Ltmp39:
0x3ad: {  	_ = 	snop;
	(pc) =	sbr.rel .LBB2_47-.Ltmp39, $4  }
0x3ae: {  	_ = 	snop  }
0x3af: {  	s31 =	sshll.u32 s6, $0x6  }
0x3b0: {  	s0 =	sshra.s32 s31, $0x2  }
0x3b1: {  	[tilespmem:s0+$0x3678] =	vst.add.f32.msk $0xffff, v0  }
.LBB2_48:
0x3b2: {  	p1 =	slt.s32 s1, $0x1  }
.Ltmp40:
0x3b3: {  	_ = 	snop;
	(pc) =	sbr.rel @p1 .LBB2_52-.Ltmp40, $3  }
0x3b4: {  	_ =	sdelay $0x1  }
0x3b5: {  	s0 =	simm.s32 $0x8  }
0x3b6: {  	s2 =	simm.s32 $0x0;
	[sflag:s0] =	ssyncpa.u1 $0x1  }
0x3b7: {  	s0 =	simm.s32 $0x3658  }
0x3b8: {  	v0 =	vld.msk [tilespmem:s0+$0x0], $0x1;
	_ =	sdelay $0x4  }
0x3b9: {  	(v2sf) =	vpush v0, $0x0;
	_ =	sdelay $0xe  }
0x3ba: {  	s1 =	sadd.s32 $0xFFFFFFFF, s1;
	s0 =	spop (v2sf)  }
0x3bb: {  	p2 =	sne.s32 s1, $0x0;
	p1 =	sgt.u32 s0, $0xF423FE  }
.Ltmp41:
0x3bc: {  	s5 =	sand.u32 @!p1 $0xFFFFF8, s0;
	(pc) =	sbr.rel @!p2 .LBB2_51-.Ltmp41, $4  }
0x3bd: {  	s4 =	simm.s32 $0x3678;
	s0 =	sand.u32 @!p1 $0x7, s0;
	s5 =	sadd.s32 @!p1 s3, s5  }
0x3be: {  	[hbm4b:s5+s0] =	stream.linear.scatter @!p1 [tilespmem:s4], [sflag:$0x7], $0x10, $0x38;
	[tilespmem:$0x1F0F8] =	vst v63  }
0x3bf: {  	s0 =	simm.s32 $0x0  }
0x3c0: {  	s5 =	simm.s32 $0x3659;
	s0 =	simm.s32 @!p1 $0x40  }
.LBB2_50:
0x3c1: {  	v0 =	vld.msk [tilespmem:s5+$0x0], $0x1;
	s1 =	sadd.s32 $0xFFFFFFFF, s1;
	s2 =	sadd.s32 s2, s0  }
0x3c2: {  	p1 =	sne.s32 s1, $0x0;
	_ =	sdelay $0x3  }
0x3c3: {  	(v2sf) =	vpush v0, $0x0;
	_ =	sdelay $0xe  }
.Ltmp42:
0x3c4: {  	s6 =	spop (v2sf);
	(pc) =	sbr.rel @p1 .LBB2_50-.Ltmp42, $4  }
0x3c5: {  	s0 =	simm.s32 $0x0;
	p2 =	sgt.u32 s6, $0xF423FE  }
0x3c6: {  	s4 =	sadd.s32 $0x10, s4;
	s0 =	simm.s32 @!p2 $0x40;
	s7 =	sand.u32 @!p2 $0xFFFFF8, s6  }
0x3c7: {  	s5 =	sadd.s32 $0x1, s5;
	s6 =	sand.u32 @!p2 $0x7, s6;
	s7 =	sadd.s32 @!p2 s3, s7  }
0x3c8: {  	[hbm4b:s7+s6] =	stream.linear.scatter @!p2 [tilespmem:s4], [sflag:$0x7], $0x10, $0x38;
	[tilespmem:$0x1F0F8] =	vst v63  }
.LBB2_51:
0x3c9: {  	s0 =	sadd.s32 s2, s0  }
0x3ca: {  	s2 =	sshrl.u32 s0, $0x2  }
.LBB2_52:
0x3cb: {  	s0 =	simm.s32 $0x7  }
0x3cc: {  	_ =	swait.ge [sflag:s0], s2  }
0x3cd: {  	s1 =	ssub.s32 $0x0, s2;
	[sflag:s0] =	ssyncset.done $0x0  }
0x3ce: {  	[sflag:s0] =	ssyncadd.s32 s1  }
0x3cf: {  	[sflag:s0] =	ssyncpa.u1 $0x1  }
.LBB2_53:
0x3d0: {  	_ =	sfence;
	s0 =	simm.s32 $0x1  }
0x3d1: {  	[sflag:s0] =	ssyncpa.u1 $0x1  }
0x3d2: {  	_ =	strace $0x9000004A  }
0x3d3: {  	[bflag:$0x2] =	sbarrier.arrive $0xFFFF  }
0x3d4: {  	s0 =	rddreg [dreg:$0x3]  }
0x3d5: {  	s0 =	sadd.s32 @!p0 $0x100000, s0  }
0x3d6: {  	[sflag:s0] =	ssyncadd.tile.s32 @!p0 $0x1;
	_ =	shalt  }
.Lfunc_end2:
_tile_overlayer_lowered:
.L_overlay_start_2:
0x3d7: {  	(tag) =	ssettag $0x2  }
0x3d8: {  	s0 =	rddreg [dreg:$0x0];
	s2 =	stileid.u32  }
0x3d9: {  	s1 =	rddreg [dreg:$0x1];
	p0 =	sne.s32 s2, $0x0  }
0x3da: {  	s3 =	rddreg [dreg:$0x2];
	[bflag:$0x3] =	sbarrier.arrive $0xFFFF;
	s2 =	simm.s32 @!p0 $0x1C01  }
0x3db: {  	[timem:s3], [sflag:s2] =	dma.local @!p0 [hbm:s0], s1  }
0x3dc: {  	s0 =	simm.s32 @!p0 $0x1  }
0x3dd: {  	_ =	swait.ge @!p0 [sflag:s0], s1  }
0x3de: {  	s1 =	ssub.s32 @!p0 $0x0, s1;
	[sflag:s0] =	ssyncset.done @!p0 $0x0  }
0x3df: {  	[sflag:s0] =	ssyncadd.s32 @!p0 s1  }
0x3e0: {  	[bflag:$0x3] =	sbarrier.arrive $0xFFFF  }
0x3e1: {  	_ =	shalt  }

// kernel: sparse-core-data-format-call.1.cloned.1.call-start
scs
called_computation.3_lowered:
.L_overlay_start_0:
0x0: {  	s2 =	sld [smem:$0x3FD9]  }
0x1: {  	s3 =	sld [smem:$0x3FFE];
	_ =	sdelay $0x1  }
0x2: {  	s1 =	srdreg.scid  }
0x3: {  	s0 =	sand.u32 $0x1, s1  }
0x4: {  	s18 =	sshll.u32 s0, $0xA;
	s2 =	sadd.s32 s3, s2  }
0x5: {  	s2 =	sadd.s32 s2, s18  }
0x6: {  	[smem:$0x3FC3] =	sst s2  }
0x7: {  	_ = 	snop  }
0x8: {  	s2 =	sld [smem:$0x3FD0];
	(tm) =	ssettm $0x1  }
0x9: {  	s19 =	sld [smem:$0x3FFB];
	_ =	sdelay $0x3  }
0xa: {  	_ =	strace s19  }
0xb: {  	s3 =	sld [smem:$0x3FFC];
	_ =	sdelay $0x3  }
0xc: {  	_ =	strace s3  }
0xd: {  	s3 =	sld [smem:$0x3FFD];
	_ =	sdelay $0x3  }
0xe: {  	_ =	strace s3  }
0xf: {  	_ =	strace $0x8FFFFFFF  }
0x10: {  	s20 =	sld [smem:$0x3FDB];
	_ =	sdelay $0x1  }
0x11: {  	s4 =	simm.s32 $_scs_section_size  }
0x12: {  	s5 =	simm.s32 $_size__tile_overlayer_lowered;
	s6 =	simm.s32 $_tile_overlayer_lowered  }
0x13: {  	s23 =	simm.s32 $0x1BFF;
	s22 =	sshll.u32 s6, $0x1;
	s3 =	sadd.s32 s4, s20  }
0x14: {  	s7 =	simm.s32 $0x0;
	s21 =	sshll.u32 s5, $0x1;
	s5 =	sadd.s32 s22, s3  }
0x15: {  	[timem:s7], [sflag:s23] =	dma.local [hbm:s5], s21  }
0x16: {  	_ =	swait.ge [sflag:s23], s21  }
0x17: {  	s4 =	ssub.s32 $0x0, s21;
	[sflag:s23] =	ssyncset.done $0x0  }
0x18: {  	[sflag:s23] =	ssyncadd.s32 s4;
	_ =	sdelay $0x1  }
0x19: {  	s24 =	simm.s32 $0x1B8B  }
0x1a: {  	_ =	swait.ge [sflag:s24], $0x1  }
0x1b: {  	[sflag:s24] =	ssyncset.done $0x0  }
0x1c: {  	s26 =	simm.s32 $0x1B8E;
	s25 =	sld [smem:$0x3FFE];
	[sflag:s24] =	ssyncadd.s32 $0xFFFFFFFF  }
0x1d: {  	s27 =	simm.s32 $execute0_lowered;
	[smem:$0x3FD2] =	sst s26  }
0x1e: {  	s5 =	sshll.u32 s27, $0x1;
	_ =	strace $0x80000058;
	[dreg:$0x1] =	wrdreg $0xFFFFFFFF  }
0x1f: {  	s28 =	simm.s32 $_size_execute0_lowered;
	s3 =	sadd.s32 s3, s5;
	[dreg:$0x0] =	wrdreg $0x0  }
0x20: {  	s5 =	sshll.u32 s28, $0x1;
	[dreg:$0x2] =	wrdreg s3  }
0x21: {  	[dreg:$0x3] =	wrdreg s5  }
0x22: {  	[dreg:$0x4] =	wrdreg $0xC0  }
0x23: {  	_ =	task [dreg:s7], $0x5FFFF  }
0x24: {  	[dreg:$0x1] =	wrdreg $0xFFFFFFFF  }
0x25: {  	[dreg:$0x0] =	wrdreg $0x60  }
0x26: {  	[dreg:$0x2] =	wrdreg s2  }
0x27: {  	[dreg:$0x3] =	wrdreg s25  }
0x28: {  	[dreg:$0x4] =	wrdreg $0x9  }
0x29: {  	_ =	task.clear_ibuf [dreg:s7], $0x5FFFF;
	_ =	strace $0x90000058  }
0x2a: {  	s29 =	simm.s32 $0x9;
	_ =	strace $0x8000005A  }
0x2b: {  	_ =	swait.ge [sflag:s29], $0x1  }
0x2c: {  	[sflag:s29] =	ssyncadd.s32 $0xFFFFFFFF  }
0x2d: {  	_ =	strace $0x9000005A  }
0x2e: {  	_ =	sfence  }
0x2f: {  	s30 =	sld [smem:$0x0];
	_ =	sdelay $0x2  }
0x30: {  	s31 =	sshll.u32 s1, $0xD;
	s1 =	sshrl.u32 s1, $0x2  }
0x31: {  	s3 =	sand.u32 $0x4000, s31;
	s1 =	sadd.s32 s1, s30  }
0x32: {  	s0 =	sor.u32 s3, s0;
	s1 =	sshll.u32 s1, $0x11  }
0x33: {  	s0 =	sor.u32 s1, s0  }
0x34: {  	s0 =	sadd.s32 $0x8F2B, s0  }
0x35: {  	[sflag:s0] =	ssyncadd.remote.s32 $0x1  }
0x36: {  	_ =	sfence.sel $0xFFFF  }
0x37: {  	[dreg:$0x0] =	wrdreg $0xFFFFFFFF;
	(pc) =	sbr.abs _section_cstart, $3  }
0x38: {  	[dreg:$0x1] =	wrdreg $0xFFFFFFFF  }
0x39: {  	_ =	task.clear_ibuf [dreg:s7], $0x2FFFF;
	_ =	strace $0x9FFFFFFF  }
0x3a: {  	(tm) =	ssettm $0x7FFFFFFF  }
0x3b: {  	_ =	shalt  }
tec
execute0_lowered:
.L_overlay_start_1:
0x0: {  	(tag) =	ssettag $0x1  }
0x1: {  	s0 =	srdreg.scid  }
0x2: {  	s0 =	sshll.u32 s0, $0x4  }
0x3: {  	s1 =	stileid.u32;
	s4 =	rddreg [dreg:$0x0];
	s0 =	sand.u32 $0x10, s0  }
0x4: {  	s31 =	rddreg [dreg:$0x1];
	_ =	strace $0x80000059;
	s0 =	sor.u32 s1, s0  }
0x5: {  	s3 =	simm.s32 $0x1;
	s5 =	simm.s32 $0x2;
	s6 =	sshll.u32 s0, $0xA  }
0x6: {  	s13 =	simm.s32 $0x0;
	s12 =	simm.s32 $0x0;
	s0 =	ssub.s32 $0xC8000, s6  }
0x7: {  	s10 =	simm.s32 $0x0;
	s1 =	sadd.s32 $0x2E00, s31;
	s2 =	sand.u32 $0x7C00, s0  }
.Ltmp0:
0x8: {  	p0 =	sne.s32 s2, $0x0;
	s2 =	simm.s32 $0x1;
	(pc) =	sbr.rel .LBB1_1-.Ltmp0, $4  }
0x9: {  	[dreg:$0x4] =	wrdreg s1;
	s0 =	sshrl.u32 s0, $0xF;
	s2 =	simm.s32 @!p0 $0x0  }
0xa: {  	s11 =	simm.s32 $0x0;
	[dreg:$0x3] =	wrdreg s6;
	s7 =	sadd.s32 s2, s0  }
0xb: {  	[sflag:s3] =	ssyncpa.u1 $0x0;
	s8 =	sadd.s32 $0x1, s7;
	[dreg:$0x5] =	wrdreg s7  }
0xc: {  	[sflag:s5] =	ssyncpa.u1 $0x0;
	s9 =	smov.u32 s6;
	[dreg:$0x6] =	wrdreg s8  }
.LBB1_7:
0xd: {  	s0 =	sadd.s32 $0x8000, s9  }
0xe: {  	s2 =	sadd.s32 $0x10, s10;
	s3 =	smov.u32 s10;
	p1 =	sgt.s32 s0, $0xC7FFF  }
0xf: {  	s3 =	smov.u32 @p1 s2  }
0x10: {  	s0 =	smov.u32 @p1 s6;
	p1 =	sgt.s32 s3, $0xF  }
0x11: {  	s3 =	simm.s32 @p1 $0x0;
	p1 =	sne.s32 s11, s8  }
.Ltmp1:
0x12: {  	p0 =	slt.u32 s11, $0x2;
	(pc) =	sbr.rel @!p1 .LBB1_8-.Ltmp1, $4  }
0x13: {  	s1 =	simm.s32 @!p0 $0x2  }
0x14: {  	s13 =	smov.u32 s9;
	_ =	swait.ge @!p0 [sflag:s1], $0x4000  }
0x15: {  	s12 =	smov.u32 s10;
	[sflag:s1] =	ssyncset.done @!p0 $0x0;
	s9 =	smov.u32 s0  }
0x16: {  	s11 =	sadd.s32 $0x1, s11;
	[sflag:s1] =	ssyncadd.s32 @!p0 $0xFFFFC000;
	s10 =	smov.u32 s3  }
.LBB1_1:
0x17: {  	p0 =	sge.u32 s11, s7  }
0x18: {  	s0 =	sshrl.u32 @!p0 s10, $0x3  }
0x19: {  	s1 =	sshll.u32 @!p0 s9, $0x3;
	s2 =	sshll.u32 @!p0 s10, $0x7;
	s0 =	smul.u32 @!p0 $0x640000, s0  }
0x1a: {  	s5 =	sand.u32 @!p0 $0x7F, s9;
	s1 =	sand.u32 @!p0 $0xFFFFFC00, s1;
	s2 =	sand.u32 @!p0 $0x380, s2  }
0x1b: {  	s0 =	sadd.s32 @!p0 s0, s1;
	s1 =	sor.u32 @!p0 s5, s2  }
0x1c: {  	s1 =	sor.u32 @!p0 s0, s1  }
0x1d: {  	s2 =	smulhi.u32 @!p0 $0x51EB851F, s1;
	_ =	sdelay $0x1  }
0x1e: {  	s0 =	smulhi.u32 @!p0 $0x51EB851F, s0;
	s2 =	sshrl.u32 @!p0 s2, $0x12  }
0x1f: {  	s2 =	smul.u32 @!p0 $0xC8000, s2  }
0x20: {  	s31 =	sadd.s32 $0xFFFFFFFF, s11;
	s5 =	sxor.u32 @!p0 $0xFFFFFFFF, s11;
	s0 =	sshrl.u32 @!p0 s0, $0x12  }
0x21: {  	s5 =	sshll.u32 @!p0 s5, $0xE;
	s0 =	sand.u32 @!p0 $0xF, s0;
	s1 =	ssub.s32 @!p0 s1, s2  }
0x22: {  	s0 =	smul.u32 @!p0 $0x19000, s0;
	s2 =	sshrl.u32 @!p0 s1, $0x3;
	s1 =	sand.u32 @!p0 $0x7, s1  }
0x23: {  	s5 =	sand.u32 @!p0 $0x4000, s5;
	s2 =	sadd.s32 @!p0 s4, s2;
	s1 =	sshll.u32 @!p0 s1, $0x12  }
0x24: {  	s0 =	sadd.s32 @!p0 s0, s2;
	s1 =	sor.u32 @!p0 $0x2000, s1;
	s2 =	simm.s32 @!p0 $0x640000  }
0x25: {  	[tilespmem:s5], [sflag:$0x1] =	stream.strided.gather @!p0 [hbm4b:s0+s1], $0x4000, s2, s1, $0x38;
	[tilespmem:$0x10800] =	vst v63  }
0x26: {  	p0 =	sge.u32 s31, s7  }
.Ltmp2:
0x27: {  	_ = 	snop;
	(pc) =	sbr.rel @p0 .LBB1_7-.Ltmp2, $1  }
0x28: {  	_ =	sdelay $0x3  }
0x29: {  	[dreg:$0x9] =	wrdreg s13  }
0x2a: {  	[dreg:$0x8] =	wrdreg s12;
	s0 =	sand.u32 $0x1, s11  }
0x2b: {  	[dreg:$0x7] =	wrdreg s9;
	s2 =	simm.s32 $0x1;
	s1 =	smul.u32 $0x11000, s0  }
0x2c: {  	_ =	swait.ge [sflag:s2], $0x4000  }
0x2d: {  	s16 =	simm.s32 $0x0;
	[sflag:s2] =	ssyncset.done $0x0;
	s1 =	sshrl.u32 s1, $0x2  }
0x2e: {  	s15 =	sshll.u32 s0, $0xE;
	[sflag:s2] =	ssyncadd.s32 $0xFFFFC000;
	s14 =	sor.u32 $0x8000, s1  }
.LBB1_3:
0x2f: {  	s0 =	sshll.u32 s16, $0xA  }
0x30: {  	s1 =	sshll.u32 s16, $0x7;
	s0 =	sand.u32 $0x2000, s0  }
0x31: {  	s1 =	sand.u32 $0x380, s1;
	s0 =	sadd.s32 s0, s15  }
0x32: {  	s0 =	sadd.s32 s1, s0  }
0x33: {  	s17 =	sadd.s32 s16, s14;
	p0 =	por $0x1, $0x1;
	s18 =	simm.s32 $0x0;
	v0 =	vmov s0  }
.LBB1_4:
0x34: {  	s0 =	smul.u32 $0x44, s18;
	s1 =	sshll.u32 s18, $0x3;
	s2 =	sor.u32 $0x80, s18  }
0x35: {  	s24 =	sor.u32 $0x90, s18;
	s28 =	sor.u32 $0xA0, s18;
	s6 =	sor.u32 $0xB0, s18  }
0x36: {  	s12 =	sor.u32 $0xC0, s18;
	s13 =	sor.u32 $0xD0, s18;
	s22 =	smul.u32 $0x44, s2  }
0x37: {  	p1 =	por p0, p0;
	s29 =	sand.u32 $0x3FFFFFF8, s1;
	s26 =	smul.u32 $0x44, s24  }
0x38: {  	s23 =	sshll.u32 s2, $0x3;
	s27 =	sshll.u32 s24, $0x3;
	s5 =	smul.u32 $0x44, s28  }
0x39: {  	s4 =	sshll.u32 s28, $0x3;
	s8 =	smul.u32 $0x44, s6;
	s9 =	sshll.u32 s6, $0x3  }
0x3a: {  	s24 =	smul.u32 $0x44, s12;
	s2 =	sshll.u32 s12, $0x3;
	s28 =	sor.u32 $0xE0, s18  }
0x3b: {  	s0 =	sshra.s32 s0, $0x2;
	s30 =	sand.u32 $0x3FFFFFF8, s23;
	s31 =	sand.u32 $0x1400, s27  }
0x3c: {  	s1 =	sand.u32 $0x1400, s4;
	s27 =	sshll.u32 s13, $0x3;
	s4 =	sor.u32 $0x100, s18  }
0x3d: {  	s0 =	sadd.s32 s0, s14;
	s25 =	sshra.s32 s22, $0x2;
	s3 =	sshra.s32 s26, $0x2  }
0x3e: {  	s7 =	sshra.s32 s5, $0x2;
	s5 =	sshra.s32 s8, $0x2;
	s8 =	sand.u32 $0x1400, s2  }
0x3f: {  	s26 =	sshra.s32 s24, $0x2;
	s2 =	sand.u32 $0x1400, s27;
	s27 =	sor.u32 $0xF0, s18  }
0x40: {  	s6 =	smul.u32 $0x44, s4;
	s4 =	sshll.u32 s4, $0x3;
	v55 =	vld.idx.msk [tilespmem:v0+s31+$0x10 ss:$0x1], $0xffff;
	s31 =	sor.u32 $0x140, s18  }
0x41: {  	s19 =	sadd.s32 s16, s0;
	s20 =	sadd.s32 s25, s17;
	s21 =	sadd.s32 s3, s17  }
0x42: {  	s22 =	sadd.s32 s7, s17;
	s0 =	sand.u32 $0x1400, s9;
	s25 =	smul.u32 $0x44, s13  }
0x43: {  	v1 =	vld.idx.msk [tilespmem:v0+s29+$0x0 ss:$0x1], $0xffff;
	s23 =	sadd.s32 s5, s17;
	s24 =	sadd.s32 s26, s17;
	s26 =	smul.u32 $0x44, s28  }
0x44: {  	v2 =	vld.idx.msk [tilespmem:v0+s29+$0x10 ss:$0x1], $0xffff;
	s5 =	sshll.u32 s28, $0x3;
	s28 =	smul.u32 $0x44, s27;
	s27 =	sshll.u32 s27, $0x3  }
0x45: {  	v3 =	vld.idx.msk [tilespmem:v0+s29+$0x20 ss:$0x1], $0xffff;
	s4 =	sand.u32 $0x3FFFFFF8, s4;
	s13 =	sor.u32 $0x120, s18;
	s5 =	sand.u32 $0x1400, s5  }
0x46: {  	v4 =	vld.idx.msk [tilespmem:v0+s29+$0x30 ss:$0x1], $0xffff;
	s7 =	sand.u32 $0x1400, s27;
	s12 =	smul.u32 $0x44, s13;
	s9 =	sshll.u32 s13, $0x3  }
0x47: {  	v5 =	vld.idx.msk [tilespmem:v0+s29+$0x40 ss:$0x1], $0xffff;
	s13 =	sor.u32 $0x130, s18;
	s25 =	sshra.s32 s25, $0x2;
	s26 =	sshra.s32 s26, $0x2  }
0x48: {  	v54 =	vld.idx.msk [tilespmem:v0+s30+$0x0 ss:$0x1], $0xffff;
	s3 =	sshra.s32 s28, $0x2;
	s28 =	sshra.s32 s6, $0x2;
	s25 =	sadd.s32 s25, s17;
	[tilespmem:s19+$0x0 ss:$0x11] =	vst.msk $0xffff, v1  }
0x49: {  	s26 =	sadd.s32 s26, s17;
	s27 =	sadd.s32 s3, s17;
	s3 =	sor.u32 $0x110, s18;
	v1 =	vld.idx.msk [tilespmem:v0+s29+$0x50 ss:$0x1], $0xffff;
	[tilespmem:s19+$0x110 ss:$0x11] =	vst.msk $0xffff, v2  }
0x4a: {  	s28 =	sadd.s32 s28, s17;
	v2 =	vld.idx.msk [tilespmem:v0+s29+$0x60 ss:$0x1], $0xffff;
	[tilespmem:s19+$0x220 ss:$0x11] =	vst.msk $0xffff, v3;
	s12 =	sshra.s32 s12, $0x2;
	s6 =	smul.u32 $0x44, s3  }
0x4b: {  	v3 =	vld.idx.msk [tilespmem:v0+s29+$0x70 ss:$0x1], $0xffff;
	[tilespmem:s19+$0x330 ss:$0x11] =	vst.msk $0xffff, v4;
	s3 =	sshll.u32 s3, $0x3;
	s30 =	sadd.s32 s12, s17;
	s12 =	smul.u32 $0x44, s31  }
0x4c: {  	[tilespmem:s21+$0x0 ss:$0x11] =	vst.msk $0xffff, v55;
	s21 =	sor.u32 $0x170, s18;
	s3 =	sand.u32 $0x1800, s3;
	s6 =	sshra.s32 s6, $0x2  }
0x4d: {  	v56 =	vld.idx.msk [tilespmem:v0+s2+$0x50 ss:$0x1], $0xffff;
	[tilespmem:s19+$0x440 ss:$0x11] =	vst.msk $0xffff, v5;
	s12 =	sshra.s32 s12, $0x2;
	s29 =	sadd.s32 s6, s17;
	s6 =	sand.u32 $0x1800, s9  }
0x4e: {  	s9 =	smul.u32 $0x44, s13;
	s13 =	sshll.u32 s13, $0x3;
	s2 =	sadd.s32 s12, s17;
	[tilespmem:s19+$0x550 ss:$0x11] =	vst.msk $0xffff, v1;
	v1 =	vld.idx.msk [tilespmem:v0+s1+$0x20 ss:$0x1], $0xffff  }
0x4f: {  	s1 =	sand.u32 $0x1800, s13;
	[tilespmem:s19+$0x660 ss:$0x11] =	vst.msk $0xffff, v2;
	v2 =	vld.idx.msk [tilespmem:v0+s0+$0x30 ss:$0x1], $0xffff;
	s13 =	sshll.u32 s31, $0x3;
	s31 =	sor.u32 $0x150, s18  }
0x50: {  	[tilespmem:s19+$0x770 ss:$0x11] =	vst.msk $0xffff, v3;
	v3 =	vld.idx.msk [tilespmem:v0+s8+$0x40 ss:$0x1], $0xffff;
	s9 =	sshra.s32 s9, $0x2;
	s8 =	sand.u32 $0x1800, s13;
	s19 =	smul.u32 $0x44, s31  }
0x51: {  	[tilespmem:s20+$0x0 ss:$0x11] =	vst.msk $0xffff, v54;
	s20 =	sshll.u32 s31, $0x3;
	s31 =	sor.u32 $0x160, s18;
	s0 =	sadd.s32 s9, s17  }
0x52: {  	v57 =	vld.idx.msk [tilespmem:v0+s5+$0x60 ss:$0x1], $0xffff;
	s5 =	sand.u32 $0x1800, s20;
	s12 =	sshra.s32 s19, $0x2;
	s19 =	smul.u32 $0x44, s31  }
0x53: {  	s20 =	sshll.u32 s31, $0x3;
	s31 =	sor.u32 $0x180, s18;
	[tilespmem:s22+$0x0 ss:$0x11] =	vst.msk $0xffff, v1;
	v1 =	vld.idx.msk [tilespmem:v0+s7+$0x70 ss:$0x1], $0xffff;
	s7 =	sadd.s32 s12, s17  }
0x54: {  	[tilespmem:s23+$0x0 ss:$0x11] =	vst.msk $0xffff, v2;
	v2 =	vld.idx.msk [tilespmem:v0+s4+$0x0 ss:$0x1], $0xffff;
	s4 =	sand.u32 $0x1800, s20;
	s22 =	sshra.s32 s19, $0x2;
	s23 =	smul.u32 $0x44, s21  }
0x55: {  	[tilespmem:s24+$0x0 ss:$0x11] =	vst.msk $0xffff, v3;
	v3 =	vld.idx.msk [tilespmem:v0+s3+$0x10 ss:$0x1], $0xffff;
	s24 =	sshll.u32 s21, $0x3;
	s20 =	smul.u32 $0x44, s31;
	s21 =	sshll.u32 s31, $0x3  }
0x56: {  	[tilespmem:s25+$0x0 ss:$0x11] =	vst.msk $0xffff, v56;
	v58 =	vld.idx.msk [tilespmem:v0+s6+$0x20 ss:$0x1], $0xffff;
	s3 =	sadd.s32 s22, s17;
	s6 =	sand.u32 $0x1800, s24;
	s22 =	sor.u32 $0x190, s18  }
0x57: {  	[tilespmem:s26+$0x0 ss:$0x11] =	vst.msk $0xffff, v57;
	v59 =	vld.idx.msk [tilespmem:v0+s1+$0x30 ss:$0x1], $0xffff;
	s19 =	sshra.s32 s23, $0x2;
	s23 =	sand.u32 $0x3FFFFFF8, s21;
	s24 =	sshra.s32 s20, $0x2  }
0x58: {  	s25 =	smul.u32 $0x44, s22;
	s1 =	sadd.s32 s19, s17;
	s19 =	sor.u32 $0x1B0, s18;
	[tilespmem:s27+$0x0 ss:$0x11] =	vst.msk $0xffff, v1;
	v1 =	vld.idx.msk [tilespmem:v0+s8+$0x40 ss:$0x1], $0xffff  }
0x59: {  	s26 =	sshll.u32 s22, $0x3;
	s22 =	sshll.u32 s19, $0x3;
	[tilespmem:s28+$0x0 ss:$0x11] =	vst.msk $0xffff, v2;
	v2 =	vld.idx.msk [tilespmem:v0+s5+$0x50 ss:$0x1], $0xffff;
	s5 =	sadd.s32 s24, s17  }
0x5a: {  	s27 =	sor.u32 $0x1A0, s18;
	[tilespmem:s29+$0x0 ss:$0x11] =	vst.msk $0xffff, v3;
	v3 =	vld.idx.msk [tilespmem:v0+s4+$0x60 ss:$0x1], $0xffff;
	s28 =	sand.u32 $0x1C00, s26;
	s29 =	sshra.s32 s25, $0x2  }
0x5b: {  	[tilespmem:s30+$0x0 ss:$0x11] =	vst.msk $0xffff, v58;
	v60 =	vld.idx.msk [tilespmem:v0+s6+$0x70 ss:$0x1], $0xffff;
	s24 =	sand.u32 $0x1C00, s22;
	s25 =	sor.u32 $0x1C0, s18;
	s26 =	smul.u32 $0x44, s19  }
0x5c: {  	[tilespmem:s0+$0x0 ss:$0x11] =	vst.msk $0xffff, v59;
	v61 =	vld.idx.msk [tilespmem:v0+s23+$0x0 ss:$0x1], $0xffff;
	s31 =	smul.u32 $0x44, s27;
	s6 =	sadd.s32 s29, s17;
	s13 =	sshll.u32 s27, $0x3  }
0x5d: {  	s27 =	sshll.u32 s25, $0x3;
	s19 =	smul.u32 $0x44, s25;
	s20 =	sand.u32 $0x1C00, s13;
	[tilespmem:s2+$0x0 ss:$0x11] =	vst.msk $0xffff, v1;
	v1 =	vld.idx.msk [tilespmem:v0+s28+$0x10 ss:$0x1], $0xffff  }
0x5e: {  	s29 =	sand.u32 $0x1C00, s27;
	s21 =	sshra.s32 s31, $0x2;
	[tilespmem:s7+$0x0 ss:$0x11] =	vst.msk $0xffff, v2;
	v2 =	vld.idx.msk [tilespmem:v0+s20+$0x20 ss:$0x1], $0xffff;
	s28 =	sor.u32 $0x1D0, s18  }
0x5f: {  	s31 =	sor.u32 $0x1E0, s18;
	s23 =	sadd.s32 s21, s17;
	[tilespmem:s3+$0x0 ss:$0x11] =	vst.msk $0xffff, v3;
	v3 =	vld.idx.msk [tilespmem:v0+s24+$0x30 ss:$0x1], $0xffff;
	s30 =	sshll.u32 s28, $0x3  }
0x60: {  	[tilespmem:s1+$0x0 ss:$0x11] =	vst.msk $0xffff, v60;
	v62 =	vld.idx.msk [tilespmem:v0+s29+$0x40 ss:$0x1], $0xffff;
	s13 =	sshll.u32 s31, $0x3;
	s18 =	sor.u32 $0x1F0, s18;
	s12 =	sand.u32 $0x1C00, s30  }
0x61: {  	[tilespmem:s5+$0x0 ss:$0x11] =	vst.msk $0xffff, v61;
	s20 =	sand.u32 $0x1C00, s13;
	s24 =	smul.u32 $0x44, s31;
	s21 =	sshll.u32 s18, $0x3;
	v63 =	vld.idx.msk [tilespmem:v0+s12+$0x50 ss:$0x1], $0xffff  }
0x62: {  	s0 =	sshra.s32 s26, $0x2;
	s22 =	smul.u32 $0x44, s28;
	s3 =	sand.u32 $0x1C00, s21;
	[tilespmem:s6+$0x0 ss:$0x11] =	vst.msk $0xffff, v1;
	v1 =	vld.idx.msk [tilespmem:v0+s20+$0x60 ss:$0x1], $0xffff  }
0x63: {  	s0 =	sadd.s32 s0, s17;
	s26 =	smul.u32 $0x44, s18;
	[tilespmem:s23+$0x0 ss:$0x11] =	vst.msk $0xffff, v2;
	v2 =	vld.idx.msk [tilespmem:v0+s3+$0x70 ss:$0x1], $0xffff;
	s23 =	sshra.s32 s19, $0x2  }
.Ltmp3:
0x64: {  	s1 =	sshra.s32 s22, $0x2;
	[tilespmem:s0+$0x0 ss:$0x11] =	vst.msk $0xffff, v3;
	s25 =	sadd.s32 s23, s17;
	(pc) =	sbr.rel @p1 .LBB1_4-.Ltmp3, $4  }
0x65: {  	s28 =	sshra.s32 s24, $0x2;
	s27 =	sadd.s32 s1, s17;
	[tilespmem:s25+$0x0 ss:$0x11] =	vst.msk $0xffff, v62  }
0x66: {  	s29 =	sadd.s32 s28, s17;
	s30 =	sshra.s32 s26, $0x2;
	[tilespmem:s27+$0x0 ss:$0x11] =	vst.msk $0xffff, v63  }
0x67: {  	s31 =	sadd.s32 s30, s17;
	[tilespmem:s29+$0x0 ss:$0x11] =	vst.msk $0xffff, v1  }
0x68: {  	p0 =	por $0x0, $0x0;
	s18 =	simm.s32 $0x200;
	[tilespmem:s31+$0x0 ss:$0x11] =	vst.msk $0xffff, v2  }
0x69: {  	s16 =	sadd.s32 $0x1, s16  }
0x6a: {  	p0 =	sne.s32 s16, $0x10  }
.Ltmp4:
0x6b: {  	_ = 	snop;
	(pc) =	sbr.rel @p0 .LBB1_3-.Ltmp4, $1  }
0x6c: {  	_ =	sdelay $0x3  }
0x6d: {  	s0 =	rddreg [dreg:$0x9]  }
0x6e: {  	s3 =	rddreg [dreg:$0x8]  }
0x6f: {  	s0 =	sshll.u32 s0, $0x7;
	s1 =	sshll.u32 s3, $0x3  }
0x70: {  	s2 =	sand.u32 $0xFFFFFC00, s0;
	s1 =	sand.u32 $0xFFFFFC00, s1  }
0x71: {  	s0 =	sand.u32 $0x380, s0;
	s1 =	sadd.s32 s1, s2  }
0x72: {  	s0 =	sor.u32 s0, s1  }
0x73: {  	s0 =	sshrl.u32 s0, $0x7  }
0x74: {  	s29 =	rddreg [dreg:$0x4];
	s25 =	smulhi.u32 $0x147AE15, s0  }
0x75: {  	s4 =	rddreg [dreg:$0x0]  }
0x76: {  	s6 =	rddreg [dreg:$0x3];
	s1 =	sshrl.u32 s25, $0xC  }
0x77: {  	s31 =	simm.s32 $0x80;
	s7 =	rddreg [dreg:$0x5];
	s1 =	smul.u32 $0xC8000, s1  }
.Ltmp5:
0x78: {  	s8 =	rddreg [dreg:$0x6];
	s26 =	sshrl.u32 s3, $0x3;
	(pc) =	sbr.rel .LBB1_7-.Ltmp5, $4  }
0x79: {  	s28 =	sand.u32 $0x7, s3;
	s27 =	sand.u32 $0xF, s26;
	s0 =	ssub.s32 s0, s1  }
0x7a: {  	s2 =	sshll.u32 s28, $0x12;
	s1 =	sadd.s32 s29, s27;
	s0 =	sshll.u32 s0, $0x4  }
0x7b: {  	s9 =	rddreg [dreg:$0x7];
	s30 =	sor.u32 $0x10, s2;
	s0 =	sadd.s32 s0, s1  }
0x7c: {  	[hbm4b:s0+s30] =	stream.strided.scatter [tilespmem:s14], [sflag:$0x2], $0x4000, s31, s30, $0x8;
	[tilespmem:$0x10800] =	vst v63  }
.LBB1_8:
0x7d: {  	_ =	sfence.sel $0x180000  }
0x7e: {  	s0 =	simm.s32 $0x1;
	[bflag:$0x0] =	sbarrier.arrive $0xFFFF  }
0x7f: {  	s30 =	simm.s32 $0x2;
	[sflag:s0] =	ssyncpa.u1 $0x1  }
0x80: {  	[sflag:s30] =	ssyncpa.u1 $0x1  }
0x81: {  	_ =	strace $0x90000059  }
0x82: {  	s31 =	stileid.u32;
	[bflag:$0x2] =	sbarrier.arrive $0xFFFF  }
0x83: {  	p0 =	sne.s32 s31, $0x0;
	s0 =	rddreg [dreg:$0x2]  }
0x84: {  	s0 =	sadd.s32 @!p0 $0x100000, s0  }
0x85: {  	[sflag:s0] =	ssyncadd.tile.s32 @!p0 $0x1;
	_ =	shalt  }
.Lfunc_end1:
_tile_overlayer_lowered:
.L_overlay_start_2:
0x86: {  	(tag) =	ssettag $0x2  }
0x87: {  	s0 =	rddreg [dreg:$0x0];
	s2 =	stileid.u32  }
0x88: {  	s1 =	rddreg [dreg:$0x1];
	p0 =	sne.s32 s2, $0x0  }
0x89: {  	s3 =	rddreg [dreg:$0x2];
	[bflag:$0x3] =	sbarrier.arrive $0xFFFF;
	s2 =	simm.s32 @!p0 $0x1C01  }
0x8a: {  	[timem:s3], [sflag:s2] =	dma.local @!p0 [hbm:s0], s1  }
0x8b: {  	s0 =	simm.s32 @!p0 $0x1  }
0x8c: {  	_ =	swait.ge @!p0 [sflag:s0], s1  }
0x8d: {  	s1 =	ssub.s32 @!p0 $0x0, s1;
	[sflag:s0] =	ssyncset.done @!p0 $0x0  }
0x8e: {  	[sflag:s0] =	ssyncadd.s32 @!p0 s1  }
0x8f: {  	[bflag:$0x3] =	sbarrier.arrive $0xFFFF  }
0x90: {  	_ =	shalt  }

// kernel: sparse-core-data-format-call.2.cloned.1.call-start
scs
called_computation.4_lowered:
.L_overlay_start_0:
0x0: {  	s2 =	sld [smem:$0x3FD9]  }
0x1: {  	s3 =	sld [smem:$0x3FFE];
	_ =	sdelay $0x1  }
0x2: {  	s1 =	srdreg.scid  }
0x3: {  	s0 =	sand.u32 $0x1, s1  }
0x4: {  	s18 =	sshll.u32 s0, $0xA;
	s2 =	sadd.s32 s3, s2  }
0x5: {  	s2 =	sadd.s32 s2, s18  }
0x6: {  	[smem:$0x3FC3] =	sst s2  }
0x7: {  	_ = 	snop  }
0x8: {  	(tm) =	ssettm $0x1  }
0x9: {  	s19 =	sld [smem:$0x3FFB];
	_ =	sdelay $0x3  }
0xa: {  	_ =	strace s19  }
0xb: {  	s2 =	sld [smem:$0x3FFC];
	_ =	sdelay $0x3  }
0xc: {  	_ =	strace s2  }
0xd: {  	s2 =	sld [smem:$0x3FFD];
	_ =	sdelay $0x3  }
0xe: {  	_ =	strace s2  }
0xf: {  	_ =	strace $0x8FFFFFFF  }
0x10: {  	s20 =	sld [smem:$0x3FDB];
	_ =	sdelay $0x1  }
0x11: {  	s21 =	simm.s32 $_scs_section_size  }
0x12: {  	s4 =	simm.s32 $_size__tile_overlayer_lowered;
	s5 =	simm.s32 $_tile_overlayer_lowered  }
0x13: {  	s6 =	simm.s32 $0x1BFF;
	s22 =	sshll.u32 s5, $0x1;
	s3 =	sadd.s32 s21, s20  }
0x14: {  	s23 =	simm.s32 $0x0;
	s4 =	sshll.u32 s4, $0x1;
	s5 =	sadd.s32 s22, s3  }
0x15: {  	[timem:s23], [sflag:s6] =	dma.local [hbm:s5], s4  }
0x16: {  	_ =	swait.ge [sflag:s6], s4  }
0x17: {  	s4 =	ssub.s32 $0x0, s4;
	[sflag:s6] =	ssyncset.done $0x0  }
0x18: {  	[sflag:s6] =	ssyncadd.s32 s4;
	_ =	sdelay $0x1  }
0x19: {  	s24 =	simm.s32 $0x1B8B  }
0x1a: {  	_ =	swait.ge [sflag:s24], $0x1  }
0x1b: {  	[sflag:s24] =	ssyncset.done $0x0  }
0x1c: {  	[sflag:s24] =	ssyncadd.s32 $0xFFFFFFFF  }
0x1d: {  	s4 =	sld [smem:$0x0]  }
0x1e: {  	s5 =	sand.u32 $0xFFFFFFFE, s1  }
0x1f: {  	p0 =	sne.s32 s1, s5  }
0x20: {  	s5 =	sshll.u32 @p0 s5, $0xE  }
0x21: {  	s5 =	sadd.s32 @p0 $0x11B8D, s5;
	s6 =	sshll.u32 @p0 s4, $0x11  }
0x22: {  	s5 =	sor.u32 @p0 s6, s5  }
0x23: {  	[sflag:s5] =	ssyncadd.remote.s32 @p0 $0x1;
	_ =	sdelay $0x1  }
0x24: {  	s5 =	simm.s32 @p0 $0x1B8D  }
0x25: {  	_ =	swait.eq @p0 [sflag:s5], $0x1  }
0x26: {  	[sflag:s5] =	ssyncadd.s32 @p0 $0xFFFFFFFF  }
0x27: {  	s6 =	sshll.u32 @!p0 s1, $0xE  }
0x28: {  	s6 =	sor.u32 @!p0 $0x4000, s6;
	s5 =	simm.s32 @!p0 $0x1B8D  }
0x29: {  	s4 =	sshll.u32 @!p0 s4, $0x11;
	s6 =	sadd.s32 @!p0 $0x11B8D, s6;
	_ =	swait.eq @!p0 [sflag:s5], $0x1  }
0x2a: {  	s4 =	sor.u32 @!p0 s4, s6;
	[sflag:s5] =	ssyncadd.s32 @!p0 $0xFFFFFFFF  }
0x2b: {  	s26 =	simm.s32 $0x1B8E;
	s25 =	sld [smem:$0x3FFE];
	[sflag:s4] =	ssyncadd.remote.s32 @!p0 $0x1  }
0x2c: {  	s27 =	simm.s32 $execute0_lowered;
	[smem:$0x3FD2] =	sst s26  }
0x2d: {  	s5 =	sshll.u32 s27, $0x1;
	_ =	strace $0x8000004F;
	[dreg:$0x1] =	wrdreg $0xFFFFFFFF  }
0x2e: {  	s28 =	simm.s32 $_size_execute0_lowered;
	s3 =	sadd.s32 s3, s5;
	[dreg:$0x0] =	wrdreg $0x0  }
0x2f: {  	s5 =	sshll.u32 s28, $0x1;
	[dreg:$0x2] =	wrdreg s3  }
0x30: {  	[dreg:$0x3] =	wrdreg s5  }
0x31: {  	[dreg:$0x4] =	wrdreg $0xC0  }
0x32: {  	_ =	task [dreg:s23], $0x5FFFF  }
0x33: {  	[dreg:$0x1] =	wrdreg $0xFFFFFFFF  }
0x34: {  	[dreg:$0x0] =	wrdreg $0x60  }
0x35: {  	[dreg:$0x2] =	wrdreg s25  }
0x36: {  	[dreg:$0x3] =	wrdreg $0xA  }
0x37: {  	_ =	task.clear_ibuf [dreg:s23], $0x4FFFF;
	_ =	strace $0x9000004F  }
0x38: {  	s29 =	simm.s32 $0xA;
	_ =	strace $0x80000051  }
0x39: {  	_ =	swait.ge [sflag:s29], $0x1  }
0x3a: {  	[sflag:s29] =	ssyncadd.s32 $0xFFFFFFFF  }
0x3b: {  	_ =	strace $0x90000051  }
0x3c: {  	_ =	sfence  }
0x3d: {  	s30 =	sld [smem:$0x0];
	_ =	sdelay $0x2  }
0x3e: {  	s31 =	sshll.u32 s1, $0xD;
	s1 =	sshrl.u32 s1, $0x2  }
0x3f: {  	s4 =	sand.u32 $0x4000, s31;
	s1 =	sadd.s32 s1, s30  }
0x40: {  	s0 =	sor.u32 s4, s0;
	s1 =	sshll.u32 s1, $0x11  }
0x41: {  	s0 =	sor.u32 s1, s0  }
0x42: {  	s0 =	sadd.s32 $0x8F2B, s0  }
0x43: {  	[sflag:s0] =	ssyncadd.remote.s32 $0x1  }
0x44: {  	_ =	sfence.sel $0xFFFF  }
0x45: {  	[dreg:$0x0] =	wrdreg $0xFFFFFFFF;
	(pc) =	sbr.abs _section_cstart, $3  }
0x46: {  	[dreg:$0x1] =	wrdreg $0xFFFFFFFF  }
0x47: {  	_ =	task.clear_ibuf [dreg:s23], $0x2FFFF;
	_ =	strace $0x9FFFFFFF  }
0x48: {  	(tm) =	ssettm $0x7FFFFFFF  }
0x49: {  	_ =	shalt  }
tec
execute0_lowered:
.L_overlay_start_1:
0x0: {  	(tag) =	ssettag $0x1  }
0x1: {  	s0 =	srdreg.scid  }
0x2: {  	s4 =	rddreg [dreg:$0x0];
	s1 =	stileid.u32  }
0x3: {  	s5 =	simm.s32 $0x1;
	s7 =	simm.s32 $0x2;
	s0 =	sshll.u32 s0, $0x4  }
0x4: {  	s11 =	simm.s32 $0x0;
	p0 =	por $0x0, $0x0;
	s2 =	sand.u32 $0x10, s0  }
.Ltmp0:
0x5: {  	s8 =	simm.s32 $0x7A1400;
	s3 =	sor.u32 s1, s2;
	(pc) =	sbr.rel .LBB1_1-.Ltmp0, $4  }
0x6: {  	s10 =	simm.s32 $0x0;
	s0 =	rddreg [dreg:$0x1];
	s3 =	sshll.u32 s3, $0x7  }
0x7: {  	_ =	strace $0x80000050;
	s2 =	sadd.s32 $0xCD0000, s4;
	s6 =	ssub.s32 $0xF4200, s3  }
0x8: {  	s4 =	sadd.s32 $0x1BE00, s4;
	[sflag:s5] =	ssyncpa.u1 $0x0;
	s6 =	sshrl.u32 s6, $0xC  }
0x9: {  	[sflag:s7] =	ssyncpa.u1 $0x0;
	s9 =	smov.u32 s3;
	s7 =	sadd.s32 $0x2, s6  }
.LBB1_5:
0xa: {  	s13 =	sadd.s32 $0x1000, s9  }
0xb: {  	p2 =	sgt.s32 s13, $0xF423F  }
0xc: {  	s13 =	smov.u32 @p2 s3;
	p2 =	sne.s32 s10, s7  }
.Ltmp1:
0xd: {  	p1 =	slt.u32 s10, $0x2;
	(pc) =	sbr.rel @!p2 .LBB1_6-.Ltmp1, $4  }
0xe: {  	s12 =	simm.s32 @!p1 $0x2  }
0xf: {  	s14 =	sadd.s32 $0x1, s10;
	_ =	swait.ge @!p1 [sflag:s12], $0x800  }
0x10: {  	s11 =	smov.u32 s9;
	p0 =	por !p0, !p0;
	[sflag:s12] =	ssyncset.done @!p1 $0x0  }
0x11: {  	s10 =	smov.u32 s14;
	s9 =	smov.u32 s13;
	[sflag:s12] =	ssyncadd.s32 @!p1 $0xFFFFF800  }
.LBB1_1:
0x12: {  	p1 =	sgt.u32 s10, s6  }
0x13: {  	s13 =	smov.u32 s9;
	p2 =	sgt.s32 @!p1 s9, $0xF41C0  }
0x14: {  	s12 =	sand.u32 @!p1 $0x1FFFFFF, s9;
	s14 =	sshra.s32 @!p1 s9, $0x1F;
	p2 =	por !p2, p1  }
0x15: {  	s15 =	smulhi.u32 @!p1 $0x218DEF5, s12;
	s14 =	sand.u32 @!p1 s14, s9;
	s13 =	simm.s32 @p2 $0xF41C0  }
0x16: {  	s13 =	ssub.s32 @!p1 s13, s14  }
0x17: {  	s14 =	sshrl.u32 @!p1 s15, $0xD;
	s13 =	sadd.s32 @!p1 $0xFFF0BE40, s13  }
0x18: {  	s15 =	sxor.u32 @!p1 $0xFFFFFFFF, s10;
	s14 =	smul.u32 @!p1 $0xF4240, s14;
	s16 =	sshll.u32 @!p1 s13, $0x6  }
0x19: {  	s15 =	sshll.u32 @!p1 s15, $0xB;
	p2 =	sgt.s32 @!p1 s13, $0x7F;
	s13 =	ssub.s32 @!p1 $0x2000, s16  }
0x1a: {  	s12 =	ssub.s32 @!p1 s12, s14;
	p2 =	por !p2, p1;
	s14 =	sand.u32 @!p1 $0x800, s15  }
0x1b: {  	s15 =	simm.s32 @!p1 $0x10;
	s13 =	sshrl.u32 @!p1 s13, $0x2;
	s12 =	sshll.u32 @!p1 s12, $0x4  }
0x1c: {  	s16 =	simm.s32 @!p1 $0x80;
	s13 =	simm.s32 @!p2 $0x0;
	s12 =	sadd.s32 @!p1 s2, s12  }
0x1d: {  	[tilespmem:s14], [sflag:$0x1] =	stream.strided.gather @!p1 [hbm4b:s12+s15], s13, s16, s15, $0x38;
	[tilespmem:$0x2020] =	vst v63  }
0x1e: {  	p1 =	seq.s32 s10, $0x0  }
0x1f: {  	p2 =	sge.u32 @!p1 s10, s7  }
0x20: {  	p1 =	por p1, p2  }
.Ltmp2:
0x21: {  	_ = 	snop;
	(pc) =	sbr.rel @p1 .LBB1_5-.Ltmp2, $1  }
0x22: {  	_ =	sdelay $0x3  }
0x23: {  	p1 =	sgt.s32 s11, $0xF41C0;
	s12 =	smov.u32 s11;
	s13 =	sshra.s32 s11, $0x1F  }
0x24: {  	s12 =	simm.s32 @!p1 $0xF41C0;
	s13 =	sand.u32 s13, s11  }
0x25: {  	s12 =	ssub.s32 s12, s13  }
0x26: {  	s12 =	sadd.s32 $0xFFF0BE40, s12  }
0x27: {  	s29 =	sshll.u32 s12, $0x6  }
0x28: {  	s13 =	ssub.s32 $0x2000, s29  }
0x29: {  	p1 =	sgt.s32 s12, $0x7F;
	s12 =	sshrl.u32 s13, $0x2  }
0x2a: {  	s13 =	simm.s32 $0x1;
	s12 =	simm.s32 @p1 $0x0  }
0x2b: {  	s13 =	simm.s32 @!p0 $0x0;
	_ =	swait.ge [sflag:s5], s12  }
0x2c: {  	s14 =	sshll.u32 s13, $0xB;
	s12 =	ssub.s32 $0x0, s12;
	[sflag:s5] =	ssyncset.done $0x0  }
0x2d: {  	s15 =	sor.u32 $0x40, s14;
	[sflag:s5] =	ssyncadd.s32 s12  }
0x2e: {  	v1 =	vld [tilespmem:s15+$0x30]  }
0x2f: {  	s30 =	smul.u32 $0x2040, s13;
	v4 =	vld [tilespmem:s15+$0xFFFFFFD0]  }
0x30: {  	v5 =	vld [tilespmem:s15+$0xFFFFFFE0]  }
0x31: {  	s31 =	sand.u32 $0x1, s10;
	s12 =	sshrl.u32 s30, $0x2;
	v2 =	vld [tilespmem:s15+$0xFFFFFFF0]  }
0x32: {  	s13 =	smul.u32 $0x2040, s31;
	s12 =	sor.u32 $0x1007, s12;
	v3 =	vld [tilespmem:s15+$0x0]  }
0x33: {  	v0 =	vld [tilespmem:s15+$0x10];
	[tilespmem:s12+$0x0 ss:$0x81] =	vst.msk $0xffff, v1  }
0x34: {  	s13 =	sshrl.u32 s13, $0x2;
	[tilespmem:s12+$0xFFFFFFFA ss:$0x81] =	vst.msk $0xffff, v4;
	v4 =	vld [tilespmem:s15+$0x20]  }
0x35: {  	s14 =	simm.s32 $0x0;
	s13 =	sor.u32 $0x1000, s13;
	v1 =	vld [tilespmem:s15+$0xFFFFFFC0];
	[tilespmem:s12+$0xFFFFFFFB ss:$0x81] =	vst.msk $0xffff, v5;
	s15 =	sadd.s32 $0x80, s15  }
.LBB1_3:
0x36: {  	v5 =	vld [tilespmem:s15+$0x30];
	s14 =	sadd.s32 $0x8, s14;
	[tilespmem:s12+$0xFFFFFFFC ss:$0x81] =	vst.msk $0xffff, v2  }
0x37: {  	v6 =	vld [tilespmem:s15+$0xFFFFFFD0];
	p1 =	slt.u32 s14, $0x78;
	[tilespmem:s12+$0xFFFFFFFD ss:$0x81] =	vst.msk $0xffff, v3  }
0x38: {  	v7 =	vld [tilespmem:s15+$0xFFFFFFE0];
	[tilespmem:s12+$0xFFFFFFFE ss:$0x81] =	vst.msk $0xffff, v0  }
.Ltmp3:
0x39: {  	v2 =	vld [tilespmem:s15+$0xFFFFFFF0];
	[tilespmem:s12+$0xFFFFFFFF ss:$0x81] =	vst.msk $0xffff, v4;
	(pc) =	sbr.rel @p1 .LBB1_3-.Ltmp3, $4  }
0x3a: {  	v3 =	vld [tilespmem:s15+$0x0];
	[tilespmem:s12+$0xFFFFFFF9 ss:$0x81] =	vst.msk $0xffff, v1;
	s12 =	sadd.s32 $0x8, s12  }
0x3b: {  	v0 =	vld [tilespmem:s15+$0x10];
	[tilespmem:s12+$0x0 ss:$0x81] =	vst.msk $0xffff, v5  }
0x3c: {  	[tilespmem:s12+$0xFFFFFFFA ss:$0x81] =	vst.msk $0xffff, v6;
	v4 =	vld [tilespmem:s15+$0x20]  }
0x3d: {  	v1 =	vld [tilespmem:s15+$0xFFFFFFC0];
	[tilespmem:s12+$0xFFFFFFFB ss:$0x81] =	vst.msk $0xffff, v7;
	s15 =	sadd.s32 $0x80, s15  }
0x3e: {  	s14 =	sshll.u32 s11, $0x3  }
0x3f: {  	s30 =	sand.u32 $0x7F, s11;
	s14 =	sand.u32 $0xFFFFFC00, s14  }
0x40: {  	s11 =	sor.u32 s30, s14  }
0x41: {  	s15 =	smulhi.u32 $0x218D6287, s11;
	_ =	sdelay $0x1  }
0x42: {  	s14 =	smulhi.u32 $0x218D6287, s14;
	s15 =	sshrl.u32 s15, $0x11  }
0x43: {  	s15 =	smul.u32 $0xF4280, s15  }
0x44: {  	[tilespmem:s12+$0xFFFFFFFC ss:$0x81] =	vst.msk $0xffff, v2;
	s14 =	sshrl.u32 s14, $0x11  }
.Ltmp4:
0x45: {  	[tilespmem:s12+$0xFFFFFFFD ss:$0x81] =	vst.msk $0xffff, v3;
	s14 =	sand.u32 $0xF, s14;
	s11 =	ssub.s32 s11, s15;
	(pc) =	sbr.rel .LBB1_5-.Ltmp4, $4  }
0x46: {  	[tilespmem:s12+$0xFFFFFFFE ss:$0x81] =	vst.msk $0xffff, v0;
	s14 =	smul.u32 $0x1E850, s14;
	s15 =	sshrl.u32 s11, $0x3;
	s11 =	sand.u32 $0x7, s11  }
0x47: {  	[tilespmem:s12+$0xFFFFFFFF ss:$0x81] =	vst.msk $0xffff, v4;
	s15 =	sadd.s32 s4, s15;
	s11 =	sshll.u32 s11, $0x12  }
0x48: {  	[tilespmem:s12+$0xFFFFFFF9 ss:$0x81] =	vst.msk $0xffff, v1;
	s31 =	sadd.s32 s14, s15;
	s11 =	sor.u32 $0x400, s11  }
0x49: {  	[hbm4b:s31+s11] =	stream.strided.scatter [tilespmem:s13], [sflag:$0x2], $0x800, s8, s11, $0x20;
	[tilespmem:$0x2020] =	vst v63  }
.LBB1_6:
0x4a: {  	_ =	sfence.sel $0x180000  }
0x4b: {  	s2 =	simm.s32 $0x1;
	[bflag:$0x0] =	sbarrier.arrive $0xFFFF  }
0x4c: {  	s31 =	simm.s32 $0x2;
	[sflag:s2] =	ssyncpa.u1 $0x1  }
0x4d: {  	[sflag:s31] =	ssyncpa.u1 $0x1  }
0x4e: {  	p0 =	sne.s32 s1, $0x0;
	_ =	strace $0x90000050  }
0x4f: {  	s0 =	sadd.s32 @!p0 $0x100000, s0;
	[bflag:$0x2] =	sbarrier.arrive $0xFFFF  }
0x50: {  	[sflag:s0] =	ssyncadd.tile.s32 @!p0 $0x1;
	_ =	shalt  }
.Lfunc_end1:
_tile_overlayer_lowered:
.L_overlay_start_2:
0x51: {  	(tag) =	ssettag $0x2  }
0x52: {  	s0 =	rddreg [dreg:$0x0];
	s2 =	stileid.u32  }
0x53: {  	s1 =	rddreg [dreg:$0x1];
	p0 =	sne.s32 s2, $0x0  }
0x54: {  	s3 =	rddreg [dreg:$0x2];
	[bflag:$0x3] =	sbarrier.arrive $0xFFFF;
	s2 =	simm.s32 @!p0 $0x1C01  }
0x55: {  	[timem:s3], [sflag:s2] =	dma.local @!p0 [hbm:s0], s1  }
0x56: {  	s0 =	simm.s32 @!p0 $0x1  }
0x57: {  	_ =	swait.ge @!p0 [sflag:s0], s1  }
0x58: {  	s1 =	ssub.s32 @!p0 $0x0, s1;
	[sflag:s0] =	ssyncset.done @!p0 $0x0  }
0x59: {  	[sflag:s0] =	ssyncadd.s32 @!p0 s1  }
0x5a: {  	[bflag:$0x3] =	sbarrier.arrive $0xFFFF  }
0x5b: {  	_ =	shalt  }

// kernel: sparse-core-data-format-call.cloned.1.call-start
scs
called_computation.2_lowered:
.L_overlay_start_0:
0x0: {  	s2 =	sld [smem:$0x3FD9]  }
0x1: {  	s3 =	sld [smem:$0x3FFE];
	_ =	sdelay $0x1  }
0x2: {  	s1 =	srdreg.scid  }
0x3: {  	s0 =	sand.u32 $0x1, s1  }
0x4: {  	s18 =	sshll.u32 s0, $0xA;
	s2 =	sadd.s32 s3, s2  }
0x5: {  	s2 =	sadd.s32 s2, s18  }
0x6: {  	[smem:$0x3FC3] =	sst s2  }
0x7: {  	_ = 	snop  }
0x8: {  	s2 =	sld [smem:$0x3FD0];
	(tm) =	ssettm $0x1  }
0x9: {  	s19 =	sld [smem:$0x3FFB];
	_ =	sdelay $0x3  }
0xa: {  	_ =	strace s19  }
0xb: {  	s3 =	sld [smem:$0x3FFC];
	_ =	sdelay $0x3  }
0xc: {  	_ =	strace s3  }
0xd: {  	s3 =	sld [smem:$0x3FFD];
	_ =	sdelay $0x3  }
0xe: {  	_ =	strace s3  }
0xf: {  	_ =	strace $0x8FFFFFFF  }
0x10: {  	s20 =	sld [smem:$0x3FDB];
	_ =	sdelay $0x1  }
0x11: {  	s4 =	simm.s32 $_scs_section_size  }
0x12: {  	s5 =	simm.s32 $_size__tile_overlayer_lowered;
	s6 =	simm.s32 $_tile_overlayer_lowered  }
0x13: {  	s23 =	simm.s32 $0x1BFF;
	s22 =	sshll.u32 s6, $0x1;
	s3 =	sadd.s32 s4, s20  }
0x14: {  	s7 =	simm.s32 $0x0;
	s21 =	sshll.u32 s5, $0x1;
	s5 =	sadd.s32 s22, s3  }
0x15: {  	[timem:s7], [sflag:s23] =	dma.local [hbm:s5], s21  }
0x16: {  	_ =	swait.ge [sflag:s23], s21  }
0x17: {  	s4 =	ssub.s32 $0x0, s21;
	[sflag:s23] =	ssyncset.done $0x0  }
0x18: {  	[sflag:s23] =	ssyncadd.s32 s4;
	_ =	sdelay $0x1  }
0x19: {  	s24 =	simm.s32 $0x1B8B  }
0x1a: {  	_ =	swait.ge [sflag:s24], $0x1  }
0x1b: {  	[sflag:s24] =	ssyncset.done $0x0  }
0x1c: {  	s26 =	simm.s32 $0x1B8E;
	s25 =	sld [smem:$0x3FFE];
	[sflag:s24] =	ssyncadd.s32 $0xFFFFFFFF  }
0x1d: {  	s27 =	simm.s32 $execute0_lowered;
	[smem:$0x3FD2] =	sst s26  }
0x1e: {  	s5 =	sshll.u32 s27, $0x1;
	_ =	strace $0x8000005B;
	[dreg:$0x1] =	wrdreg $0xFFFFFFFF  }
0x1f: {  	s28 =	simm.s32 $_size_execute0_lowered;
	s3 =	sadd.s32 s3, s5;
	[dreg:$0x0] =	wrdreg $0x0  }
0x20: {  	s5 =	sshll.u32 s28, $0x1;
	[dreg:$0x2] =	wrdreg s3  }
0x21: {  	[dreg:$0x3] =	wrdreg s5  }
0x22: {  	[dreg:$0x4] =	wrdreg $0xC0  }
0x23: {  	_ =	task [dreg:s7], $0x5FFFF  }
0x24: {  	[dreg:$0x1] =	wrdreg $0xFFFFFFFF  }
0x25: {  	[dreg:$0x0] =	wrdreg $0x60  }
0x26: {  	[dreg:$0x2] =	wrdreg s25  }
0x27: {  	[dreg:$0x3] =	wrdreg s2  }
0x28: {  	[dreg:$0x4] =	wrdreg $0x9  }
0x29: {  	_ =	task.clear_ibuf [dreg:s7], $0x5FFFF;
	_ =	strace $0x9000005B  }
0x2a: {  	s29 =	simm.s32 $0x9;
	_ =	strace $0x8000005D  }
0x2b: {  	_ =	swait.ge [sflag:s29], $0x1  }
0x2c: {  	[sflag:s29] =	ssyncadd.s32 $0xFFFFFFFF  }
0x2d: {  	_ =	strace $0x9000005D  }
0x2e: {  	_ =	sfence  }
0x2f: {  	s30 =	sld [smem:$0x0];
	_ =	sdelay $0x2  }
0x30: {  	s31 =	sshll.u32 s1, $0xD;
	s1 =	sshrl.u32 s1, $0x2  }
0x31: {  	s3 =	sand.u32 $0x4000, s31;
	s1 =	sadd.s32 s1, s30  }
0x32: {  	s0 =	sor.u32 s3, s0;
	s1 =	sshll.u32 s1, $0x11  }
0x33: {  	s0 =	sor.u32 s1, s0  }
0x34: {  	s0 =	sadd.s32 $0x8F2B, s0  }
0x35: {  	[sflag:s0] =	ssyncadd.remote.s32 $0x1  }
0x36: {  	_ =	sfence.sel $0xFFFF  }
0x37: {  	[dreg:$0x0] =	wrdreg $0xFFFFFFFF;
	(pc) =	sbr.abs _section_cstart, $3  }
0x38: {  	[dreg:$0x1] =	wrdreg $0xFFFFFFFF  }
0x39: {  	_ =	task.clear_ibuf [dreg:s7], $0x2FFFF;
	_ =	strace $0x9FFFFFFF  }
0x3a: {  	(tm) =	ssettm $0x7FFFFFFF  }
0x3b: {  	_ =	shalt  }
tec
execute0_lowered:
.L_overlay_start_1:
0x0: {  	(tag) =	ssettag $0x1  }
0x1: {  	s0 =	srdreg.scid  }
0x2: {  	s1 =	sshll.u32 s0, $0x4  }
0x3: {  	s0 =	stileid.u32;
	s1 =	sand.u32 $0x10, s1  }
0x4: {  	s1 =	sor.u32 s0, s1  }
0x5: {  	s6 =	rddreg [dreg:$0x0];
	s4 =	simm.s32 $0x1;
	s2 =	sshll.u32 s1, $0x7  }
0x6: {  	s7 =	simm.s32 $0x2;
	s12 =	simm.s32 $0x0;
	s1 =	ssub.s32 $0x1000, s2  }
0x7: {  	s8 =	simm.s32 $0x8000;
	s13 =	simm.s32 $0x0;
	s3 =	sand.u32 $0xF80, s1  }
0x8: {  	s9 =	simm.s32 $0x0;
	s5 =	sshrl.u32 s1, $0xC;
	p0 =	sne.s32 s3, $0x0  }
.Ltmp0:
0x9: {  	s1 =	rddreg [dreg:$0x2];
	s4 =	simm.s32 @!p0 $0x0;
	(pc) =	sbr.rel .LBB1_1-.Ltmp0, $4  }
0xa: {  	s11 =	simm.s32 $0x0;
	s3 =	rddreg [dreg:$0x1];
	s5 =	sadd.s32 s4, s5  }
0xb: {  	_ =	strace $0x8000005C;
	s4 =	simm.s32 $0x1;
	s5 =	smul.u32 $0xC8, s5  }
0xc: {  	s6 =	sadd.s32 $0x2E00, s6;
	s10 =	smov.u32 s2;
	[sflag:s4] =	ssyncpa.u1 $0x0  }
0xd: {  	p0 =	por $0x0, $0x0;
	[sflag:s7] =	ssyncpa.u1 $0x0;
	s7 =	sor.u32 $0x1, s5  }
.LBB1_4:
0xe: {  	s16 =	sshll.u32 s13, $0x3;
	s17 =	sand.u32 $0x78, s13  }
0xf: {  	s30 =	sand.u32 $0x1E00, s13;
	s12 =	sshll.u32 s12, $0xD;
	s16 =	sand.u32 $0xC00, s16  }
0x10: {  	s31 =	sand.u32 $0x7, s13;
	s16 =	sor.u32 s17, s16;
	s17 =	sadd.s32 s3, s30  }
0x11: {  	s13 =	sshll.u32 s31, $0x12;
	s16 =	sshrl.u32 s16, $0x3;
	s12 =	sadd.s32 s12, s17  }
0x12: {  	[tilespmem:s15+$0x0 ss:$0x81] =	vst.msk $0xffff, v1;
	s13 =	sor.u32 $0x400, s13;
	s12 =	sadd.s32 s16, s12  }
0x13: {  	[hbm4b:s12+s13] =	stream.strided.scatter [tilespmem:s14], [sflag:$0x2], $0x800, s8, s13, $0x20;
	[tilespmem:$0x2020] =	vst v63  }
.LBB1_5:
0x14: {  	s14 =	sadd.s32 $0x1, s9  }
0x15: {  	s12 =	sadd.s32 $0x1000, s10;
	s16 =	smov.u32 s10;
	p2 =	sgt.s32 s14, $0xC7  }
0x16: {  	s16 =	smov.u32 @p2 s12  }
0x17: {  	s14 =	simm.s32 @p2 $0x0;
	p2 =	sgt.s32 s16, $0xFFF  }
0x18: {  	s16 =	smov.u32 @p2 s2;
	p2 =	sne.s32 s11, s7  }
.Ltmp1:
0x19: {  	p1 =	slt.u32 s11, $0x2;
	(pc) =	sbr.rel @!p2 .LBB1_6-.Ltmp1, $4  }
0x1a: {  	s15 =	simm.s32 @!p1 $0x2  }
0x1b: {  	s13 =	smov.u32 s10;
	p0 =	por !p0, !p0;
	_ =	swait.ge @!p1 [sflag:s15], $0x800  }
0x1c: {  	s12 =	smov.u32 s9;
	[sflag:s15] =	ssyncset.done @!p1 $0x0;
	s9 =	smov.u32 s14  }
0x1d: {  	s11 =	sadd.s32 $0x1, s11;
	[sflag:s15] =	ssyncadd.s32 @!p1 $0xFFFFF800;
	s10 =	smov.u32 s16  }
.LBB1_1:
0x1e: {  	p1 =	sge.u32 s11, s5  }
0x1f: {  	s14 =	sand.u32 @!p1 $0x1FFFFFF, s9  }
0x20: {  	s15 =	smulhi.u32 @!p1 $0x147AE15, s14;
	_ =	sdelay $0x1  }
0x21: {  	s15 =	smul.u32 @!p1 $0xC8, s15  }
0x22: {  	s16 =	sxor.u32 @!p1 $0xFFFFFFFF, s11;
	s17 =	smul.u32 @!p1 $0xC80, s10  }
0x23: {  	s31 =	sadd.s32 $0xFFFFFFFF, s11;
	s16 =	sshll.u32 @!p1 s16, $0xB;
	s14 =	ssub.s32 @!p1 s14, s15  }
0x24: {  	s15 =	sand.u32 @!p1 $0x800, s16;
	s16 =	sadd.s32 @!p1 s6, s17;
	s14 =	sshll.u32 @!p1 s14, $0x4  }
0x25: {  	s17 =	simm.s32 @!p1 $0x6400;
	s14 =	sadd.s32 @!p1 s14, s16;
	s16 =	simm.s32 @!p1 $0x10  }
0x26: {  	[tilespmem:s15], [sflag:$0x1] =	stream.strided.gather @!p1 [hbm4b:s14+s16], $0x800, s17, s16, $0x38;
	[tilespmem:$0x2020] =	vst v63  }
0x27: {  	p1 =	sge.u32 s31, s5  }
.Ltmp2:
0x28: {  	_ = 	snop;
	(pc) =	sbr.rel @p1 .LBB1_5-.Ltmp2, $1  }
0x29: {  	_ =	sdelay $0x3  }
0x2a: {  	s14 =	simm.s32 $0x1  }
0x2b: {  	s14 =	simm.s32 @!p0 $0x0  }
0x2c: {  	s15 =	sshll.u32 s14, $0xB  }
0x2d: {  	v0 =	vmov s15;
	_ =	sdelay $0x1  }
0x2e: {  	_ =	swait.ge [sflag:s4], $0x800  }
0x2f: {  	s31 =	sand.u32 $0x1, s11;
	[sflag:s4] =	ssyncset.done $0x0  }
0x30: {  	s17 =	simm.s32 $0x0;
	s14 =	smul.u32 $0x2040, s14;
	[sflag:s4] =	ssyncadd.s32 $0xFFFFF800  }
0x31: {  	s15 =	smul.u32 $0x2040, s31;
	v1 =	vld.idx.msk [tilespmem:v0+s17+$0x0 ss:$0x1], $0xffff;
	_ =	sdelay $0x1  }
0x32: {  	s14 =	sshrl.u32 s14, $0x2;
	s16 =	sshrl.u32 s15, $0x2  }
0x33: {  	s15 =	sor.u32 $0x1000, s14;
	s14 =	sor.u32 $0x1000, s16;
	s16 =	simm.s32 $0x40  }
.LBB1_3:
0x34: {  	s17 =	sshra.s32 s16, $0x2;
	p1 =	sne.s32 s16, $0x1FC0;
	s16 =	sadd.s32 $0x40, s16  }
.Ltmp3:
0x35: {  	[tilespmem:s15+$0x0 ss:$0x81] =	vst.msk $0xffff, v1;
	v1 =	vld.idx.msk [tilespmem:v0+s17+$0x0 ss:$0x1], $0xffff;
	(pc) =	sbr.rel @p1 .LBB1_3-.Ltmp3, $2  }
0x36: {  	_ =	sdelay $0x2  }
0x37: {  	s15 =	sadd.s32 $0x1, s15  }
.Ltmp4:
0x38: {  	_ = 	snop;
	(pc) =	sbr.rel .LBB1_4-.Ltmp4, $1  }
0x39: {  	_ =	sdelay $0x3  }
.LBB1_6:
0x3a: {  	_ =	sfence.sel $0x180000  }
0x3b: {  	s2 =	simm.s32 $0x1;
	[bflag:$0x0] =	sbarrier.arrive $0xFFFF  }
0x3c: {  	s31 =	simm.s32 $0x2;
	[sflag:s2] =	ssyncpa.u1 $0x1  }
0x3d: {  	[sflag:s31] =	ssyncpa.u1 $0x1  }
0x3e: {  	p0 =	sne.s32 s0, $0x0;
	_ =	strace $0x9000005C  }
0x3f: {  	s0 =	sadd.s32 @!p0 $0x100000, s1;
	[bflag:$0x2] =	sbarrier.arrive $0xFFFF  }
0x40: {  	[sflag:s0] =	ssyncadd.tile.s32 @!p0 $0x1;
	_ =	shalt  }
.Lfunc_end1:
_tile_overlayer_lowered:
.L_overlay_start_2:
0x41: {  	(tag) =	ssettag $0x2  }
0x42: {  	s0 =	rddreg [dreg:$0x0];
	s2 =	stileid.u32  }
0x43: {  	s1 =	rddreg [dreg:$0x1];
	p0 =	sne.s32 s2, $0x0  }
0x44: {  	s3 =	rddreg [dreg:$0x2];
	[bflag:$0x3] =	sbarrier.arrive $0xFFFF;
	s2 =	simm.s32 @!p0 $0x1C01  }
0x45: {  	[timem:s3], [sflag:s2] =	dma.local @!p0 [hbm:s0], s1  }
0x46: {  	s0 =	simm.s32 @!p0 $0x1  }
0x47: {  	_ =	swait.ge @!p0 [sflag:s0], s1  }
0x48: {  	s1 =	ssub.s32 @!p0 $0x0, s1;
	[sflag:s0] =	ssyncset.done @!p0 $0x0  }
0x49: {  	[sflag:s0] =	ssyncadd.s32 @!p0 s1  }
0x4a: {  	[bflag:$0x3] =	sbarrier.arrive $0xFFFF  }
0x4b: {  	_ =	shalt  }

</sc_bundles>
